<compile_context>
chip_gen: v7x
topology: tpu7x:2x2x1
jax: 0.10.2.dev20260603
libtpu: 0.0.44.dev20260713+nightly
codegen_flags: <defaults>
</compile_context>

<pallas_src>
import functools

import numpy as np

import jax
import jax.numpy as jnp
from jax import lax
from jax.experimental import pallas as pl
from jax.experimental.pallas import tpu as pltpu
from jax.experimental.pallas import tpu_sc as plsc

_N = 10000
_E = 160000
_D = 256
_H = 8
_DH = 32
_EPS = 1e-12

_C = 32
_NS = 16
_NC = 2
_CHUNKS = _E // _C
_BASE_K = _CHUNKS // _NS
_EXTRA_TILES = _CHUNKS % _NS
_NP = 10240
_RPT = _NP // _NS
_CW = 144


_SB = 16
_CP = 5008
_NSB = (_BASE_K + 1 + _SB - 1) // _SB


def _sc_edge(src3, dst3, dstl3, qst, kst, vst, acc_hbm,
             sidxb, gdidxb, didxb, krows, qrows, vrows, srow,
             gsem, ssem, acc_sh):
    c = lax.axis_index("c")
    s = lax.axis_index("s")
    iota16 = lax.iota(jnp.int32, 16)
    zero16 = jnp.zeros((16,), jnp.float32)

    @pl.loop(0, _C)
    def _zero(i):
        for j in range(_CW // 16):
            srow[i, pl.ds(j * 16, 16)] = zero16

    rowbase = s * _RPT
    for t in range(_RPT // _C):
        pltpu.sync_copy(srow, acc_sh.at[pl.ds(rowbase + t * _C, _C)])
    plsc.subcore_barrier()

    sb0 = s * _BASE_K + jnp.minimum(s, _EXTRA_TILES)
    nk = jnp.where(s < _EXTRA_TILES, _BASE_K + 1, _BASE_K)

    def _issue(j, bb):
        off = bb * _C
        pltpu.async_copy(kst.at[sidxb.at[j]], krows.at[pl.ds(off, _C)],
                         gsem.at[bb])
        pltpu.async_copy(qst.at[gdidxb.at[j]], qrows.at[pl.ds(off, _C)],
                         gsem.at[bb])
        pltpu.async_copy(vst.at[sidxb.at[j]], vrows.at[pl.ds(off, _C)],
                         gsem.at[bb])

    def _drain_g(bb):
        off = bb * _C
        dummy = kst.at[pl.ds(0, _C)]
        pltpu.make_async_copy(dummy, krows.at[pl.ds(off, _C)], gsem.at[bb]).wait()
        pltpu.make_async_copy(dummy, qrows.at[pl.ds(off, _C)], gsem.at[bb]).wait()
        pltpu.make_async_copy(dummy, vrows.at[pl.ds(off, _C)], gsem.at[bb]).wait()

    def _drain_s():
        pltpu.make_async_copy(acc_hbm.at[pl.ds(0, _C)], srow, ssem).wait()

    @pl.loop(0, _NSB)
    def _sblock(t):
        @pl.when(t > 0)
        def _():
            _drain_s()
        base = sb0 + t * _SB
        pltpu.sync_copy(src3.at[c, pl.ds(base, _SB)], sidxb)
        pltpu.sync_copy(dst3.at[c, pl.ds(base, _SB)], gdidxb)
        pltpu.sync_copy(dstl3.at[pl.ds(base, _SB)], didxb)
        jmax = jnp.minimum(_SB, nk - t * _SB)
        _issue(0, 0)

        @pl.loop(0, jmax)
        def _chunk(j):
            bb = j & 1

            @pl.when(j + 1 < jmax)
            def _():
                _issue(j + 1, 1 - bb)

            _drain_g(bb)

            @pl.when(j > 0)
            def _():
                _drain_s()

            eoff = bb * _C

            @pl.loop(0, _C // 16)
            def _grp(g):
                e16l = g * 16 + iota16
                e16 = eoff + e16l

                @pl.loop(0, _H // _NC)
                def _head(h):
                    hbase = h * _DH
                    acc = zero16
                    for d in range(_DH):
                        col = jnp.full((16,), hbase + d, jnp.int32)
                        kk = plsc.load_gather(krows, [e16, col])
                        qq = plsc.load_gather(qrows, [e16, col])
                        acc = acc + kk * qq
                    ex = jnp.exp(acc)
                    plsc.store_scatter(
                        srow, [e16l, jnp.full((16,), 128 + h, jnp.int32)], ex)
                    for d in range(_DH):
                        col = jnp.full((16,), hbase + d, jnp.int32)
                        vv = plsc.load_gather(vrows, [e16, col])
                        plsc.store_scatter(srow, [e16l, col], vv * ex)

            pltpu.async_copy(srow, acc_sh.at[didxb.at[j]], ssem, add=True)

    _drain_s()
    plsc.subcore_barrier()

    @pl.loop(0, _RPT // _C)
    def _dump(t):
        rb = s * _RPT + t * _C
        ob = c * _NP + rb
        pltpu.sync_copy(acc_sh.at[pl.ds(rb, _C)], srow)
        pltpu.sync_copy(srow, acc_hbm.at[pl.ds(ob, _C)])


@functools.cache
def _make_edge_call():
  return pl.kernel(
    _sc_edge,
    out_type=jax.ShapeDtypeStruct((_NC * _NP, _CW), jnp.float32),
    mesh=plsc.VectorSubcoreMesh(core_axis_name="c", subcore_axis_name="s",
                                num_cores=_NC, num_subcores=_NS),
    compiler_params=pltpu.CompilerParams(needs_layout_passes=False,
                                         use_tc_tiling_on_sc=False),
    scratch_types=[
        pltpu.VMEM((_SB, _C), jnp.int32),
        pltpu.VMEM((_SB, _C), jnp.int32),
        pltpu.VMEM((_SB, _C), jnp.int32),
        pltpu.VMEM((2 * _C, 128), jnp.float32),
        pltpu.VMEM((2 * _C, 128), jnp.float32),
        pltpu.VMEM((2 * _C, 128), jnp.float32),
        pltpu.VMEM((_C, _CW), jnp.float32),
        pltpu.SemaphoreType.DMA((2,)),
        pltpu.SemaphoreType.DMA,
        pltpu.VMEM_SHARED((_NP, _CW), jnp.float32),
    ],
  )

_BROW = 400


def _proj_body(x_ref, w_ref, b_ref, q_ref, k_ref, v_ref):
    y = jnp.dot(x_ref[...], w_ref[...],
                preferred_element_type=jnp.float32) + b_ref[...]
    q_ref[0] = y[:, 0:128]
    q_ref[1] = y[:, 128:256]
    k_ref[0] = y[:, 256:384]
    k_ref[1] = y[:, 384:512]
    v_ref[0] = y[:, 512:640]
    v_ref[1] = y[:, 640:768]


_proj_call = pl.pallas_call(
    _proj_body,
    grid=(_N // _BROW,),
    in_specs=[
        pl.BlockSpec((_BROW, _D), lambda i: (i, 0)),
        pl.BlockSpec((_D, 3 * _D), lambda i: (0, 0)),
        pl.BlockSpec((1, 3 * _D), lambda i: (0, 0)),
    ],
    out_specs=[
        pl.BlockSpec((_NC, _BROW, 128), lambda i: (0, i, 0)),
        pl.BlockSpec((_NC, _BROW, 128), lambda i: (0, i, 0)),
        pl.BlockSpec((_NC, _BROW, 128), lambda i: (0, i, 0)),
    ],
    out_shape=[jax.ShapeDtypeStruct((_NC, _N, 128), jnp.float32)] * 3,
)


def _out_body(acc_ref, x_ref, wo_ref, bo_ref, g_ref, bt_ref, er_ref, o_ref):
    hh = jnp.concatenate([acc_ref[0][:, 0:128], acc_ref[1][:, 0:128]], axis=1)
    dd = jnp.concatenate([acc_ref[0][:, 128:132], acc_ref[1][:, 128:132]],
                         axis=1)
    rec = 1.0 / jnp.maximum(dd, 1e-30)
    scale = jnp.dot(rec, er_ref[...], preferred_element_type=jnp.float32)
    h = hh * scale
    out = jnp.dot(h, wo_ref[...], preferred_element_type=jnp.float32)
    out = out + bo_ref[...] + x_ref[...]
    mu = jnp.mean(out, axis=-1, keepdims=True)
    zz = out - mu
    var = jnp.mean(zz * zz, axis=-1, keepdims=True)
    o_ref[...] = zz * lax.rsqrt(var + _EPS) * g_ref[...] + bt_ref[...]


_out_call = pl.pallas_call(
    _out_body,
    grid=(_N // _BROW,),
    in_specs=[
        pl.BlockSpec((_NC, _BROW, _CW), lambda i: (0, i, 0)),
        pl.BlockSpec((_BROW, _D), lambda i: (i, 0)),
        pl.BlockSpec((_D, _D), lambda i: (0, 0)),
        pl.BlockSpec((1, _D), lambda i: (0, 0)),
        pl.BlockSpec((1, _D), lambda i: (0, 0)),
        pl.BlockSpec((1, _D), lambda i: (0, 0)),
        pl.BlockSpec((_H, _D), lambda i: (0, 0)),
    ],
    out_specs=pl.BlockSpec((_BROW, _D), lambda i: (i, 0)),
    out_shape=jax.ShapeDtypeStruct((_N, _D), jnp.float32),
)

_EREP = np.repeat(np.eye(_H, dtype=np.float32), _DH, axis=1)


def kernel(x, edge_index, Wq, bq, Wk, bk, Wv, bv, Wo, bo, gamma, beta):
    src = edge_index[0]
    dst = edge_index[1]
    Wqkv = jnp.concatenate([Wq, Wk, Wv], axis=1)
    bqkv = jnp.concatenate([bq, bk, bv]).reshape(1, 3 * _D)
    qst, kst, vst = _proj_call(x, Wqkv, bqkv)
    pad = jnp.zeros((_CP * _C - _E,), jnp.int32)
    srcp = jnp.concatenate([src, pad]).reshape(_CP, _C)
    dstp = jnp.concatenate([dst, pad]).reshape(_CP, _C)
    src3 = jnp.stack([srcp, srcp + _N])
    dst3 = jnp.stack([dstp, dstp + _N])
    acc = _make_edge_call()(
        src3, dst3, dstp,
        qst.reshape(_NC * _N, 128),
        kst.reshape(_NC * _N, 128),
        vst.reshape(_NC * _N, 128),
    )
    return _out_call(
        acc.reshape(_NC, _NP, _CW),
        x, Wo, bo.reshape(1, _D), gamma.reshape(1, _D), beta.reshape(1, _D),
        _EREP,
    )

# --- scband reference (transcript-rebuilt; emitter-appended) ---
"""Pipeline reference for scband-bert-attention-41549513622120 (READ-ONLY COPY).

The authoritative reference and input builder live on the scoring server;
editing this copy changes nothing except your own understanding.
"""

import jax, jax.numpy as jnp
import numpy as np

N = 10000
E = 160000
D = 256
H = 8
DH = D // H
EPS = 1e-12


def setup_inputs(seed: int = 0) -> dict:
    key = jax.random.key(seed)
    ks = jax.random.split(key, 12)
    x = jax.random.normal(ks[0], (N, D), dtype=jnp.float32)
    edge_index = jax.random.randint(ks[1], (2, E), 0, N, dtype=jnp.int32)
    s = 0.02
    Wq = jax.random.normal(ks[2], (D, D), dtype=jnp.float32) * s
    bq = jnp.zeros((D,), dtype=jnp.float32)
    Wk = jax.random.normal(ks[3], (D, D), dtype=jnp.float32) * s
    bk = jnp.zeros((D,), dtype=jnp.float32)
    Wv = jax.random.normal(ks[4], (D, D), dtype=jnp.float32) * s
    bv = jnp.zeros((D,), dtype=jnp.float32)
    Wo = jax.random.normal(ks[5], (D, D), dtype=jnp.float32) * s
    bo = jnp.zeros((D,), dtype=jnp.float32)
    gamma = jnp.ones((D,), dtype=jnp.float32)
    beta = jnp.zeros((D,), dtype=jnp.float32)
    return {"x": x, "edge_index": edge_index, "Wq": Wq, "bq": bq, "Wk": Wk, "bk": bk,
            "Wv": Wv, "bv": bv, "Wo": Wo, "bo": bo, "gamma": gamma, "beta": beta}


def _layernorm(h, gamma, beta, eps):
    mu = jnp.mean(h, axis=-1, keepdims=True)
    var = jnp.mean((h - mu) ** 2, axis=-1, keepdims=True)
    return (h - mu) / jnp.sqrt(var + eps) * gamma + beta


def reference(x, edge_index, Wq, bq, Wk, bk, Wv, bv, Wo, bo, gamma, beta):
    n = x.shape[0]
    src = edge_index[0]
    dst = edge_index[1]
    Q = (x @ Wq + bq).reshape(n, H, DH)
    K = (x @ Wk + bk).reshape(n, H, DH)
    V = (x @ Wv + bv).reshape(n, H, DH)
    # apply_edges fn.u_mul_v('K','Q') then sum over head dim -> per-edge, per-head score
    scores = jnp.sum(jnp.take(K, src, axis=0) * jnp.take(Q, dst, axis=0), axis=-1)  # [E, H]
    # edge_softmax: softmax over incoming edges of each dst node
    m = jax.ops.segment_max(scores, dst, num_segments=n)  # [N, H]
    m = jnp.where(jnp.isfinite(m), m, 0.0)
    ex = jnp.exp(scores - jnp.take(m, dst, axis=0))
    denom = jax.ops.segment_sum(ex, dst, num_segments=n)  # [N, H]
    probs = ex / jnp.take(denom, dst, axis=0)  # [E, H]
    # u_mul_e('V','attn_probs') then copy_e + sum reduce to dst
    msgs = jnp.take(V, src, axis=0) * probs[:, :, None]  # [E, H, DH]
    h = jax.ops.segment_sum(msgs, dst, num_segments=n).reshape(n, H * DH)
    # BertSelfOutput: dense + residual + LayerNorm (dropout prob 0)
    out = h @ Wo + bo
    out = _layernorm(out + x, gamma, beta, EPS)
    return out

if __name__ == "__main__":
    import jax
    _d = setup_inputs()
    print(jax.jit(kernel)(*tuple(_d.values())))

</pallas_src>

<mosaic_0001>
#map = affine_map<(d0, d1) -> (0, 0, 0)>
#map1 = affine_map<(d0, d1) -> (0, 0)>
module attributes {stable_mosaic.version = 14 : i64} {
  func.func @_sc_edge(%arg0: i32, %arg1: i32, %arg2: memref<2x5008x32xi32, #tpu.memory_space<hbm>>, %arg3: memref<2x5008x32xi32, #tpu.memory_space<hbm>>, %arg4: memref<5008x32xi32, #tpu.memory_space<hbm>>, %arg5: memref<20000x128xf32, #tpu.memory_space<hbm>>, %arg6: memref<20000x128xf32, #tpu.memory_space<hbm>>, %arg7: memref<20000x128xf32, #tpu.memory_space<hbm>>, %arg8: memref<20480x144xf32, #tpu.memory_space<hbm>>, %arg9: memref<16x32xi32, #tpu.memory_space<vmem>>, %arg10: memref<16x32xi32, #tpu.memory_space<vmem>>, %arg11: memref<16x32xi32, #tpu.memory_space<vmem>>, %arg12: memref<64x128xf32, #tpu.memory_space<vmem>>, %arg13: memref<64x128xf32, #tpu.memory_space<vmem>>, %arg14: memref<64x128xf32, #tpu.memory_space<vmem>>, %arg15: memref<32x144xf32, #tpu.memory_space<vmem>>, %arg16: memref<2x!tpu.dma_semaphore, #tpu.memory_space<semaphore_mem>>, %arg17: memref<!tpu.dma_semaphore, #tpu.memory_space<semaphore_mem>>, %arg18: memref<10240x144xf32, #tpu.memory_space<vmem_shared>>) attributes {dimension_semantics = [#tpu.dimension_semantics<core_parallel>, #tpu.dimension_semantics<subcore_parallel>], iteration_bounds = array<i64: 2, 16>, scalar_prefetch = 0 : i64, scratch_operands = 10 : i64, tpu.core_type = #tpu.core_type<sc_vector_subcore>, window_params = [{transform_indices = #map}, {transform_indices = #map}, {transform_indices = #map1}, {transform_indices = #map1}, {transform_indices = #map1}, {transform_indices = #map1}, {transform_indices = #map1}]} {
    %iota3A = tpu.iota {dimensions = array<i32: 0>} : vector<16xi32>
    %broadcast_in_dim3A = arith.constant 0.000000e+00 : f32
    %broadcast_in_dim3A_0 = vector.broadcast %broadcast_in_dim3A : f32 to vector<16xf32>
    %scan3A = arith.constant 0 : i32
    %scan3A_1 = arith.constant 32 : i32
    %scan3A_2 = arith.addi %scan3A, %scan3A_1 : i32
    %scan3A_3 = arith.constant 1 : i32
    scf.for %scan3A_67 = %scan3A to %scan3A_2 step %scan3A_3  : i32 {
      %mul3A_68 = arith.constant 1 : i32
      %mul3A_69 = arith.muli %scan3A_67, %mul3A_68 : i32
      %add3A_70 = arith.constant 0 : i32
      %add3A_71 = arith.addi %add3A_70, %mul3A_69 : i32
      %swap3A = arith.index_cast %add3A_71 : i32 to index
      %swap3A_72 = arith.constant 0 : index
      %swap3A_73 = tpu.vector_load %arg15[%swap3A, %swap3A_72] {strides = array<i32>} : memref<32x144xf32, #tpu.memory_space<vmem>>, vector<16xf32>,
      tpu.vector_store %arg15[%swap3A, %swap3A_72], %broadcast_in_dim3A_0 {strides = array<i32>} : memref<32x144xf32, #tpu.memory_space<vmem>>, vector<16xf32>,
      %swap3A_74 = arith.index_cast %add3A_71 : i32 to index
      %swap3A_75 = arith.constant 16 : index
      %swap3A_76 = tpu.vector_load %arg15[%swap3A_74, %swap3A_75] {strides = array<i32>} : memref<32x144xf32, #tpu.memory_space<vmem>>, vector<16xf32>,
      tpu.vector_store %arg15[%swap3A_74, %swap3A_75], %broadcast_in_dim3A_0 {strides = array<i32>} : memref<32x144xf32, #tpu.memory_space<vmem>>, vector<16xf32>,
      %swap3A_77 = arith.index_cast %add3A_71 : i32 to index
      %swap3A_78 = arith.constant 32 : index
      %swap3A_79 = tpu.vector_load %arg15[%swap3A_77, %swap3A_78] {strides = array<i32>} : memref<32x144xf32, #tpu.memory_space<vmem>>, vector<16xf32>,
      tpu.vector_store %arg15[%swap3A_77, %swap3A_78], %broadcast_in_dim3A_0 {strides = array<i32>} : memref<32x144xf32, #tpu.memory_space<vmem>>, vector<16xf32>,
      %swap3A_80 = arith.index_cast %add3A_71 : i32 to index
      %swap3A_81 = arith.constant 48 : index
      %swap3A_82 = tpu.vector_load %arg15[%swap3A_80, %swap3A_81] {strides = array<i32>} : memref<32x144xf32, #tpu.memory_space<vmem>>, vector<16xf32>,
      tpu.vector_store %arg15[%swap3A_80, %swap3A_81], %broadcast_in_dim3A_0 {strides = array<i32>} : memref<32x144xf32, #tpu.memory_space<vmem>>, vector<16xf32>,
      %swap3A_83 = arith.index_cast %add3A_71 : i32 to index
      %swap3A_84 = arith.constant 64 : index
      %swap3A_85 = tpu.vector_load %arg15[%swap3A_83, %swap3A_84] {strides = array<i32>} : memref<32x144xf32, #tpu.memory_space<vmem>>, vector<16xf32>,
      tpu.vector_store %arg15[%swap3A_83, %swap3A_84], %broadcast_in_dim3A_0 {strides = array<i32>} : memref<32x144xf32, #tpu.memory_space<vmem>>, vector<16xf32>,
      %swap3A_86 = arith.index_cast %add3A_71 : i32 to index
      %swap3A_87 = arith.constant 80 : index
      %swap3A_88 = tpu.vector_load %arg15[%swap3A_86, %swap3A_87] {strides = array<i32>} : memref<32x144xf32, #tpu.memory_space<vmem>>, vector<16xf32>,
      tpu.vector_store %arg15[%swap3A_86, %swap3A_87], %broadcast_in_dim3A_0 {strides = array<i32>} : memref<32x144xf32, #tpu.memory_space<vmem>>, vector<16xf32>,
      %swap3A_89 = arith.index_cast %add3A_71 : i32 to index
      %swap3A_90 = arith.constant 96 : index
      %swap3A_91 = tpu.vector_load %arg15[%swap3A_89, %swap3A_90] {strides = array<i32>} : memref<32x144xf32, #tpu.memory_space<vmem>>, vector<16xf32>,
      tpu.vector_store %arg15[%swap3A_89, %swap3A_90], %broadcast_in_dim3A_0 {strides = array<i32>} : memref<32x144xf32, #tpu.memory_space<vmem>>, vector<16xf32>,
      %swap3A_92 = arith.index_cast %add3A_71 : i32 to index
      %swap3A_93 = arith.constant 112 : index
      %swap3A_94 = tpu.vector_load %arg15[%swap3A_92, %swap3A_93] {strides = array<i32>} : memref<32x144xf32, #tpu.memory_space<vmem>>, vector<16xf32>,
      tpu.vector_store %arg15[%swap3A_92, %swap3A_93], %broadcast_in_dim3A_0 {strides = array<i32>} : memref<32x144xf32, #tpu.memory_space<vmem>>, vector<16xf32>,
      %swap3A_95 = arith.index_cast %add3A_71 : i32 to index
      %swap3A_96 = arith.constant 128 : index
      %swap3A_97 = tpu.vector_load %arg15[%swap3A_95, %swap3A_96] {strides = array<i32>} : memref<32x144xf32, #tpu.memory_space<vmem>>, vector<16xf32>,
      tpu.vector_store %arg15[%swap3A_95, %swap3A_96], %broadcast_in_dim3A_0 {strides = array<i32>} : memref<32x144xf32, #tpu.memory_space<vmem>>, vector<16xf32>,
    }
    %scan3A_4 = arith.constant 32 : i32
    %mul3A = arith.constant 640 : i32
    %mul3A_5 = arith.muli %arg1, %mul3A : i32
    %add3A = arith.constant 0 : i32
    %add3A_6 = arith.addi %mul3A_5, %add3A : i32
    "tpu.region"() ({
      %run_scoped3A = tpu.sem_alloc : memref<!tpu.dma_semaphore, #tpu.memory_space<semaphore_mem>>
      %dma_start3A = arith.constant 0 : i32
      %dma_start3A_67 = tpu.memref_slice %arg18[%add3A_6, %dma_start3A] : memref<10240x144xf32, #tpu.memory_space<vmem_shared>> -> memref<32x144xf32, #tpu.memory_space<vmem_shared>>
      %dma_start3A_68 = arith.constant 0 : i32
      %dma_start3A_69 = tpu.memref_slice %arg18[%add3A_6, %dma_start3A_68] : memref<10240x144xf32, #tpu.memory_space<vmem_shared>> -> memref<32x144xf32, #tpu.memory_space<vmem_shared>>
      tpu.enqueue_dma source(%arg15 : memref<32x144xf32, #tpu.memory_space<vmem>>) target(%dma_start3A_69 : memref<32x144xf32, #tpu.memory_space<vmem_shared>>) target_semaphore(%run_scoped3A : memref<!tpu.dma_semaphore, #tpu.memory_space<semaphore_mem>>)
      %dma_wait3A_70 = arith.constant 0 : i32
      %dma_wait3A_71 = tpu.memref_slice %arg18[%add3A_6, %dma_wait3A_70] : memref<10240x144xf32, #tpu.memory_space<vmem_shared>> -> memref<32x144xf32, #tpu.memory_space<vmem_shared>>
      %dma_wait3A_72 = arith.constant 0 : i32
      %dma_wait3A_73 = tpu.memref_slice %arg18[%add3A_6, %dma_wait3A_72] : memref<10240x144xf32, #tpu.memory_space<vmem_shared>> -> memref<32x144xf32, #tpu.memory_space<vmem_shared>>
      tpu.wait_dma2 semaphore(%run_scoped3A : memref<!tpu.dma_semaphore, #tpu.memory_space<semaphore_mem>>) src(%arg15 : memref<32x144xf32, #tpu.memory_space<vmem>>) dst(%dma_wait3A_73 : memref<32x144xf32, #tpu.memory_space<vmem_shared>>)
      tpu.yield
    }) : () -> ()
    %add3A_7 = arith.constant 32 : i32
    %add3A_8 = arith.addi %mul3A_5, %add3A_7 : i32
    "tpu.region"() ({
      %run_scoped3A = tpu.sem_alloc : memref<!tpu.dma_semaphore, #tpu.memory_space<semaphore_mem>>
      %dma_start3A = arith.constant 0 : i32
      %dma_start3A_67 = tpu.memref_slice %arg18[%add3A_8, %dma_start3A] : memref<10240x144xf32, #tpu.memory_space<vmem_shared>> -> memref<32x144xf32, #tpu.memory_space<vmem_shared>>
      %dma_start3A_68 = arith.constant 0 : i32
      %dma_start3A_69 = tpu.memref_slice %arg18[%add3A_8, %dma_start3A_68] : memref<10240x144xf32, #tpu.memory_space<vmem_shared>> -> memref<32x144xf32, #tpu.memory_space<vmem_shared>>
      tpu.enqueue_dma source(%arg15 : memref<32x144xf32, #tpu.memory_space<vmem>>) target(%dma_start3A_69 : memref<32x144xf32, #tpu.memory_space<vmem_shared>>) target_semaphore(%run_scoped3A : memref<!tpu.dma_semaphore, #tpu.memory_space<semaphore_mem>>)
      %dma_wait3A_70 = arith.constant 0 : i32
      %dma_wait3A_71 = tpu.memref_slice %arg18[%add3A_8, %dma_wait3A_70] : memref<10240x144xf32, #tpu.memory_space<vmem_shared>> -> memref<32x144xf32, #tpu.memory_space<vmem_shared>>
      %dma_wait3A_72 = arith.constant 0 : i32
      %dma_wait3A_73 = tpu.memref_slice %arg18[%add3A_8, %dma_wait3A_72] : memref<10240x144xf32, #tpu.memory_space<vmem_shared>> -> memref<32x144xf32, #tpu.memory_space<vmem_shared>>
      tpu.wait_dma2 semaphore(%run_scoped3A : memref<!tpu.dma_semaphore, #tpu.memory_space<semaphore_mem>>) src(%arg15 : memref<32x144xf32, #tpu.memory_space<vmem>>) dst(%dma_wait3A_73 : memref<32x144xf32, #tpu.memory_space<vmem_shared>>)
      tpu.yield
    }) : () -> ()
    %add3A_9 = arith.constant 64 : i32
    %add3A_10 = arith.addi %mul3A_5, %add3A_9 : i32
    "tpu.region"() ({
      %run_scoped3A = tpu.sem_alloc : memref<!tpu.dma_semaphore, #tpu.memory_space<semaphore_mem>>
      %dma_start3A = arith.constant 0 : i32
      %dma_start3A_67 = tpu.memref_slice %arg18[%add3A_10, %dma_start3A] : memref<10240x144xf32, #tpu.memory_space<vmem_shared>> -> memref<32x144xf32, #tpu.memory_space<vmem_shared>>
      %dma_start3A_68 = arith.constant 0 : i32
      %dma_start3A_69 = tpu.memref_slice %arg18[%add3A_10, %dma_start3A_68] : memref<10240x144xf32, #tpu.memory_space<vmem_shared>> -> memref<32x144xf32, #tpu.memory_space<vmem_shared>>
      tpu.enqueue_dma source(%arg15 : memref<32x144xf32, #tpu.memory_space<vmem>>) target(%dma_start3A_69 : memref<32x144xf32, #tpu.memory_space<vmem_shared>>) target_semaphore(%run_scoped3A : memref<!tpu.dma_semaphore, #tpu.memory_space<semaphore_mem>>)
      %dma_wait3A_70 = arith.constant 0 : i32
      %dma_wait3A_71 = tpu.memref_slice %arg18[%add3A_10, %dma_wait3A_70] : memref<10240x144xf32, #tpu.memory_space<vmem_shared>> -> memref<32x144xf32, #tpu.memory_space<vmem_shared>>
      %dma_wait3A_72 = arith.constant 0 : i32
      %dma_wait3A_73 = tpu.memref_slice %arg18[%add3A_10, %dma_wait3A_72] : memref<10240x144xf32, #tpu.memory_space<vmem_shared>> -> memref<32x144xf32, #tpu.memory_space<vmem_shared>>
      tpu.wait_dma2 semaphore(%run_scoped3A : memref<!tpu.dma_semaphore, #tpu.memory_space<semaphore_mem>>) src(%arg15 : memref<32x144xf32, #tpu.memory_space<vmem>>) dst(%dma_wait3A_73 : memref<32x144xf32, #tpu.memory_space<vmem_shared>>)
      tpu.yield
    }) : () -> ()
    %add3A_11 = arith.constant 96 : i32
    %add3A_12 = arith.addi %mul3A_5, %add3A_11 : i32
    "tpu.region"() ({
      %run_scoped3A = tpu.sem_alloc : memref<!tpu.dma_semaphore, #tpu.memory_space<semaphore_mem>>
      %dma_start3A = arith.constant 0 : i32
      %dma_start3A_67 = tpu.memref_slice %arg18[%add3A_12, %dma_start3A] : memref<10240x144xf32, #tpu.memory_space<vmem_shared>> -> memref<32x144xf32, #tpu.memory_space<vmem_shared>>
      %dma_start3A_68 = arith.constant 0 : i32
      %dma_start3A_69 = tpu.memref_slice %arg18[%add3A_12, %dma_start3A_68] : memref<10240x144xf32, #tpu.memory_space<vmem_shared>> -> memref<32x144xf32, #tpu.memory_space<vmem_shared>>
      tpu.enqueue_dma source(%arg15 : memref<32x144xf32, #tpu.memory_space<vmem>>) target(%dma_start3A_69 : memref<32x144xf32, #tpu.memory_space<vmem_shared>>) target_semaphore(%run_scoped3A : memref<!tpu.dma_semaphore, #tpu.memory_space<semaphore_mem>>)
      %dma_wait3A_70 = arith.constant 0 : i32
      %dma_wait3A_71 = tpu.memref_slice %arg18[%add3A_12, %dma_wait3A_70] : memref<10240x144xf32, #tpu.memory_space<vmem_shared>> -> memref<32x144xf32, #tpu.memory_space<vmem_shared>>
      %dma_wait3A_72 = arith.constant 0 : i32
      %dma_wait3A_73 = tpu.memref_slice %arg18[%add3A_12, %dma_wait3A_72] : memref<10240x144xf32, #tpu.memory_space<vmem_shared>> -> memref<32x144xf32, #tpu.memory_space<vmem_shared>>
      tpu.wait_dma2 semaphore(%run_scoped3A : memref<!tpu.dma_semaphore, #tpu.memory_space<semaphore_mem>>) src(%arg15 : memref<32x144xf32, #tpu.memory_space<vmem>>) dst(%dma_wait3A_73 : memref<32x144xf32, #tpu.memory_space<vmem_shared>>)
      tpu.yield
    }) : () -> ()
    %add3A_13 = arith.constant 128 : i32
    %add3A_14 = arith.addi %mul3A_5, %add3A_13 : i32
    "tpu.region"() ({
      %run_scoped3A = tpu.sem_alloc : memref<!tpu.dma_semaphore, #tpu.memory_space<semaphore_mem>>
      %dma_start3A = arith.constant 0 : i32
      %dma_start3A_67 = tpu.memref_slice %arg18[%add3A_14, %dma_start3A] : memref<10240x144xf32, #tpu.memory_space<vmem_shared>> -> memref<32x144xf32, #tpu.memory_space<vmem_shared>>
      %dma_start3A_68 = arith.constant 0 : i32
      %dma_start3A_69 = tpu.memref_slice %arg18[%add3A_14, %dma_start3A_68] : memref<10240x144xf32, #tpu.memory_space<vmem_shared>> -> memref<32x144xf32, #tpu.memory_space<vmem_shared>>
      tpu.enqueue_dma source(%arg15 : memref<32x144xf32, #tpu.memory_space<vmem>>) target(%dma_start3A_69 : memref<32x144xf32, #tpu.memory_space<vmem_shared>>) target_semaphore(%run_scoped3A : memref<!tpu.dma_semaphore, #tpu.memory_space<semaphore_mem>>)
      %dma_wait3A_70 = arith.constant 0 : i32
      %dma_wait3A_71 = tpu.memref_slice %arg18[%add3A_14, %dma_wait3A_70] : memref<10240x144xf32, #tpu.memory_space<vmem_shared>> -> memref<32x144xf32, #tpu.memory_space<vmem_shared>>
      %dma_wait3A_72 = arith.constant 0 : i32
      %dma_wait3A_73 = tpu.memref_slice %arg18[%add3A_14, %dma_wait3A_72] : memref<10240x144xf32, #tpu.memory_space<vmem_shared>> -> memref<32x144xf32, #tpu.memory_space<vmem_shared>>
      tpu.wait_dma2 semaphore(%run_scoped3A : memref<!tpu.dma_semaphore, #tpu.memory_space<semaphore_mem>>) src(%arg15 : memref<32x144xf32, #tpu.memory_space<vmem>>) dst(%dma_wait3A_73 : memref<32x144xf32, #tpu.memory_space<vmem_shared>>)
      tpu.yield
    }) : () -> ()
    %add3A_15 = arith.constant 160 : i32
    %add3A_16 = arith.addi %mul3A_5, %add3A_15 : i32
    "tpu.region"() ({
      %run_scoped3A = tpu.sem_alloc : memref<!tpu.dma_semaphore, #tpu.memory_space<semaphore_mem>>
      %dma_start3A = arith.constant 0 : i32
      %dma_start3A_67 = tpu.memref_slice %arg18[%add3A_16, %dma_start3A] : memref<10240x144xf32, #tpu.memory_space<vmem_shared>> -> memref<32x144xf32, #tpu.memory_space<vmem_shared>>
      %dma_start3A_68 = arith.constant 0 : i32
      %dma_start3A_69 = tpu.memref_slice %arg18[%add3A_16, %dma_start3A_68] : memref<10240x144xf32, #tpu.memory_space<vmem_shared>> -> memref<32x144xf32, #tpu.memory_space<vmem_shared>>
      tpu.enqueue_dma source(%arg15 : memref<32x144xf32, #tpu.memory_space<vmem>>) target(%dma_start3A_69 : memref<32x144xf32, #tpu.memory_space<vmem_shared>>) target_semaphore(%run_scoped3A : memref<!tpu.dma_semaphore, #tpu.memory_space<semaphore_mem>>)
      %dma_wait3A_70 = arith.constant 0 : i32
      %dma_wait3A_71 = tpu.memref_slice %arg18[%add3A_16, %dma_wait3A_70] : memref<10240x144xf32, #tpu.memory_space<vmem_shared>> -> memref<32x144xf32, #tpu.memory_space<vmem_shared>>
      %dma_wait3A_72 = arith.constant 0 : i32
      %dma_wait3A_73 = tpu.memref_slice %arg18[%add3A_16, %dma_wait3A_72] : memref<10240x144xf32, #tpu.memory_space<vmem_shared>> -> memref<32x144xf32, #tpu.memory_space<vmem_shared>>
      tpu.wait_dma2 semaphore(%run_scoped3A : memref<!tpu.dma_semaphore, #tpu.memory_space<semaphore_mem>>) src(%arg15 : memref<32x144xf32, #tpu.memory_space<vmem>>) dst(%dma_wait3A_73 : memref<32x144xf32, #tpu.memory_space<vmem_shared>>)
      tpu.yield
    }) : () -> ()
    %add3A_17 = arith.constant 192 : i32
    %add3A_18 = arith.addi %mul3A_5, %add3A_17 : i32
    "tpu.region"() ({
      %run_scoped3A = tpu.sem_alloc : memref<!tpu.dma_semaphore, #tpu.memory_space<semaphore_mem>>
      %dma_start3A = arith.constant 0 : i32
      %dma_start3A_67 = tpu.memref_slice %arg18[%add3A_18, %dma_start3A] : memref<10240x144xf32, #tpu.memory_space<vmem_shared>> -> memref<32x144xf32, #tpu.memory_space<vmem_shared>>
      %dma_start3A_68 = arith.constant 0 : i32
      %dma_start3A_69 = tpu.memref_slice %arg18[%add3A_18, %dma_start3A_68] : memref<10240x144xf32, #tpu.memory_space<vmem_shared>> -> memref<32x144xf32, #tpu.memory_space<vmem_shared>>
      tpu.enqueue_dma source(%arg15 : memref<32x144xf32, #tpu.memory_space<vmem>>) target(%dma_start3A_69 : memref<32x144xf32, #tpu.memory_space<vmem_shared>>) target_semaphore(%run_scoped3A : memref<!tpu.dma_semaphore, #tpu.memory_space<semaphore_mem>>)
      %dma_wait3A_70 = arith.constant 0 : i32
      %dma_wait3A_71 = tpu.memref_slice %arg18[%add3A_18, %dma_wait3A_70] : memref<10240x144xf32, #tpu.memory_space<vmem_shared>> -> memref<32x144xf32, #tpu.memory_space<vmem_shared>>
      %dma_wait3A_72 = arith.constant 0 : i32
      %dma_wait3A_73 = tpu.memref_slice %arg18[%add3A_18, %dma_wait3A_72] : memref<10240x144xf32, #tpu.memory_space<vmem_shared>> -> memref<32x144xf32, #tpu.memory_space<vmem_shared>>
      tpu.wait_dma2 semaphore(%run_scoped3A : memref<!tpu.dma_semaphore, #tpu.memory_space<semaphore_mem>>) src(%arg15 : memref<32x144xf32, #tpu.memory_space<vmem>>) dst(%dma_wait3A_73 : memref<32x144xf32, #tpu.memory_space<vmem_shared>>)
      tpu.yield
    }) : () -> ()
    %add3A_19 = arith.constant 224 : i32
    %add3A_20 = arith.addi %mul3A_5, %add3A_19 : i32
    "tpu.region"() ({
      %run_scoped3A = tpu.sem_alloc : memref<!tpu.dma_semaphore, #tpu.memory_space<semaphore_mem>>
      %dma_start3A = arith.constant 0 : i32
      %dma_start3A_67 = tpu.memref_slice %arg18[%add3A_20, %dma_start3A] : memref<10240x144xf32, #tpu.memory_space<vmem_shared>> -> memref<32x144xf32, #tpu.memory_space<vmem_shared>>
      %dma_start3A_68 = arith.constant 0 : i32
      %dma_start3A_69 = tpu.memref_slice %arg18[%add3A_20, %dma_start3A_68] : memref<10240x144xf32, #tpu.memory_space<vmem_shared>> -> memref<32x144xf32, #tpu.memory_space<vmem_shared>>
      tpu.enqueue_dma source(%arg15 : memref<32x144xf32, #tpu.memory_space<vmem>>) target(%dma_start3A_69 : memref<32x144xf32, #tpu.memory_space<vmem_shared>>) target_semaphore(%run_scoped3A : memref<!tpu.dma_semaphore, #tpu.memory_space<semaphore_mem>>)
      %dma_wait3A_70 = arith.constant 0 : i32
      %dma_wait3A_71 = tpu.memref_slice %arg18[%add3A_20, %dma_wait3A_70] : memref<10240x144xf32, #tpu.memory_space<vmem_shared>> -> memref<32x144xf32, #tpu.memory_space<vmem_shared>>
      %dma_wait3A_72 = arith.constant 0 : i32
      %dma_wait3A_73 = tpu.memref_slice %arg18[%add3A_20, %dma_wait3A_72] : memref<10240x144xf32, #tpu.memory_space<vmem_shared>> -> memref<32x144xf32, #tpu.memory_space<vmem_shared>>
      tpu.wait_dma2 semaphore(%run_scoped3A : memref<!tpu.dma_semaphore, #tpu.memory_space<semaphore_mem>>) src(%arg15 : memref<32x144xf32, #tpu.memory_space<vmem>>) dst(%dma_wait3A_73 : memref<32x144xf32, #tpu.memory_space<vmem_shared>>)
      tpu.yield
    }) : () -> ()
    %add3A_21 = arith.constant 256 : i32
    %add3A_22 = arith.addi %mul3A_5, %add3A_21 : i32
    "tpu.region"() ({
      %run_scoped3A = tpu.sem_alloc : memref<!tpu.dma_semaphore, #tpu.memory_space<semaphore_mem>>
      %dma_start3A = arith.constant 0 : i32
      %dma_start3A_67 = tpu.memref_slice %arg18[%add3A_22, %dma_start3A] : memref<10240x144xf32, #tpu.memory_space<vmem_shared>> -> memref<32x144xf32, #tpu.memory_space<vmem_shared>>
      %dma_start3A_68 = arith.constant 0 : i32
      %dma_start3A_69 = tpu.memref_slice %arg18[%add3A_22, %dma_start3A_68] : memref<10240x144xf32, #tpu.memory_space<vmem_shared>> -> memref<32x144xf32, #tpu.memory_space<vmem_shared>>
      tpu.enqueue_dma source(%arg15 : memref<32x144xf32, #tpu.memory_space<vmem>>) target(%dma_start3A_69 : memref<32x144xf32, #tpu.memory_space<vmem_shared>>) target_semaphore(%run_scoped3A : memref<!tpu.dma_semaphore, #tpu.memory_space<semaphore_mem>>)
      %dma_wait3A_70 = arith.constant 0 : i32
      %dma_wait3A_71 = tpu.memref_slice %arg18[%add3A_22, %dma_wait3A_70] : memref<10240x144xf32, #tpu.memory_space<vmem_shared>> -> memref<32x144xf32, #tpu.memory_space<vmem_shared>>
      %dma_wait3A_72 = arith.constant 0 : i32
      %dma_wait3A_73 = tpu.memref_slice %arg18[%add3A_22, %dma_wait3A_72] : memref<10240x144xf32, #tpu.memory_space<vmem_shared>> -> memref<32x144xf32, #tpu.memory_space<vmem_shared>>
      tpu.wait_dma2 semaphore(%run_scoped3A : memref<!tpu.dma_semaphore, #tpu.memory_space<semaphore_mem>>) src(%arg15 : memref<32x144xf32, #tpu.memory_space<vmem>>) dst(%dma_wait3A_73 : memref<32x144xf32, #tpu.memory_space<vmem_shared>>)
      tpu.yield
    }) : () -> ()
    %add3A_23 = arith.constant 288 : i32
    %add3A_24 = arith.addi %mul3A_5, %add3A_23 : i32
    "tpu.region"() ({
      %run_scoped3A = tpu.sem_alloc : memref<!tpu.dma_semaphore, #tpu.memory_space<semaphore_mem>>
      %dma_start3A = arith.constant 0 : i32
      %dma_start3A_67 = tpu.memref_slice %arg18[%add3A_24, %dma_start3A] : memref<10240x144xf32, #tpu.memory_space<vmem_shared>> -> memref<32x144xf32, #tpu.memory_space<vmem_shared>>
      %dma_start3A_68 = arith.constant 0 : i32
      %dma_start3A_69 = tpu.memref_slice %arg18[%add3A_24, %dma_start3A_68] : memref<10240x144xf32, #tpu.memory_space<vmem_shared>> -> memref<32x144xf32, #tpu.memory_space<vmem_shared>>
      tpu.enqueue_dma source(%arg15 : memref<32x144xf32, #tpu.memory_space<vmem>>) target(%dma_start3A_69 : memref<32x144xf32, #tpu.memory_space<vmem_shared>>) target_semaphore(%run_scoped3A : memref<!tpu.dma_semaphore, #tpu.memory_space<semaphore_mem>>)
      %dma_wait3A_70 = arith.constant 0 : i32
      %dma_wait3A_71 = tpu.memref_slice %arg18[%add3A_24, %dma_wait3A_70] : memref<10240x144xf32, #tpu.memory_space<vmem_shared>> -> memref<32x144xf32, #tpu.memory_space<vmem_shared>>
      %dma_wait3A_72 = arith.constant 0 : i32
      %dma_wait3A_73 = tpu.memref_slice %arg18[%add3A_24, %dma_wait3A_72] : memref<10240x144xf32, #tpu.memory_space<vmem_shared>> -> memref<32x144xf32, #tpu.memory_space<vmem_shared>>
      tpu.wait_dma2 semaphore(%run_scoped3A : memref<!tpu.dma_semaphore, #tpu.memory_space<semaphore_mem>>) src(%arg15 : memref<32x144xf32, #tpu.memory_space<vmem>>) dst(%dma_wait3A_73 : memref<32x144xf32, #tpu.memory_space<vmem_shared>>)
      tpu.yield
    }) : () -> ()
    %add3A_25 = arith.constant 320 : i32
    %add3A_26 = arith.addi %mul3A_5, %add3A_25 : i32
    "tpu.region"() ({
      %run_scoped3A = tpu.sem_alloc : memref<!tpu.dma_semaphore, #tpu.memory_space<semaphore_mem>>
      %dma_start3A = arith.constant 0 : i32
      %dma_start3A_67 = tpu.memref_slice %arg18[%add3A_26, %dma_start3A] : memref<10240x144xf32, #tpu.memory_space<vmem_shared>> -> memref<32x144xf32, #tpu.memory_space<vmem_shared>>
      %dma_start3A_68 = arith.constant 0 : i32
      %dma_start3A_69 = tpu.memref_slice %arg18[%add3A_26, %dma_start3A_68] : memref<10240x144xf32, #tpu.memory_space<vmem_shared>> -> memref<32x144xf32, #tpu.memory_space<vmem_shared>>
      tpu.enqueue_dma source(%arg15 : memref<32x144xf32, #tpu.memory_space<vmem>>) target(%dma_start3A_69 : memref<32x144xf32, #tpu.memory_space<vmem_shared>>) target_semaphore(%run_scoped3A : memref<!tpu.dma_semaphore, #tpu.memory_space<semaphore_mem>>)
      %dma_wait3A_70 = arith.constant 0 : i32
      %dma_wait3A_71 = tpu.memref_slice %arg18[%add3A_26, %dma_wait3A_70] : memref<10240x144xf32, #tpu.memory_space<vmem_shared>> -> memref<32x144xf32, #tpu.memory_space<vmem_shared>>
      %dma_wait3A_72 = arith.constant 0 : i32
      %dma_wait3A_73 = tpu.memref_slice %arg18[%add3A_26, %dma_wait3A_72] : memref<10240x144xf32, #tpu.memory_space<vmem_shared>> -> memref<32x144xf32, #tpu.memory_space<vmem_shared>>
      tpu.wait_dma2 semaphore(%run_scoped3A : memref<!tpu.dma_semaphore, #tpu.memory_space<semaphore_mem>>) src(%arg15 : memref<32x144xf32, #tpu.memory_space<vmem>>) dst(%dma_wait3A_73 : memref<32x144xf32, #tpu.memory_space<vmem_shared>>)
      tpu.yield
    }) : () -> ()
    %add3A_27 = arith.constant 352 : i32
    %add3A_28 = arith.addi %mul3A_5, %add3A_27 : i32
    "tpu.region"() ({
      %run_scoped3A = tpu.sem_alloc : memref<!tpu.dma_semaphore, #tpu.memory_space<semaphore_mem>>
      %dma_start3A = arith.constant 0 : i32
      %dma_start3A_67 = tpu.memref_slice %arg18[%add3A_28, %dma_start3A] : memref<10240x144xf32, #tpu.memory_space<vmem_shared>> -> memref<32x144xf32, #tpu.memory_space<vmem_shared>>
      %dma_start3A_68 = arith.constant 0 : i32
      %dma_start3A_69 = tpu.memref_slice %arg18[%add3A_28, %dma_start3A_68] : memref<10240x144xf32, #tpu.memory_space<vmem_shared>> -> memref<32x144xf32, #tpu.memory_space<vmem_shared>>
      tpu.enqueue_dma source(%arg15 : memref<32x144xf32, #tpu.memory_space<vmem>>) target(%dma_start3A_69 : memref<32x144xf32, #tpu.memory_space<vmem_shared>>) target_semaphore(%run_scoped3A : memref<!tpu.dma_semaphore, #tpu.memory_space<semaphore_mem>>)
      %dma_wait3A_70 = arith.constant 0 : i32
      %dma_wait3A_71 = tpu.memref_slice %arg18[%add3A_28, %dma_wait3A_70] : memref<10240x144xf32, #tpu.memory_space<vmem_shared>> -> memref<32x144xf32, #tpu.memory_space<vmem_shared>>
      %dma_wait3A_72 = arith.constant 0 : i32
      %dma_wait3A_73 = tpu.memref_slice %arg18[%add3A_28, %dma_wait3A_72] : memref<10240x144xf32, #tpu.memory_space<vmem_shared>> -> memref<32x144xf32, #tpu.memory_space<vmem_shared>>
      tpu.wait_dma2 semaphore(%run_scoped3A : memref<!tpu.dma_semaphore, #tpu.memory_space<semaphore_mem>>) src(%arg15 : memref<32x144xf32, #tpu.memory_space<vmem>>) dst(%dma_wait3A_73 : memref<32x144xf32, #tpu.memory_space<vmem_shared>>)
      tpu.yield
    }) : () -> ()
    %add3A_29 = arith.constant 384 : i32
    %add3A_30 = arith.addi %mul3A_5, %add3A_29 : i32
    "tpu.region"() ({
      %run_scoped3A = tpu.sem_alloc : memref<!tpu.dma_semaphore, #tpu.memory_space<semaphore_mem>>
      %dma_start3A = arith.constant 0 : i32
      %dma_start3A_67 = tpu.memref_slice %arg18[%add3A_30, %dma_start3A] : memref<10240x144xf32, #tpu.memory_space<vmem_shared>> -> memref<32x144xf32, #tpu.memory_space<vmem_shared>>
      %dma_start3A_68 = arith.constant 0 : i32
      %dma_start3A_69 = tpu.memref_slice %arg18[%add3A_30, %dma_start3A_68] : memref<10240x144xf32, #tpu.memory_space<vmem_shared>> -> memref<32x144xf32, #tpu.memory_space<vmem_shared>>
      tpu.enqueue_dma source(%arg15 : memref<32x144xf32, #tpu.memory_space<vmem>>) target(%dma_start3A_69 : memref<32x144xf32, #tpu.memory_space<vmem_shared>>) target_semaphore(%run_scoped3A : memref<!tpu.dma_semaphore, #tpu.memory_space<semaphore_mem>>)
      %dma_wait3A_70 = arith.constant 0 : i32
      %dma_wait3A_71 = tpu.memref_slice %arg18[%add3A_30, %dma_wait3A_70] : memref<10240x144xf32, #tpu.memory_space<vmem_shared>> -> memref<32x144xf32, #tpu.memory_space<vmem_shared>>
      %dma_wait3A_72 = arith.constant 0 : i32
      %dma_wait3A_73 = tpu.memref_slice %arg18[%add3A_30, %dma_wait3A_72] : memref<10240x144xf32, #tpu.memory_space<vmem_shared>> -> memref<32x144xf32, #tpu.memory_space<vmem_shared>>
      tpu.wait_dma2 semaphore(%run_scoped3A : memref<!tpu.dma_semaphore, #tpu.memory_space<semaphore_mem>>) src(%arg15 : memref<32x144xf32, #tpu.memory_space<vmem>>) dst(%dma_wait3A_73 : memref<32x144xf32, #tpu.memory_space<vmem_shared>>)
      tpu.yield
    }) : () -> ()
    %add3A_31 = arith.constant 416 : i32
    %add3A_32 = arith.addi %mul3A_5, %add3A_31 : i32
    "tpu.region"() ({
      %run_scoped3A = tpu.sem_alloc : memref<!tpu.dma_semaphore, #tpu.memory_space<semaphore_mem>>
      %dma_start3A = arith.constant 0 : i32
      %dma_start3A_67 = tpu.memref_slice %arg18[%add3A_32, %dma_start3A] : memref<10240x144xf32, #tpu.memory_space<vmem_shared>> -> memref<32x144xf32, #tpu.memory_space<vmem_shared>>
      %dma_start3A_68 = arith.constant 0 : i32
      %dma_start3A_69 = tpu.memref_slice %arg18[%add3A_32, %dma_start3A_68] : memref<10240x144xf32, #tpu.memory_space<vmem_shared>> -> memref<32x144xf32, #tpu.memory_space<vmem_shared>>
      tpu.enqueue_dma source(%arg15 : memref<32x144xf32, #tpu.memory_space<vmem>>) target(%dma_start3A_69 : memref<32x144xf32, #tpu.memory_space<vmem_shared>>) target_semaphore(%run_scoped3A : memref<!tpu.dma_semaphore, #tpu.memory_space<semaphore_mem>>)
      %dma_wait3A_70 = arith.constant 0 : i32
      %dma_wait3A_71 = tpu.memref_slice %arg18[%add3A_32, %dma_wait3A_70] : memref<10240x144xf32, #tpu.memory_space<vmem_shared>> -> memref<32x144xf32, #tpu.memory_space<vmem_shared>>
      %dma_wait3A_72 = arith.constant 0 : i32
      %dma_wait3A_73 = tpu.memref_slice %arg18[%add3A_32, %dma_wait3A_72] : memref<10240x144xf32, #tpu.memory_space<vmem_shared>> -> memref<32x144xf32, #tpu.memory_space<vmem_shared>>
      tpu.wait_dma2 semaphore(%run_scoped3A : memref<!tpu.dma_semaphore, #tpu.memory_space<semaphore_mem>>) src(%arg15 : memref<32x144xf32, #tpu.memory_space<vmem>>) dst(%dma_wait3A_73 : memref<32x144xf32, #tpu.memory_space<vmem_shared>>)
      tpu.yield
    }) : () -> ()
    %add3A_33 = arith.constant 448 : i32
    %add3A_34 = arith.addi %mul3A_5, %add3A_33 : i32
    "tpu.region"() ({
      %run_scoped3A = tpu.sem_alloc : memref<!tpu.dma_semaphore, #tpu.memory_space<semaphore_mem>>
      %dma_start3A = arith.constant 0 : i32
      %dma_start3A_67 = tpu.memref_slice %arg18[%add3A_34, %dma_start3A] : memref<10240x144xf32, #tpu.memory_space<vmem_shared>> -> memref<32x144xf32, #tpu.memory_space<vmem_shared>>
      %dma_start3A_68 = arith.constant 0 : i32
      %dma_start3A_69 = tpu.memref_slice %arg18[%add3A_34, %dma_start3A_68] : memref<10240x144xf32, #tpu.memory_space<vmem_shared>> -> memref<32x144xf32, #tpu.memory_space<vmem_shared>>
      tpu.enqueue_dma source(%arg15 : memref<32x144xf32, #tpu.memory_space<vmem>>) target(%dma_start3A_69 : memref<32x144xf32, #tpu.memory_space<vmem_shared>>) target_semaphore(%run_scoped3A : memref<!tpu.dma_semaphore, #tpu.memory_space<semaphore_mem>>)
      %dma_wait3A_70 = arith.constant 0 : i32
      %dma_wait3A_71 = tpu.memref_slice %arg18[%add3A_34, %dma_wait3A_70] : memref<10240x144xf32, #tpu.memory_space<vmem_shared>> -> memref<32x144xf32, #tpu.memory_space<vmem_shared>>
      %dma_wait3A_72 = arith.constant 0 : i32
      %dma_wait3A_73 = tpu.memref_slice %arg18[%add3A_34, %dma_wait3A_72] : memref<10240x144xf32, #tpu.memory_space<vmem_shared>> -> memref<32x144xf32, #tpu.memory_space<vmem_shared>>
      tpu.wait_dma2 semaphore(%run_scoped3A : memref<!tpu.dma_semaphore, #tpu.memory_space<semaphore_mem>>) src(%arg15 : memref<32x144xf32, #tpu.memory_space<vmem>>) dst(%dma_wait3A_73 : memref<32x144xf32, #tpu.memory_space<vmem_shared>>)
      tpu.yield
    }) : () -> ()
    %add3A_35 = arith.constant 480 : i32
    %add3A_36 = arith.addi %mul3A_5, %add3A_35 : i32
    "tpu.region"() ({
      %run_scoped3A = tpu.sem_alloc : memref<!tpu.dma_semaphore, #tpu.memory_space<semaphore_mem>>
      %dma_start3A = arith.constant 0 : i32
      %dma_start3A_67 = tpu.memref_slice %arg18[%add3A_36, %dma_start3A] : memref<10240x144xf32, #tpu.memory_space<vmem_shared>> -> memref<32x144xf32, #tpu.memory_space<vmem_shared>>
      %dma_start3A_68 = arith.constant 0 : i32
      %dma_start3A_69 = tpu.memref_slice %arg18[%add3A_36, %dma_start3A_68] : memref<10240x144xf32, #tpu.memory_space<vmem_shared>> -> memref<32x144xf32, #tpu.memory_space<vmem_shared>>
      tpu.enqueue_dma source(%arg15 : memref<32x144xf32, #tpu.memory_space<vmem>>) target(%dma_start3A_69 : memref<32x144xf32, #tpu.memory_space<vmem_shared>>) target_semaphore(%run_scoped3A : memref<!tpu.dma_semaphore, #tpu.memory_space<semaphore_mem>>)
      %dma_wait3A_70 = arith.constant 0 : i32
      %dma_wait3A_71 = tpu.memref_slice %arg18[%add3A_36, %dma_wait3A_70] : memref<10240x144xf32, #tpu.memory_space<vmem_shared>> -> memref<32x144xf32, #tpu.memory_space<vmem_shared>>
      %dma_wait3A_72 = arith.constant 0 : i32
      %dma_wait3A_73 = tpu.memref_slice %arg18[%add3A_36, %dma_wait3A_72] : memref<10240x144xf32, #tpu.memory_space<vmem_shared>> -> memref<32x144xf32, #tpu.memory_space<vmem_shared>>
      tpu.wait_dma2 semaphore(%run_scoped3A : memref<!tpu.dma_semaphore, #tpu.memory_space<semaphore_mem>>) src(%arg15 : memref<32x144xf32, #tpu.memory_space<vmem>>) dst(%dma_wait3A_73 : memref<32x144xf32, #tpu.memory_space<vmem_shared>>)
      tpu.yield
    }) : () -> ()
    %add3A_37 = arith.constant 512 : i32
    %add3A_38 = arith.addi %mul3A_5, %add3A_37 : i32
    "tpu.region"() ({
      %run_scoped3A = tpu.sem_alloc : memref<!tpu.dma_semaphore, #tpu.memory_space<semaphore_mem>>
      %dma_start3A = arith.constant 0 : i32
      %dma_start3A_67 = tpu.memref_slice %arg18[%add3A_38, %dma_start3A] : memref<10240x144xf32, #tpu.memory_space<vmem_shared>> -> memref<32x144xf32, #tpu.memory_space<vmem_shared>>
      %dma_start3A_68 = arith.constant 0 : i32
      %dma_start3A_69 = tpu.memref_slice %arg18[%add3A_38, %dma_start3A_68] : memref<10240x144xf32, #tpu.memory_space<vmem_shared>> -> memref<32x144xf32, #tpu.memory_space<vmem_shared>>
      tpu.enqueue_dma source(%arg15 : memref<32x144xf32, #tpu.memory_space<vmem>>) target(%dma_start3A_69 : memref<32x144xf32, #tpu.memory_space<vmem_shared>>) target_semaphore(%run_scoped3A : memref<!tpu.dma_semaphore, #tpu.memory_space<semaphore_mem>>)
      %dma_wait3A_70 = arith.constant 0 : i32
      %dma_wait3A_71 = tpu.memref_slice %arg18[%add3A_38, %dma_wait3A_70] : memref<10240x144xf32, #tpu.memory_space<vmem_shared>> -> memref<32x144xf32, #tpu.memory_space<vmem_shared>>
      %dma_wait3A_72 = arith.constant 0 : i32
      %dma_wait3A_73 = tpu.memref_slice %arg18[%add3A_38, %dma_wait3A_72] : memref<10240x144xf32, #tpu.memory_space<vmem_shared>> -> memref<32x144xf32, #tpu.memory_space<vmem_shared>>
      tpu.wait_dma2 semaphore(%run_scoped3A : memref<!tpu.dma_semaphore, #tpu.memory_space<semaphore_mem>>) src(%arg15 : memref<32x144xf32, #tpu.memory_space<vmem>>) dst(%dma_wait3A_73 : memref<32x144xf32, #tpu.memory_space<vmem_shared>>)
      tpu.yield
    }) : () -> ()
    %add3A_39 = arith.constant 544 : i32
    %add3A_40 = arith.addi %mul3A_5, %add3A_39 : i32
    "tpu.region"() ({
      %run_scoped3A = tpu.sem_alloc : memref<!tpu.dma_semaphore, #tpu.memory_space<semaphore_mem>>
      %dma_start3A = arith.constant 0 : i32
      %dma_start3A_67 = tpu.memref_slice %arg18[%add3A_40, %dma_start3A] : memref<10240x144xf32, #tpu.memory_space<vmem_shared>> -> memref<32x144xf32, #tpu.memory_space<vmem_shared>>
      %dma_start3A_68 = arith.constant 0 : i32
      %dma_start3A_69 = tpu.memref_slice %arg18[%add3A_40, %dma_start3A_68] : memref<10240x144xf32, #tpu.memory_space<vmem_shared>> -> memref<32x144xf32, #tpu.memory_space<vmem_shared>>
      tpu.enqueue_dma source(%arg15 : memref<32x144xf32, #tpu.memory_space<vmem>>) target(%dma_start3A_69 : memref<32x144xf32, #tpu.memory_space<vmem_shared>>) target_semaphore(%run_scoped3A : memref<!tpu.dma_semaphore, #tpu.memory_space<semaphore_mem>>)
      %dma_wait3A_70 = arith.constant 0 : i32
      %dma_wait3A_71 = tpu.memref_slice %arg18[%add3A_40, %dma_wait3A_70] : memref<10240x144xf32, #tpu.memory_space<vmem_shared>> -> memref<32x144xf32, #tpu.memory_space<vmem_shared>>
      %dma_wait3A_72 = arith.constant 0 : i32
      %dma_wait3A_73 = tpu.memref_slice %arg18[%add3A_40, %dma_wait3A_72] : memref<10240x144xf32, #tpu.memory_space<vmem_shared>> -> memref<32x144xf32, #tpu.memory_space<vmem_shared>>
      tpu.wait_dma2 semaphore(%run_scoped3A : memref<!tpu.dma_semaphore, #tpu.memory_space<semaphore_mem>>) src(%arg15 : memref<32x144xf32, #tpu.memory_space<vmem>>) dst(%dma_wait3A_73 : memref<32x144xf32, #tpu.memory_space<vmem_shared>>)
      tpu.yield
    }) : () -> ()
    %add3A_41 = arith.constant 576 : i32
    %add3A_42 = arith.addi %mul3A_5, %add3A_41 : i32
    "tpu.region"() ({
      %run_scoped3A = tpu.sem_alloc : memref<!tpu.dma_semaphore, #tpu.memory_space<semaphore_mem>>
      %dma_start3A = arith.constant 0 : i32
      %dma_start3A_67 = tpu.memref_slice %arg18[%add3A_42, %dma_start3A] : memref<10240x144xf32, #tpu.memory_space<vmem_shared>> -> memref<32x144xf32, #tpu.memory_space<vmem_shared>>
      %dma_start3A_68 = arith.constant 0 : i32
      %dma_start3A_69 = tpu.memref_slice %arg18[%add3A_42, %dma_start3A_68] : memref<10240x144xf32, #tpu.memory_space<vmem_shared>> -> memref<32x144xf32, #tpu.memory_space<vmem_shared>>
      tpu.enqueue_dma source(%arg15 : memref<32x144xf32, #tpu.memory_space<vmem>>) target(%dma_start3A_69 : memref<32x144xf32, #tpu.memory_space<vmem_shared>>) target_semaphore(%run_scoped3A : memref<!tpu.dma_semaphore, #tpu.memory_space<semaphore_mem>>)
      %dma_wait3A_70 = arith.constant 0 : i32
      %dma_wait3A_71 = tpu.memref_slice %arg18[%add3A_42, %dma_wait3A_70] : memref<10240x144xf32, #tpu.memory_space<vmem_shared>> -> memref<32x144xf32, #tpu.memory_space<vmem_shared>>
      %dma_wait3A_72 = arith.constant 0 : i32
      %dma_wait3A_73 = tpu.memref_slice %arg18[%add3A_42, %dma_wait3A_72] : memref<10240x144xf32, #tpu.memory_space<vmem_shared>> -> memref<32x144xf32, #tpu.memory_space<vmem_shared>>
      tpu.wait_dma2 semaphore(%run_scoped3A : memref<!tpu.dma_semaphore, #tpu.memory_space<semaphore_mem>>) src(%arg15 : memref<32x144xf32, #tpu.memory_space<vmem>>) dst(%dma_wait3A_73 : memref<32x144xf32, #tpu.memory_space<vmem_shared>>)
      tpu.yield
    }) : () -> ()
    %add3A_43 = arith.constant 608 : i32
    %add3A_44 = arith.addi %mul3A_5, %add3A_43 : i32
    "tpu.region"() ({
      %run_scoped3A = tpu.sem_alloc : memref<!tpu.dma_semaphore, #tpu.memory_space<semaphore_mem>>
      %dma_start3A = arith.constant 0 : i32
      %dma_start3A_67 = tpu.memref_slice %arg18[%add3A_44, %dma_start3A] : memref<10240x144xf32, #tpu.memory_space<vmem_shared>> -> memref<32x144xf32, #tpu.memory_space<vmem_shared>>
      %dma_start3A_68 = arith.constant 0 : i32
      %dma_start3A_69 = tpu.memref_slice %arg18[%add3A_44, %dma_start3A_68] : memref<10240x144xf32, #tpu.memory_space<vmem_shared>> -> memref<32x144xf32, #tpu.memory_space<vmem_shared>>
      tpu.enqueue_dma source(%arg15 : memref<32x144xf32, #tpu.memory_space<vmem>>) target(%dma_start3A_69 : memref<32x144xf32, #tpu.memory_space<vmem_shared>>) target_semaphore(%run_scoped3A : memref<!tpu.dma_semaphore, #tpu.memory_space<semaphore_mem>>)
      %dma_wait3A_70 = arith.constant 0 : i32
      %dma_wait3A_71 = tpu.memref_slice %arg18[%add3A_44, %dma_wait3A_70] : memref<10240x144xf32, #tpu.memory_space<vmem_shared>> -> memref<32x144xf32, #tpu.memory_space<vmem_shared>>
      %dma_wait3A_72 = arith.constant 0 : i32
      %dma_wait3A_73 = tpu.memref_slice %arg18[%add3A_44, %dma_wait3A_72] : memref<10240x144xf32, #tpu.memory_space<vmem_shared>> -> memref<32x144xf32, #tpu.memory_space<vmem_shared>>
      tpu.wait_dma2 semaphore(%run_scoped3A : memref<!tpu.dma_semaphore, #tpu.memory_space<semaphore_mem>>) src(%arg15 : memref<32x144xf32, #tpu.memory_space<vmem>>) dst(%dma_wait3A_73 : memref<32x144xf32, #tpu.memory_space<vmem_shared>>)
      tpu.yield
    }) : () -> ()
    %barrier3A = arith.constant 0 : index
    tpu.barrier barrier_id(%barrier3A)
    %mul3A_45 = arith.constant 312 : i32
    %mul3A_46 = arith.muli %arg1, %mul3A_45 : i32
    %min3A = arith.constant 8 : i32
    %min3A_47 = arith.minsi %arg1, %min3A : i32
    %add3A_48 = arith.addi %mul3A_46, %min3A_47 : i32
    %lt3A = arith.constant 8 : i32
    %lt3A_49 = arith.cmpi slt, %arg1, %lt3A : i32
    %jit3A = arith.constant 313 : i32
    %jit3A_50 = arith.constant 312 : i32
    %select_n3A = arith.select %lt3A_49, %jit3A, %jit3A_50 : i32
    %scan3A_51 = arith.constant 0 : i32
    %scan3A_52 = arith.constant 20 : i32
    %scan3A_53 = arith.addi %scan3A_51, %scan3A_52 : i32
    %scan3A_54 = arith.constant 1 : i32
    scf.for %scan3A_67 = %scan3A_51 to %scan3A_53 step %scan3A_54  : i32 {
      %mul3A_68 = arith.constant 1 : i32
      %mul3A_69 = arith.muli %scan3A_67, %mul3A_68 : i32
      %add3A_70 = arith.constant 0 : i32
      %add3A_71 = arith.addi %add3A_70, %mul3A_69 : i32
      %gt3A = arith.constant 0 : i32
      %gt3A_72 = arith.cmpi sgt, %add3A_71, %gt3A : i32
      %convert_element_type3A = arith.extui %gt3A_72 : i1 to i32
      %cond3A = arith.constant 0 : i32
      %cond3A_73 = arith.cmpi ne, %convert_element_type3A, %cond3A : i32
      scf.if %cond3A_73 {
        %dma_wait3A_136 = arith.constant 0 : i32
        %dma_wait3A_137 = arith.constant 0 : i32
        %dma_wait3A_138 = tpu.memref_slice %arg8[%dma_wait3A_136, %dma_wait3A_137] : memref<20480x144xf32, #tpu.memory_space<hbm>> -> memref<32x144xf32, #tpu.memory_space<hbm>>
        %dma_wait3A_139 = arith.constant 0 : i32
        %dma_wait3A_140 = arith.constant 0 : i32
        %dma_wait3A_141 = tpu.memref_slice %arg8[%dma_wait3A_139, %dma_wait3A_140] : memref<20480x144xf32, #tpu.memory_space<hbm>> -> memref<32x144xf32, #tpu.memory_space<hbm>>
        tpu.wait_dma2 semaphore(%arg17 : memref<!tpu.dma_semaphore, #tpu.memory_space<semaphore_mem>>) src(%dma_wait3A_141 : memref<32x144xf32, #tpu.memory_space<hbm>>) dst(%arg15 : memref<32x144xf32, #tpu.memory_space<vmem>>)
      } else {
      }
      %mul3A_74 = arith.constant 16 : i32
      %mul3A_75 = arith.muli %add3A_71, %mul3A_74 : i32
      %add3A_76 = arith.addi %add3A_48, %mul3A_75 : i32
      "tpu.region"() ({
        %run_scoped3A = tpu.sem_alloc : memref<!tpu.dma_semaphore, #tpu.memory_space<semaphore_mem>>
        %dma_start3A_136 = arith.constant 0 : i32
        %dma_start3A_137 = tpu.memref_slice %arg2[%arg0, %add3A_76, %dma_start3A_136] : memref<2x5008x32xi32, #tpu.memory_space<hbm>> -> memref<1x16x32xi32, #tpu.memory_space<hbm>>
        %dma_start3A_138 = tpu.memref_squeeze %dma_start3A_137 : memref<1x16x32xi32, #tpu.memory_space<hbm>> -> memref<16x32xi32, #tpu.memory_space<hbm>>
        %dma_start3A_139 = arith.constant 0 : i32
        %dma_start3A_140 = tpu.memref_slice %arg2[%arg0, %add3A_76, %dma_start3A_139] : memref<2x5008x32xi32, #tpu.memory_space<hbm>> -> memref<1x16x32xi32, #tpu.memory_space<hbm>>
        %dma_start3A_141 = tpu.memref_squeeze %dma_start3A_140 : memref<1x16x32xi32, #tpu.memory_space<hbm>> -> memref<16x32xi32, #tpu.memory_space<hbm>>
        tpu.enqueue_dma source(%dma_start3A_141 : memref<16x32xi32, #tpu.memory_space<hbm>>) target(%arg9 : memref<16x32xi32, #tpu.memory_space<vmem>>) target_semaphore(%run_scoped3A : memref<!tpu.dma_semaphore, #tpu.memory_space<semaphore_mem>>)
        %dma_wait3A_142 = arith.constant 0 : i32
        %dma_wait3A_143 = tpu.memref_slice %arg2[%arg0, %add3A_76, %dma_wait3A_142] : memref<2x5008x32xi32, #tpu.memory_space<hbm>> -> memref<1x16x32xi32, #tpu.memory_space<hbm>>
        %dma_wait3A_144 = tpu.memref_squeeze %dma_wait3A_143 : memref<1x16x32xi32, #tpu.memory_space<hbm>> -> memref<16x32xi32, #tpu.memory_space<hbm>>
        %dma_wait3A_145 = arith.constant 0 : i32
        %dma_wait3A_146 = tpu.memref_slice %arg2[%arg0, %add3A_76, %dma_wait3A_145] : memref<2x5008x32xi32, #tpu.memory_space<hbm>> -> memref<1x16x32xi32, #tpu.memory_space<hbm>>
        %dma_wait3A_147 = tpu.memref_squeeze %dma_wait3A_146 : memref<1x16x32xi32, #tpu.memory_space<hbm>> -> memref<16x32xi32, #tpu.memory_space<hbm>>
        tpu.wait_dma2 semaphore(%run_scoped3A : memref<!tpu.dma_semaphore, #tpu.memory_space<semaphore_mem>>) src(%dma_wait3A_147 : memref<16x32xi32, #tpu.memory_space<hbm>>) dst(%arg9 : memref<16x32xi32, #tpu.memory_space<vmem>>)
        tpu.yield
      }) : () -> ()
      "tpu.region"() ({
        %run_scoped3A = tpu.sem_alloc : memref<!tpu.dma_semaphore, #tpu.memory_space<semaphore_mem>>
        %dma_start3A_136 = arith.constant 0 : i32
        %dma_start3A_137 = tpu.memref_slice %arg3[%arg0, %add3A_76, %dma_start3A_136] : memref<2x5008x32xi32, #tpu.memory_space<hbm>> -> memref<1x16x32xi32, #tpu.memory_space<hbm>>
        %dma_start3A_138 = tpu.memref_squeeze %dma_start3A_137 : memref<1x16x32xi32, #tpu.memory_space<hbm>> -> memref<16x32xi32, #tpu.memory_space<hbm>>
        %dma_start3A_139 = arith.constant 0 : i32
        %dma_start3A_140 = tpu.memref_slice %arg3[%arg0, %add3A_76, %dma_start3A_139] : memref<2x5008x32xi32, #tpu.memory_space<hbm>> -> memref<1x16x32xi32, #tpu.memory_space<hbm>>
        %dma_start3A_141 = tpu.memref_squeeze %dma_start3A_140 : memref<1x16x32xi32, #tpu.memory_space<hbm>> -> memref<16x32xi32, #tpu.memory_space<hbm>>
        tpu.enqueue_dma source(%dma_start3A_141 : memref<16x32xi32, #tpu.memory_space<hbm>>) target(%arg10 : memref<16x32xi32, #tpu.memory_space<vmem>>) target_semaphore(%run_scoped3A : memref<!tpu.dma_semaphore, #tpu.memory_space<semaphore_mem>>)
        %dma_wait3A_142 = arith.constant 0 : i32
        %dma_wait3A_143 = tpu.memref_slice %arg3[%arg0, %add3A_76, %dma_wait3A_142] : memref<2x5008x32xi32, #tpu.memory_space<hbm>> -> memref<1x16x32xi32, #tpu.memory_space<hbm>>
        %dma_wait3A_144 = tpu.memref_squeeze %dma_wait3A_143 : memref<1x16x32xi32, #tpu.memory_space<hbm>> -> memref<16x32xi32, #tpu.memory_space<hbm>>
        %dma_wait3A_145 = arith.constant 0 : i32
        %dma_wait3A_146 = tpu.memref_slice %arg3[%arg0, %add3A_76, %dma_wait3A_145] : memref<2x5008x32xi32, #tpu.memory_space<hbm>> -> memref<1x16x32xi32, #tpu.memory_space<hbm>>
        %dma_wait3A_147 = tpu.memref_squeeze %dma_wait3A_146 : memref<1x16x32xi32, #tpu.memory_space<hbm>> -> memref<16x32xi32, #tpu.memory_space<hbm>>
        tpu.wait_dma2 semaphore(%run_scoped3A : memref<!tpu.dma_semaphore, #tpu.memory_space<semaphore_mem>>) src(%dma_wait3A_147 : memref<16x32xi32, #tpu.memory_space<hbm>>) dst(%arg10 : memref<16x32xi32, #tpu.memory_space<vmem>>)
        tpu.yield
      }) : () -> ()
      "tpu.region"() ({
        %run_scoped3A = tpu.sem_alloc : memref<!tpu.dma_semaphore, #tpu.memory_space<semaphore_mem>>
        %dma_start3A_136 = arith.constant 0 : i32
        %dma_start3A_137 = tpu.memref_slice %arg4[%add3A_76, %dma_start3A_136] : memref<5008x32xi32, #tpu.memory_space<hbm>> -> memref<16x32xi32, #tpu.memory_space<hbm>>
        %dma_start3A_138 = arith.constant 0 : i32
        %dma_start3A_139 = tpu.memref_slice %arg4[%add3A_76, %dma_start3A_138] : memref<5008x32xi32, #tpu.memory_space<hbm>> -> memref<16x32xi32, #tpu.memory_space<hbm>>
        tpu.enqueue_dma source(%dma_start3A_139 : memref<16x32xi32, #tpu.memory_space<hbm>>) target(%arg11 : memref<16x32xi32, #tpu.memory_space<vmem>>) target_semaphore(%run_scoped3A : memref<!tpu.dma_semaphore, #tpu.memory_space<semaphore_mem>>)
        %dma_wait3A_140 = arith.constant 0 : i32
        %dma_wait3A_141 = tpu.memref_slice %arg4[%add3A_76, %dma_wait3A_140] : memref<5008x32xi32, #tpu.memory_space<hbm>> -> memref<16x32xi32, #tpu.memory_space<hbm>>
        %dma_wait3A_142 = arith.constant 0 : i32
        %dma_wait3A_143 = tpu.memref_slice %arg4[%add3A_76, %dma_wait3A_142] : memref<5008x32xi32, #tpu.memory_space<hbm>> -> memref<16x32xi32, #tpu.memory_space<hbm>>
        tpu.wait_dma2 semaphore(%run_scoped3A : memref<!tpu.dma_semaphore, #tpu.memory_space<semaphore_mem>>) src(%dma_wait3A_143 : memref<16x32xi32, #tpu.memory_space<hbm>>) dst(%arg11 : memref<16x32xi32, #tpu.memory_space<vmem>>)
        tpu.yield
      }) : () -> ()
      %mul3A_77 = arith.constant 16 : i32
      %mul3A_78 = arith.muli %add3A_71, %mul3A_77 : i32
      %sub3A = arith.subi %select_n3A, %mul3A_78 : i32
      %min3A_79 = arith.constant 16 : i32
      %min3A_80 = arith.minsi %min3A_79, %sub3A : i32
      %dma_start3A = arith.constant 0 : i32
      %dma_start3A_81 = arith.constant 0 : i32
      %dma_start3A_82 = arith.constant 0 : i32
      %dma_start3A_83 = arith.constant 0 : i32
      %dma_start3A_84 = tpu.memref_slice %arg12[%dma_start3A_82, %dma_start3A_83] : memref<64x128xf32, #tpu.memory_space<vmem>> -> memref<32x128xf32, #tpu.memory_space<vmem>>
      %dma_start3A_85 = arith.constant 0 : i32
      %dma_start3A_86 = tpu.memref_slice %arg9[%dma_start3A, %dma_start3A_85] : memref<16x32xi32, #tpu.memory_space<vmem>> -> memref<1x32xi32, #tpu.memory_space<vmem>>
      %dma_start3A_87 = tpu.memref_squeeze %dma_start3A_86 : memref<1x32xi32, #tpu.memory_space<vmem>> -> memref<32xi32, #tpu.memory_space<vmem>>
      %dma_start3A_88 = arith.constant 0 : i32
      %dma_start3A_89 = arith.constant 0 : i32
      %dma_start3A_90 = tpu.memref_slice %arg6[%dma_start3A_88, %dma_start3A_89] : memref<20000x128xf32, #tpu.memory_space<hbm>> -> memref<20000x128xf32, #tpu.memory_space<hbm>>
      %dma_start3A_91 = tpu.memref_slice %arg16[%dma_start3A_81] : memref<2x!tpu.dma_semaphore, #tpu.memory_space<semaphore_mem>> -> memref<1x!tpu.dma_semaphore, #tpu.memory_space<semaphore_mem>>
      %dma_start3A_92 = tpu.memref_squeeze %dma_start3A_91 : memref<1x!tpu.dma_semaphore, #tpu.memory_space<semaphore_mem>> -> memref<!tpu.dma_semaphore, #tpu.memory_space<semaphore_mem>>
      tpu.enqueue_indirect_dma source(%dma_start3A_90 : memref<20000x128xf32, #tpu.memory_space<hbm>>) target(%dma_start3A_84 : memref<32x128xf32, #tpu.memory_space<vmem>>) offsets(%dma_start3A_87 : memref<32xi32, #tpu.memory_space<vmem>>) semaphore(%dma_start3A_92 : memref<!tpu.dma_semaphore, #tpu.memory_space<semaphore_mem>>)
      %dma_start3A_93 = arith.constant 0 : i32
      %dma_start3A_94 = arith.constant 0 : i32
      %dma_start3A_95 = arith.constant 0 : i32
      %dma_start3A_96 = arith.constant 0 : i32
      %dma_start3A_97 = tpu.memref_slice %arg13[%dma_start3A_95, %dma_start3A_96] : memref<64x128xf32, #tpu.memory_space<vmem>> -> memref<32x128xf32, #tpu.memory_space<vmem>>
      %dma_start3A_98 = arith.constant 0 : i32
      %dma_start3A_99 = tpu.memref_slice %arg10[%dma_start3A_93, %dma_start3A_98] : memref<16x32xi32, #tpu.memory_space<vmem>> -> memref<1x32xi32, #tpu.memory_space<vmem>>
      %dma_start3A_100 = tpu.memref_squeeze %dma_start3A_99 : memref<1x32xi32, #tpu.memory_space<vmem>> -> memref<32xi32, #tpu.memory_space<vmem>>
      %dma_start3A_101 = arith.constant 0 : i32
      %dma_start3A_102 = arith.constant 0 : i32
      %dma_start3A_103 = tpu.memref_slice %arg5[%dma_start3A_101, %dma_start3A_102] : memref<20000x128xf32, #tpu.memory_space<hbm>> -> memref<20000x128xf32, #tpu.memory_space<hbm>>
      %dma_start3A_104 = tpu.memref_slice %arg16[%dma_start3A_94] : memref<2x!tpu.dma_semaphore, #tpu.memory_space<semaphore_mem>> -> memref<1x!tpu.dma_semaphore, #tpu.memory_space<semaphore_mem>>
      %dma_start3A_105 = tpu.memref_squeeze %dma_start3A_104 : memref<1x!tpu.dma_semaphore, #tpu.memory_space<semaphore_mem>> -> memref<!tpu.dma_semaphore, #tpu.memory_space<semaphore_mem>>
      tpu.enqueue_indirect_dma source(%dma_start3A_103 : memref<20000x128xf32, #tpu.memory_space<hbm>>) target(%dma_start3A_97 : memref<32x128xf32, #tpu.memory_space<vmem>>) offsets(%dma_start3A_100 : memref<32xi32, #tpu.memory_space<vmem>>) semaphore(%dma_start3A_105 : memref<!tpu.dma_semaphore, #tpu.memory_space<semaphore_mem>>)
      %dma_start3A_106 = arith.constant 0 : i32
      %dma_start3A_107 = arith.constant 0 : i32
      %dma_start3A_108 = arith.constant 0 : i32
      %dma_start3A_109 = arith.constant 0 : i32
      %dma_start3A_110 = tpu.memref_slice %arg14[%dma_start3A_108, %dma_start3A_109] : memref<64x128xf32, #tpu.memory_space<vmem>> -> memref<32x128xf32, #tpu.memory_space<vmem>>
      %dma_start3A_111 = arith.constant 0 : i32
      %dma_start3A_112 = tpu.memref_slice %arg9[%dma_start3A_106, %dma_start3A_111] : memref<16x32xi32, #tpu.memory_space<vmem>> -> memref<1x32xi32, #tpu.memory_space<vmem>>
      %dma_start3A_113 = tpu.memref_squeeze %dma_start3A_112 : memref<1x32xi32, #tpu.memory_space<vmem>> -> memref<32xi32, #tpu.memory_space<vmem>>
      %dma_start3A_114 = arith.constant 0 : i32
      %dma_start3A_115 = arith.constant 0 : i32
      %dma_start3A_116 = tpu.memref_slice %arg7[%dma_start3A_114, %dma_start3A_115] : memref<20000x128xf32, #tpu.memory_space<hbm>> -> memref<20000x128xf32, #tpu.memory_space<hbm>>
      %dma_start3A_117 = tpu.memref_slice %arg16[%dma_start3A_107] : memref<2x!tpu.dma_semaphore, #tpu.memory_space<semaphore_mem>> -> memref<1x!tpu.dma_semaphore, #tpu.memory_space<semaphore_mem>>
      %dma_start3A_118 = tpu.memref_squeeze %dma_start3A_117 : memref<1x!tpu.dma_semaphore, #tpu.memory_space<semaphore_mem>> -> memref<!tpu.dma_semaphore, #tpu.memory_space<semaphore_mem>>
      tpu.enqueue_indirect_dma source(%dma_start3A_116 : memref<20000x128xf32, #tpu.memory_space<hbm>>) target(%dma_start3A_110 : memref<32x128xf32, #tpu.memory_space<vmem>>) offsets(%dma_start3A_113 : memref<32xi32, #tpu.memory_space<vmem>>) semaphore(%dma_start3A_118 : memref<!tpu.dma_semaphore, #tpu.memory_space<semaphore_mem>>)
      %sub3A_119 = arith.constant 0 : i32
      %sub3A_120 = arith.subi %min3A_80, %sub3A_119 : i32
      %sub3A_121 = arith.constant 1 : i32
      %sub3A_122 = arith.constant 1 : i32
      %sub3A_123 = arith.subi %sub3A_121, %sub3A_122 : i32
      %add3A_124 = arith.addi %sub3A_120, %sub3A_123 : i32
      %div3A = arith.constant 1 : i32
      %div3A_125 = arith.divsi %add3A_124, %div3A : i32
      %while3A = arith.constant 1 : i32
      %while3A_126 = arith.constant 0 : i32
      %while3A_127 = arith.constant 0 : i32
      %while3A_128 = arith.subi %div3A_125, %while3A_127 : i32
      %while3A_129 = arith.addi %while3A_127, %while3A_128 : i32
      %while3A_130 = arith.constant 1 : i32
      %while3A_131 = arith.divsi %while3A_128, %while3A_130 : i32
      %while3A_132 = arith.muli %while3A_131, %while3A_130 : i32
      %while3A_133 = arith.addi %while3A_127, %while3A_132 : i32
      %while3A_134 = arith.constant 1 : i32
      scf.for %while3A_136 = %while3A_127 to %while3A_133 step %while3A_134  : i32 {
        %mul3A_137 = arith.muli %while3A_136, %while3A : i32
        %add3A_138 = arith.addi %while3A_126, %mul3A_137 : i32
        %and3A = arith.constant 1 : i32
        %and3A_139 = arith.andi %add3A_138, %and3A : i32
        %add3A_140 = arith.constant 1 : i32
        %add3A_141 = arith.addi %add3A_138, %add3A_140 : i32
        %lt3A_142 = arith.cmpi slt, %add3A_141, %min3A_80 : i32
        %convert_element_type3A_143 = arith.extui %lt3A_142 : i1 to i32
        %cond3A_144 = arith.constant 0 : i32
        %cond3A_145 = arith.cmpi ne, %convert_element_type3A_143, %cond3A_144 : i32
        scf.if %cond3A_145 {
          %add3A_202 = arith.constant 1 : i32
          %add3A_203 = arith.addi %add3A_138, %add3A_202 : i32
          %sub3A_204 = arith.constant 1 : i32
          %sub3A_205 = arith.subi %sub3A_204, %and3A_139 : i32
          %mul3A_206 = arith.constant 32 : i32
          %mul3A_207 = arith.muli %sub3A_205, %mul3A_206 : i32
          %dma_start3A_208 = arith.constant 0 : i32
          %dma_start3A_209 = tpu.memref_slice %arg12[%mul3A_207, %dma_start3A_208] : memref<64x128xf32, #tpu.memory_space<vmem>> -> memref<32x128xf32, #tpu.memory_space<vmem>>
          %dma_start3A_210 = arith.constant 0 : i32
          %dma_start3A_211 = tpu.memref_slice %arg9[%add3A_203, %dma_start3A_210] : memref<16x32xi32, #tpu.memory_space<vmem>> -> memref<1x32xi32, #tpu.memory_space<vmem>>
          %dma_start3A_212 = tpu.memref_squeeze %dma_start3A_211 : memref<1x32xi32, #tpu.memory_space<vmem>> -> memref<32xi32, #tpu.memory_space<vmem>>
          %dma_start3A_213 = arith.constant 0 : i32
          %dma_start3A_214 = arith.constant 0 : i32
          %dma_start3A_215 = tpu.memref_slice %arg6[%dma_start3A_213, %dma_start3A_214] : memref<20000x128xf32, #tpu.memory_space<hbm>> -> memref<20000x128xf32, #tpu.memory_space<hbm>>
          %dma_start3A_216 = tpu.memref_slice %arg16[%sub3A_205] : memref<2x!tpu.dma_semaphore, #tpu.memory_space<semaphore_mem>> -> memref<1x!tpu.dma_semaphore, #tpu.memory_space<semaphore_mem>>
          %dma_start3A_217 = tpu.memref_squeeze %dma_start3A_216 : memref<1x!tpu.dma_semaphore, #tpu.memory_space<semaphore_mem>> -> memref<!tpu.dma_semaphore, #tpu.memory_space<semaphore_mem>>
          tpu.enqueue_indirect_dma source(%dma_start3A_215 : memref<20000x128xf32, #tpu.memory_space<hbm>>) target(%dma_start3A_209 : memref<32x128xf32, #tpu.memory_space<vmem>>) offsets(%dma_start3A_212 : memref<32xi32, #tpu.memory_space<vmem>>) semaphore(%dma_start3A_217 : memref<!tpu.dma_semaphore, #tpu.memory_space<semaphore_mem>>)
          %dma_start3A_218 = arith.constant 0 : i32
          %dma_start3A_219 = tpu.memref_slice %arg13[%mul3A_207, %dma_start3A_218] : memref<64x128xf32, #tpu.memory_space<vmem>> -> memref<32x128xf32, #tpu.memory_space<vmem>>
          %dma_start3A_220 = arith.constant 0 : i32
          %dma_start3A_221 = tpu.memref_slice %arg10[%add3A_203, %dma_start3A_220] : memref<16x32xi32, #tpu.memory_space<vmem>> -> memref<1x32xi32, #tpu.memory_space<vmem>>
          %dma_start3A_222 = tpu.memref_squeeze %dma_start3A_221 : memref<1x32xi32, #tpu.memory_space<vmem>> -> memref<32xi32, #tpu.memory_space<vmem>>
          %dma_start3A_223 = arith.constant 0 : i32
          %dma_start3A_224 = arith.constant 0 : i32
          %dma_start3A_225 = tpu.memref_slice %arg5[%dma_start3A_223, %dma_start3A_224] : memref<20000x128xf32, #tpu.memory_space<hbm>> -> memref<20000x128xf32, #tpu.memory_space<hbm>>
          %dma_start3A_226 = tpu.memref_slice %arg16[%sub3A_205] : memref<2x!tpu.dma_semaphore, #tpu.memory_space<semaphore_mem>> -> memref<1x!tpu.dma_semaphore, #tpu.memory_space<semaphore_mem>>
          %dma_start3A_227 = tpu.memref_squeeze %dma_start3A_226 : memref<1x!tpu.dma_semaphore, #tpu.memory_space<semaphore_mem>> -> memref<!tpu.dma_semaphore, #tpu.memory_space<semaphore_mem>>
          tpu.enqueue_indirect_dma source(%dma_start3A_225 : memref<20000x128xf32, #tpu.memory_space<hbm>>) target(%dma_start3A_219 : memref<32x128xf32, #tpu.memory_space<vmem>>) offsets(%dma_start3A_222 : memref<32xi32, #tpu.memory_space<vmem>>) semaphore(%dma_start3A_227 : memref<!tpu.dma_semaphore, #tpu.memory_space<semaphore_mem>>)
          %dma_start3A_228 = arith.constant 0 : i32
          %dma_start3A_229 = tpu.memref_slice %arg14[%mul3A_207, %dma_start3A_228] : memref<64x128xf32, #tpu.memory_space<vmem>> -> memref<32x128xf32, #tpu.memory_space<vmem>>
          %dma_start3A_230 = arith.constant 0 : i32
          %dma_start3A_231 = tpu.memref_slice %arg9[%add3A_203, %dma_start3A_230] : memref<16x32xi32, #tpu.memory_space<vmem>> -> memref<1x32xi32, #tpu.memory_space<vmem>>
          %dma_start3A_232 = tpu.memref_squeeze %dma_start3A_231 : memref<1x32xi32, #tpu.memory_space<vmem>> -> memref<32xi32, #tpu.memory_space<vmem>>
          %dma_start3A_233 = arith.constant 0 : i32
          %dma_start3A_234 = arith.constant 0 : i32
          %dma_start3A_235 = tpu.memref_slice %arg7[%dma_start3A_233, %dma_start3A_234] : memref<20000x128xf32, #tpu.memory_space<hbm>> -> memref<20000x128xf32, #tpu.memory_space<hbm>>
          %dma_start3A_236 = tpu.memref_slice %arg16[%sub3A_205] : memref<2x!tpu.dma_semaphore, #tpu.memory_space<semaphore_mem>> -> memref<1x!tpu.dma_semaphore, #tpu.memory_space<semaphore_mem>>
          %dma_start3A_237 = tpu.memref_squeeze %dma_start3A_236 : memref<1x!tpu.dma_semaphore, #tpu.memory_space<semaphore_mem>> -> memref<!tpu.dma_semaphore, #tpu.memory_space<semaphore_mem>>
          tpu.enqueue_indirect_dma source(%dma_start3A_235 : memref<20000x128xf32, #tpu.memory_space<hbm>>) target(%dma_start3A_229 : memref<32x128xf32, #tpu.memory_space<vmem>>) offsets(%dma_start3A_232 : memref<32xi32, #tpu.memory_space<vmem>>) semaphore(%dma_start3A_237 : memref<!tpu.dma_semaphore, #tpu.memory_space<semaphore_mem>>)
        } else {
        }
        %mul3A_146 = arith.constant 32 : i32
        %mul3A_147 = arith.muli %and3A_139, %mul3A_146 : i32
        %dma_wait3A_148 = arith.constant 0 : i32
        %dma_wait3A_149 = tpu.memref_slice %arg12[%mul3A_147, %dma_wait3A_148] : memref<64x128xf32, #tpu.memory_space<vmem>> -> memref<32x128xf32, #tpu.memory_space<vmem>>
        %dma_wait3A_150 = arith.constant 0 : i32
        %dma_wait3A_151 = arith.constant 0 : i32
        %dma_wait3A_152 = tpu.memref_slice %arg6[%dma_wait3A_150, %dma_wait3A_151] : memref<20000x128xf32, #tpu.memory_space<hbm>> -> memref<32x128xf32, #tpu.memory_space<hbm>>
        %dma_wait3A_153 = tpu.memref_slice %arg16[%and3A_139] : memref<2x!tpu.dma_semaphore, #tpu.memory_space<semaphore_mem>> -> memref<1x!tpu.dma_semaphore, #tpu.memory_space<semaphore_mem>>
        %dma_wait3A_154 = tpu.memref_squeeze %dma_wait3A_153 : memref<1x!tpu.dma_semaphore, #tpu.memory_space<semaphore_mem>> -> memref<!tpu.dma_semaphore, #tpu.memory_space<semaphore_mem>>
        %dma_wait3A_155 = arith.constant 0 : i32
        %dma_wait3A_156 = tpu.memref_slice %arg12[%mul3A_147, %dma_wait3A_155] : memref<64x128xf32, #tpu.memory_space<vmem>> -> memref<32x128xf32, #tpu.memory_space<vmem>>
        %dma_wait3A_157 = arith.constant 0 : i32
        %dma_wait3A_158 = arith.constant 0 : i32
        %dma_wait3A_159 = tpu.memref_slice %arg6[%dma_wait3A_157, %dma_wait3A_158] : memref<20000x128xf32, #tpu.memory_space<hbm>> -> memref<32x128xf32, #tpu.memory_space<hbm>>
        tpu.wait_dma2 semaphore(%dma_wait3A_154 : memref<!tpu.dma_semaphore, #tpu.memory_space<semaphore_mem>>) src(%dma_wait3A_159 : memref<32x128xf32, #tpu.memory_space<hbm>>) dst(%dma_wait3A_156 : memref<32x128xf32, #tpu.memory_space<vmem>>)
        %dma_wait3A_160 = arith.constant 0 : i32
        %dma_wait3A_161 = tpu.memref_slice %arg13[%mul3A_147, %dma_wait3A_160] : memref<64x128xf32, #tpu.memory_space<vmem>> -> memref<32x128xf32, #tpu.memory_space<vmem>>
        %dma_wait3A_162 = arith.constant 0 : i32
        %dma_wait3A_163 = arith.constant 0 : i32
        %dma_wait3A_164 = tpu.memref_slice %arg6[%dma_wait3A_162, %dma_wait3A_163] : memref<20000x128xf32, #tpu.memory_space<hbm>> -> memref<32x128xf32, #tpu.memory_space<hbm>>
        %dma_wait3A_165 = tpu.memref_slice %arg16[%and3A_139] : memref<2x!tpu.dma_semaphore, #tpu.memory_space<semaphore_mem>> -> memref<1x!tpu.dma_semaphore, #tpu.memory_space<semaphore_mem>>
        %dma_wait3A_166 = tpu.memref_squeeze %dma_wait3A_165 : memref<1x!tpu.dma_semaphore, #tpu.memory_space<semaphore_mem>> -> memref<!tpu.dma_semaphore, #tpu.memory_space<semaphore_mem>>
        %dma_wait3A_167 = arith.constant 0 : i32
        %dma_wait3A_168 = tpu.memref_slice %arg13[%mul3A_147, %dma_wait3A_167] : memref<64x128xf32, #tpu.memory_space<vmem>> -> memref<32x128xf32, #tpu.memory_space<vmem>>
        %dma_wait3A_169 = arith.constant 0 : i32
        %dma_wait3A_170 = arith.constant 0 : i32
        %dma_wait3A_171 = tpu.memref_slice %arg6[%dma_wait3A_169, %dma_wait3A_170] : memref<20000x128xf32, #tpu.memory_space<hbm>> -> memref<32x128xf32, #tpu.memory_space<hbm>>
        tpu.wait_dma2 semaphore(%dma_wait3A_166 : memref<!tpu.dma_semaphore, #tpu.memory_space<semaphore_mem>>) src(%dma_wait3A_171 : memref<32x128xf32, #tpu.memory_space<hbm>>) dst(%dma_wait3A_168 : memref<32x128xf32, #tpu.memory_space<vmem>>)
        %dma_wait3A_172 = arith.constant 0 : i32
        %dma_wait3A_173 = tpu.memref_slice %arg14[%mul3A_147, %dma_wait3A_172] : memref<64x128xf32, #tpu.memory_space<vmem>> -> memref<32x128xf32, #tpu.memory_space<vmem>>
        %dma_wait3A_174 = arith.constant 0 : i32
        %dma_wait3A_175 = arith.constant 0 : i32
        %dma_wait3A_176 = tpu.memref_slice %arg6[%dma_wait3A_174, %dma_wait3A_175] : memref<20000x128xf32, #tpu.memory_space<hbm>> -> memref<32x128xf32, #tpu.memory_space<hbm>>
        %dma_wait3A_177 = tpu.memref_slice %arg16[%and3A_139] : memref<2x!tpu.dma_semaphore, #tpu.memory_space<semaphore_mem>> -> memref<1x!tpu.dma_semaphore, #tpu.memory_space<semaphore_mem>>
        %dma_wait3A_178 = tpu.memref_squeeze %dma_wait3A_177 : memref<1x!tpu.dma_semaphore, #tpu.memory_space<semaphore_mem>> -> memref<!tpu.dma_semaphore, #tpu.memory_space<semaphore_mem>>
        %dma_wait3A_179 = arith.constant 0 : i32
        %dma_wait3A_180 = tpu.memref_slice %arg14[%mul3A_147, %dma_wait3A_179] : memref<64x128xf32, #tpu.memory_space<vmem>> -> memref<32x128xf32, #tpu.memory_space<vmem>>
        %dma_wait3A_181 = arith.constant 0 : i32
        %dma_wait3A_182 = arith.constant 0 : i32
        %dma_wait3A_183 = tpu.memref_slice %arg6[%dma_wait3A_181, %dma_wait3A_182] : memref<20000x128xf32, #tpu.memory_space<hbm>> -> memref<32x128xf32, #tpu.memory_space<hbm>>
        tpu.wait_dma2 semaphore(%dma_wait3A_178 : memref<!tpu.dma_semaphore, #tpu.memory_space<semaphore_mem>>) src(%dma_wait3A_183 : memref<32x128xf32, #tpu.memory_space<hbm>>) dst(%dma_wait3A_180 : memref<32x128xf32, #tpu.memory_space<vmem>>)
        %gt3A_184 = arith.constant 0 : i32
        %gt3A_185 = arith.cmpi sgt, %add3A_138, %gt3A_184 : i32
        %convert_element_type3A_186 = arith.extui %gt3A_185 : i1 to i32
        %cond3A_187 = arith.constant 0 : i32
        %cond3A_188 = arith.cmpi ne, %convert_element_type3A_186, %cond3A_187 : i32
        scf.if %cond3A_188 {
          %dma_wait3A_202 = arith.constant 0 : i32
          %dma_wait3A_203 = arith.constant 0 : i32
          %dma_wait3A_204 = tpu.memref_slice %arg8[%dma_wait3A_202, %dma_wait3A_203] : memref<20480x144xf32, #tpu.memory_space<hbm>> -> memref<32x144xf32, #tpu.memory_space<hbm>>
          %dma_wait3A_205 = arith.constant 0 : i32
          %dma_wait3A_206 = arith.constant 0 : i32
          %dma_wait3A_207 = tpu.memref_slice %arg8[%dma_wait3A_205, %dma_wait3A_206] : memref<20480x144xf32, #tpu.memory_space<hbm>> -> memref<32x144xf32, #tpu.memory_space<hbm>>
          tpu.wait_dma2 semaphore(%arg17 : memref<!tpu.dma_semaphore, #tpu.memory_space<semaphore_mem>>) src(%dma_wait3A_207 : memref<32x144xf32, #tpu.memory_space<hbm>>) dst(%arg15 : memref<32x144xf32, #tpu.memory_space<vmem>>)
        } else {
        }
        %mul3A_189 = arith.constant 32 : i32
        %mul3A_190 = arith.muli %and3A_139, %mul3A_189 : i32
        %scan3A_191 = arith.constant 0 : i32
        %scan3A_192 = arith.constant 2 : i32
        %scan3A_193 = arith.addi %scan3A_191, %scan3A_192 : i32
        %scan3A_194 = arith.constant 1 : i32
        scf.for %scan3A_202 = %scan3A_191 to %scan3A_193 step %scan3A_194  : i32 {
          %mul3A_203 = arith.constant 1 : i32
          %mul3A_204 = arith.muli %scan3A_202, %mul3A_203 : i32
          %add3A_205 = arith.constant 0 : i32
          %add3A_206 = arith.addi %add3A_205, %mul3A_204 : i32
          %mul3A_207 = arith.constant 16 : i32
          %mul3A_208 = arith.muli %add3A_206, %mul3A_207 : i32
          %add3A_209 = vector.broadcast %mul3A_208 : i32 to vector<16xi32>
          %add3A_210 = arith.addi %add3A_209, %iota3A : vector<16xi32>
          %add3A_211 = vector.broadcast %mul3A_190 : i32 to vector<16xi32>
          %add3A_212 = arith.addi %add3A_211, %add3A_210 : vector<16xi32>
          %scan3A_213 = arith.constant 0 : i32
          %scan3A_214 = arith.constant 4 : i32
          %scan3A_215 = arith.addi %scan3A_213, %scan3A_214 : i32
          %scan3A_216 = arith.constant 1 : i32
          scf.for %scan3A_218 = %scan3A_213 to %scan3A_215 step %scan3A_216  : i32 {
            %mul3A_219 = arith.constant 1 : i32
            %mul3A_220 = arith.muli %scan3A_218, %mul3A_219 : i32
            %add3A_221 = arith.constant 0 : i32
            %add3A_222 = arith.addi %add3A_221, %mul3A_220 : i32
            %mul3A_223 = arith.constant 32 : i32
            %mul3A_224 = arith.muli %add3A_222, %mul3A_223 : i32
            %add3A_225 = arith.constant 0 : i32
            %add3A_226 = arith.addi %mul3A_224, %add3A_225 : i32
            %broadcast_in_dim3A_227 = vector.broadcast %add3A_226 : i32 to vector<16xi32>
            %gather3A = tpu.vector_load_idx %arg12[%add3A_212, %broadcast_in_dim3A_227] : memref<64x128xf32, #tpu.memory_space<vmem>>[vector<16xi32>, vector<16xi32>], vector<16xf32>,
            %gather3A_228 = tpu.vector_load_idx %arg13[%add3A_212, %broadcast_in_dim3A_227] : memref<64x128xf32, #tpu.memory_space<vmem>>[vector<16xi32>, vector<16xi32>], vector<16xf32>,
            %mul3A_229 = arith.mulf %gather3A, %gather3A_228 : vector<16xf32>
            %add3A_230 = arith.addf %broadcast_in_dim3A_0, %mul3A_229 : vector<16xf32>
            %add3A_231 = arith.constant 1 : i32
            %add3A_232 = arith.addi %mul3A_224, %add3A_231 : i32
            %broadcast_in_dim3A_233 = vector.broadcast %add3A_232 : i32 to vector<16xi32>
            %gather3A_234 = tpu.vector_load_idx %arg12[%add3A_212, %broadcast_in_dim3A_233] : memref<64x128xf32, #tpu.memory_space<vmem>>[vector<16xi32>, vector<16xi32>], vector<16xf32>,
            %gather3A_235 = tpu.vector_load_idx %arg13[%add3A_212, %broadcast_in_dim3A_233] : memref<64x128xf32, #tpu.memory_space<vmem>>[vector<16xi32>, vector<16xi32>], vector<16xf32>,
            %mul3A_236 = arith.mulf %gather3A_234, %gather3A_235 : vector<16xf32>
            %add3A_237 = arith.addf %add3A_230, %mul3A_236 : vector<16xf32>
            %add3A_238 = arith.constant 2 : i32
            %add3A_239 = arith.addi %mul3A_224, %add3A_238 : i32
            %broadcast_in_dim3A_240 = vector.broadcast %add3A_239 : i32 to vector<16xi32>
            %gather3A_241 = tpu.vector_load_idx %arg12[%add3A_212, %broadcast_in_dim3A_240] : memref<64x128xf32, #tpu.memory_space<vmem>>[vector<16xi32>, vector<16xi32>], vector<16xf32>,
            %gather3A_242 = tpu.vector_load_idx %arg13[%add3A_212, %broadcast_in_dim3A_240] : memref<64x128xf32, #tpu.memory_space<vmem>>[vector<16xi32>, vector<16xi32>], vector<16xf32>,
            %mul3A_243 = arith.mulf %gather3A_241, %gather3A_242 : vector<16xf32>
            %add3A_244 = arith.addf %add3A_237, %mul3A_243 : vector<16xf32>
            %add3A_245 = arith.constant 3 : i32
            %add3A_246 = arith.addi %mul3A_224, %add3A_245 : i32
            %broadcast_in_dim3A_247 = vector.broadcast %add3A_246 : i32 to vector<16xi32>
            %gather3A_248 = tpu.vector_load_idx %arg12[%add3A_212, %broadcast_in_dim3A_247] : memref<64x128xf32, #tpu.memory_space<vmem>>[vector<16xi32>, vector<16xi32>], vector<16xf32>,
            %gather3A_249 = tpu.vector_load_idx %arg13[%add3A_212, %broadcast_in_dim3A_247] : memref<64x128xf32, #tpu.memory_space<vmem>>[vector<16xi32>, vector<16xi32>], vector<16xf32>,
            %mul3A_250 = arith.mulf %gather3A_248, %gather3A_249 : vector<16xf32>
            %add3A_251 = arith.addf %add3A_244, %mul3A_250 : vector<16xf32>
            %add3A_252 = arith.constant 4 : i32
            %add3A_253 = arith.addi %mul3A_224, %add3A_252 : i32
            %broadcast_in_dim3A_254 = vector.broadcast %add3A_253 : i32 to vector<16xi32>
            %gather3A_255 = tpu.vector_load_idx %arg12[%add3A_212, %broadcast_in_dim3A_254] : memref<64x128xf32, #tpu.memory_space<vmem>>[vector<16xi32>, vector<16xi32>], vector<16xf32>,
            %gather3A_256 = tpu.vector_load_idx %arg13[%add3A_212, %broadcast_in_dim3A_254] : memref<64x128xf32, #tpu.memory_space<vmem>>[vector<16xi32>, vector<16xi32>], vector<16xf32>,
            %mul3A_257 = arith.mulf %gather3A_255, %gather3A_256 : vector<16xf32>
            %add3A_258 = arith.addf %add3A_251, %mul3A_257 : vector<16xf32>
            %add3A_259 = arith.constant 5 : i32
            %add3A_260 = arith.addi %mul3A_224, %add3A_259 : i32
            %broadcast_in_dim3A_261 = vector.broadcast %add3A_260 : i32 to vector<16xi32>
            %gather3A_262 = tpu.vector_load_idx %arg12[%add3A_212, %broadcast_in_dim3A_261] : memref<64x128xf32, #tpu.memory_space<vmem>>[vector<16xi32>, vector<16xi32>], vector<16xf32>,
            %gather3A_263 = tpu.vector_load_idx %arg13[%add3A_212, %broadcast_in_dim3A_261] : memref<64x128xf32, #tpu.memory_space<vmem>>[vector<16xi32>, vector<16xi32>], vector<16xf32>,
            %mul3A_264 = arith.mulf %gather3A_262, %gather3A_263 : vector<16xf32>
            %add3A_265 = arith.addf %add3A_258, %mul3A_264 : vector<16xf32>
            %add3A_266 = arith.constant 6 : i32
            %add3A_267 = arith.addi %mul3A_224, %add3A_266 : i32
            %broadcast_in_dim3A_268 = vector.broadcast %add3A_267 : i32 to vector<16xi32>
            %gather3A_269 = tpu.vector_load_idx %arg12[%add3A_212, %broadcast_in_dim3A_268] : memref<64x128xf32, #tpu.memory_space<vmem>>[vector<16xi32>, vector<16xi32>], vector<16xf32>,
            %gather3A_270 = tpu.vector_load_idx %arg13[%add3A_212, %broadcast_in_dim3A_268] : memref<64x128xf32, #tpu.memory_space<vmem>>[vector<16xi32>, vector<16xi32>], vector<16xf32>,
            %mul3A_271 = arith.mulf %gather3A_269, %gather3A_270 : vector<16xf32>
            %add3A_272 = arith.addf %add3A_265, %mul3A_271 : vector<16xf32>
            %add3A_273 = arith.constant 7 : i32
            %add3A_274 = arith.addi %mul3A_224, %add3A_273 : i32
            %broadcast_in_dim3A_275 = vector.broadcast %add3A_274 : i32 to vector<16xi32>
            %gather3A_276 = tpu.vector_load_idx %arg12[%add3A_212, %broadcast_in_dim3A_275] : memref<64x128xf32, #tpu.memory_space<vmem>>[vector<16xi32>, vector<16xi32>], vector<16xf32>,
            %gather3A_277 = tpu.vector_load_idx %arg13[%add3A_212, %broadcast_in_dim3A_275] : memref<64x128xf32, #tpu.memory_space<vmem>>[vector<16xi32>, vector<16xi32>], vector<16xf32>,
            %mul3A_278 = arith.mulf %gather3A_276, %gather3A_277 : vector<16xf32>
            %add3A_279 = arith.addf %add3A_272, %mul3A_278 : vector<16xf32>
            %add3A_280 = arith.constant 8 : i32
            %add3A_281 = arith.addi %mul3A_224, %add3A_280 : i32
            %broadcast_in_dim3A_282 = vector.broadcast %add3A_281 : i32 to vector<16xi32>
            %gather3A_283 = tpu.vector_load_idx %arg12[%add3A_212, %broadcast_in_dim3A_282] : memref<64x128xf32, #tpu.memory_space<vmem>>[vector<16xi32>, vector<16xi32>], vector<16xf32>,
            %gather3A_284 = tpu.vector_load_idx %arg13[%add3A_212, %broadcast_in_dim3A_282] : memref<64x128xf32, #tpu.memory_space<vmem>>[vector<16xi32>, vector<16xi32>], vector<16xf32>,
            %mul3A_285 = arith.mulf %gather3A_283, %gather3A_284 : vector<16xf32>
            %add3A_286 = arith.addf %add3A_279, %mul3A_285 : vector<16xf32>
            %add3A_287 = arith.constant 9 : i32
            %add3A_288 = arith.addi %mul3A_224, %add3A_287 : i32
            %broadcast_in_dim3A_289 = vector.broadcast %add3A_288 : i32 to vector<16xi32>
            %gather3A_290 = tpu.vector_load_idx %arg12[%add3A_212, %broadcast_in_dim3A_289] : memref<64x128xf32, #tpu.memory_space<vmem>>[vector<16xi32>, vector<16xi32>], vector<16xf32>,
            %gather3A_291 = tpu.vector_load_idx %arg13[%add3A_212, %broadcast_in_dim3A_289] : memref<64x128xf32, #tpu.memory_space<vmem>>[vector<16xi32>, vector<16xi32>], vector<16xf32>,
            %mul3A_292 = arith.mulf %gather3A_290, %gather3A_291 : vector<16xf32>
            %add3A_293 = arith.addf %add3A_286, %mul3A_292 : vector<16xf32>
            %add3A_294 = arith.constant 10 : i32
            %add3A_295 = arith.addi %mul3A_224, %add3A_294 : i32
            %broadcast_in_dim3A_296 = vector.broadcast %add3A_295 : i32 to vector<16xi32>
            %gather3A_297 = tpu.vector_load_idx %arg12[%add3A_212, %broadcast_in_dim3A_296] : memref<64x128xf32, #tpu.memory_space<vmem>>[vector<16xi32>, vector<16xi32>], vector<16xf32>,
            %gather3A_298 = tpu.vector_load_idx %arg13[%add3A_212, %broadcast_in_dim3A_296] : memref<64x128xf32, #tpu.memory_space<vmem>>[vector<16xi32>, vector<16xi32>], vector<16xf32>,
            %mul3A_299 = arith.mulf %gather3A_297, %gather3A_298 : vector<16xf32>
            %add3A_300 = arith.addf %add3A_293, %mul3A_299 : vector<16xf32>
            %add3A_301 = arith.constant 11 : i32
            %add3A_302 = arith.addi %mul3A_224, %add3A_301 : i32
            %broadcast_in_dim3A_303 = vector.broadcast %add3A_302 : i32 to vector<16xi32>
            %gather3A_304 = tpu.vector_load_idx %arg12[%add3A_212, %broadcast_in_dim3A_303] : memref<64x128xf32, #tpu.memory_space<vmem>>[vector<16xi32>, vector<16xi32>], vector<16xf32>,
            %gather3A_305 = tpu.vector_load_idx %arg13[%add3A_212, %broadcast_in_dim3A_303] : memref<64x128xf32, #tpu.memory_space<vmem>>[vector<16xi32>, vector<16xi32>], vector<16xf32>,
            %mul3A_306 = arith.mulf %gather3A_304, %gather3A_305 : vector<16xf32>
            %add3A_307 = arith.addf %add3A_300, %mul3A_306 : vector<16xf32>
            %add3A_308 = arith.constant 12 : i32
            %add3A_309 = arith.addi %mul3A_224, %add3A_308 : i32
            %broadcast_in_dim3A_310 = vector.broadcast %add3A_309 : i32 to vector<16xi32>
            %gather3A_311 = tpu.vector_load_idx %arg12[%add3A_212, %broadcast_in_dim3A_310] : memref<64x128xf32, #tpu.memory_space<vmem>>[vector<16xi32>, vector<16xi32>], vector<16xf32>,
            %gather3A_312 = tpu.vector_load_idx %arg13[%add3A_212, %broadcast_in_dim3A_310] : memref<64x128xf32, #tpu.memory_space<vmem>>[vector<16xi32>, vector<16xi32>], vector<16xf32>,
            %mul3A_313 = arith.mulf %gather3A_311, %gather3A_312 : vector<16xf32>
            %add3A_314 = arith.addf %add3A_307, %mul3A_313 : vector<16xf32>
            %add3A_315 = arith.constant 13 : i32
            %add3A_316 = arith.addi %mul3A_224, %add3A_315 : i32
            %broadcast_in_dim3A_317 = vector.broadcast %add3A_316 : i32 to vector<16xi32>
            %gather3A_318 = tpu.vector_load_idx %arg12[%add3A_212, %broadcast_in_dim3A_317] : memref<64x128xf32, #tpu.memory_space<vmem>>[vector<16xi32>, vector<16xi32>], vector<16xf32>,
            %gather3A_319 = tpu.vector_load_idx %arg13[%add3A_212, %broadcast_in_dim3A_317] : memref<64x128xf32, #tpu.memory_space<vmem>>[vector<16xi32>, vector<16xi32>], vector<16xf32>,
            %mul3A_320 = arith.mulf %gather3A_318, %gather3A_319 : vector<16xf32>
            %add3A_321 = arith.addf %add3A_314, %mul3A_320 : vector<16xf32>
            %add3A_322 = arith.constant 14 : i32
            %add3A_323 = arith.addi %mul3A_224, %add3A_322 : i32
            %broadcast_in_dim3A_324 = vector.broadcast %add3A_323 : i32 to vector<16xi32>
            %gather3A_325 = tpu.vector_load_idx %arg12[%add3A_212, %broadcast_in_dim3A_324] : memref<64x128xf32, #tpu.memory_space<vmem>>[vector<16xi32>, vector<16xi32>], vector<16xf32>,
            %gather3A_326 = tpu.vector_load_idx %arg13[%add3A_212, %broadcast_in_dim3A_324] : memref<64x128xf32, #tpu.memory_space<vmem>>[vector<16xi32>, vector<16xi32>], vector<16xf32>,
            %mul3A_327 = arith.mulf %gather3A_325, %gather3A_326 : vector<16xf32>
            %add3A_328 = arith.addf %add3A_321, %mul3A_327 : vector<16xf32>
            %add3A_329 = arith.constant 15 : i32
            %add3A_330 = arith.addi %mul3A_224, %add3A_329 : i32
            %broadcast_in_dim3A_331 = vector.broadcast %add3A_330 : i32 to vector<16xi32>
            %gather3A_332 = tpu.vector_load_idx %arg12[%add3A_212, %broadcast_in_dim3A_331] : memref<64x128xf32, #tpu.memory_space<vmem>>[vector<16xi32>, vector<16xi32>], vector<16xf32>,
            %gather3A_333 = tpu.vector_load_idx %arg13[%add3A_212, %broadcast_in_dim3A_331] : memref<64x128xf32, #tpu.memory_space<vmem>>[vector<16xi32>, vector<16xi32>], vector<16xf32>,
            %mul3A_334 = arith.mulf %gather3A_332, %gather3A_333 : vector<16xf32>
            %add3A_335 = arith.addf %add3A_328, %mul3A_334 : vector<16xf32>
            %add3A_336 = arith.constant 16 : i32
            %add3A_337 = arith.addi %mul3A_224, %add3A_336 : i32
            %broadcast_in_dim3A_338 = vector.broadcast %add3A_337 : i32 to vector<16xi32>
            %gather3A_339 = tpu.vector_load_idx %arg12[%add3A_212, %broadcast_in_dim3A_338] : memref<64x128xf32, #tpu.memory_space<vmem>>[vector<16xi32>, vector<16xi32>], vector<16xf32>,
            %gather3A_340 = tpu.vector_load_idx %arg13[%add3A_212, %broadcast_in_dim3A_338] : memref<64x128xf32, #tpu.memory_space<vmem>>[vector<16xi32>, vector<16xi32>], vector<16xf32>,
            %mul3A_341 = arith.mulf %gather3A_339, %gather3A_340 : vector<16xf32>
            %add3A_342 = arith.addf %add3A_335, %mul3A_341 : vector<16xf32>
            %add3A_343 = arith.constant 17 : i32
            %add3A_344 = arith.addi %mul3A_224, %add3A_343 : i32
            %broadcast_in_dim3A_345 = vector.broadcast %add3A_344 : i32 to vector<16xi32>
            %gather3A_346 = tpu.vector_load_idx %arg12[%add3A_212, %broadcast_in_dim3A_345] : memref<64x128xf32, #tpu.memory_space<vmem>>[vector<16xi32>, vector<16xi32>], vector<16xf32>,
            %gather3A_347 = tpu.vector_load_idx %arg13[%add3A_212, %broadcast_in_dim3A_345] : memref<64x128xf32, #tpu.memory_space<vmem>>[vector<16xi32>, vector<16xi32>], vector<16xf32>,
            %mul3A_348 = arith.mulf %gather3A_346, %gather3A_347 : vector<16xf32>
            %add3A_349 = arith.addf %add3A_342, %mul3A_348 : vector<16xf32>
            %add3A_350 = arith.constant 18 : i32
            %add3A_351 = arith.addi %mul3A_224, %add3A_350 : i32
            %broadcast_in_dim3A_352 = vector.broadcast %add3A_351 : i32 to vector<16xi32>
            %gather3A_353 = tpu.vector_load_idx %arg12[%add3A_212, %broadcast_in_dim3A_352] : memref<64x128xf32, #tpu.memory_space<vmem>>[vector<16xi32>, vector<16xi32>], vector<16xf32>,
            %gather3A_354 = tpu.vector_load_idx %arg13[%add3A_212, %broadcast_in_dim3A_352] : memref<64x128xf32, #tpu.memory_space<vmem>>[vector<16xi32>, vector<16xi32>], vector<16xf32>,
            %mul3A_355 = arith.mulf %gather3A_353, %gather3A_354 : vector<16xf32>
            %add3A_356 = arith.addf %add3A_349, %mul3A_355 : vector<16xf32>
            %add3A_357 = arith.constant 19 : i32
            %add3A_358 = arith.addi %mul3A_224, %add3A_357 : i32
            %broadcast_in_dim3A_359 = vector.broadcast %add3A_358 : i32 to vector<16xi32>
            %gather3A_360 = tpu.vector_load_idx %arg12[%add3A_212, %broadcast_in_dim3A_359] : memref<64x128xf32, #tpu.memory_space<vmem>>[vector<16xi32>, vector<16xi32>], vector<16xf32>,
            %gather3A_361 = tpu.vector_load_idx %arg13[%add3A_212, %broadcast_in_dim3A_359] : memref<64x128xf32, #tpu.memory_space<vmem>>[vector<16xi32>, vector<16xi32>], vector<16xf32>,
            %mul3A_362 = arith.mulf %gather3A_360, %gather3A_361 : vector<16xf32>
            %add3A_363 = arith.addf %add3A_356, %mul3A_362 : vector<16xf32>
            %add3A_364 = arith.constant 20 : i32
            %add3A_365 = arith.addi %mul3A_224, %add3A_364 : i32
            %broadcast_in_dim3A_366 = vector.broadcast %add3A_365 : i32 to vector<16xi32>
            %gather3A_367 = tpu.vector_load_idx %arg12[%add3A_212, %broadcast_in_dim3A_366] : memref<64x128xf32, #tpu.memory_space<vmem>>[vector<16xi32>, vector<16xi32>], vector<16xf32>,
            %gather3A_368 = tpu.vector_load_idx %arg13[%add3A_212, %broadcast_in_dim3A_366] : memref<64x128xf32, #tpu.memory_space<vmem>>[vector<16xi32>, vector<16xi32>], vector<16xf32>,
            %mul3A_369 = arith.mulf %gather3A_367, %gather3A_368 : vector<16xf32>
            %add3A_370 = arith.addf %add3A_363, %mul3A_369 : vector<16xf32>
            %add3A_371 = arith.constant 21 : i32
            %add3A_372 = arith.addi %mul3A_224, %add3A_371 : i32
            %broadcast_in_dim3A_373 = vector.broadcast %add3A_372 : i32 to vector<16xi32>
            %gather3A_374 = tpu.vector_load_idx %arg12[%add3A_212, %broadcast_in_dim3A_373] : memref<64x128xf32, #tpu.memory_space<vmem>>[vector<16xi32>, vector<16xi32>], vector<16xf32>,
            %gather3A_375 = tpu.vector_load_idx %arg13[%add3A_212, %broadcast_in_dim3A_373] : memref<64x128xf32, #tpu.memory_space<vmem>>[vector<16xi32>, vector<16xi32>], vector<16xf32>,
            %mul3A_376 = arith.mulf %gather3A_374, %gather3A_375 : vector<16xf32>
            %add3A_377 = arith.addf %add3A_370, %mul3A_376 : vector<16xf32>
            %add3A_378 = arith.constant 22 : i32
            %add3A_379 = arith.addi %mul3A_224, %add3A_378 : i32
            %broadcast_in_dim3A_380 = vector.broadcast %add3A_379 : i32 to vector<16xi32>
            %gather3A_381 = tpu.vector_load_idx %arg12[%add3A_212, %broadcast_in_dim3A_380] : memref<64x128xf32, #tpu.memory_space<vmem>>[vector<16xi32>, vector<16xi32>], vector<16xf32>,
            %gather3A_382 = tpu.vector_load_idx %arg13[%add3A_212, %broadcast_in_dim3A_380] : memref<64x128xf32, #tpu.memory_space<vmem>>[vector<16xi32>, vector<16xi32>], vector<16xf32>,
            %mul3A_383 = arith.mulf %gather3A_381, %gather3A_382 : vector<16xf32>
            %add3A_384 = arith.addf %add3A_377, %mul3A_383 : vector<16xf32>
            %add3A_385 = arith.constant 23 : i32
            %add3A_386 = arith.addi %mul3A_224, %add3A_385 : i32
            %broadcast_in_dim3A_387 = vector.broadcast %add3A_386 : i32 to vector<16xi32>
            %gather3A_388 = tpu.vector_load_idx %arg12[%add3A_212, %broadcast_in_dim3A_387] : memref<64x128xf32, #tpu.memory_space<vmem>>[vector<16xi32>, vector<16xi32>], vector<16xf32>,
            %gather3A_389 = tpu.vector_load_idx %arg13[%add3A_212, %broadcast_in_dim3A_387] : memref<64x128xf32, #tpu.memory_space<vmem>>[vector<16xi32>, vector<16xi32>], vector<16xf32>,
            %mul3A_390 = arith.mulf %gather3A_388, %gather3A_389 : vector<16xf32>
            %add3A_391 = arith.addf %add3A_384, %mul3A_390 : vector<16xf32>
            %add3A_392 = arith.constant 24 : i32
            %add3A_393 = arith.addi %mul3A_224, %add3A_392 : i32
            %broadcast_in_dim3A_394 = vector.broadcast %add3A_393 : i32 to vector<16xi32>
            %gather3A_395 = tpu.vector_load_idx %arg12[%add3A_212, %broadcast_in_dim3A_394] : memref<64x128xf32, #tpu.memory_space<vmem>>[vector<16xi32>, vector<16xi32>], vector<16xf32>,
            %gather3A_396 = tpu.vector_load_idx %arg13[%add3A_212, %broadcast_in_dim3A_394] : memref<64x128xf32, #tpu.memory_space<vmem>>[vector<16xi32>, vector<16xi32>], vector<16xf32>,
            %mul3A_397 = arith.mulf %gather3A_395, %gather3A_396 : vector<16xf32>
            %add3A_398 = arith.addf %add3A_391, %mul3A_397 : vector<16xf32>
            %add3A_399 = arith.constant 25 : i32
            %add3A_400 = arith.addi %mul3A_224, %add3A_399 : i32
            %broadcast_in_dim3A_401 = vector.broadcast %add3A_400 : i32 to vector<16xi32>
            %gather3A_402 = tpu.vector_load_idx %arg12[%add3A_212, %broadcast_in_dim3A_401] : memref<64x128xf32, #tpu.memory_space<vmem>>[vector<16xi32>, vector<16xi32>], vector<16xf32>,
            %gather3A_403 = tpu.vector_load_idx %arg13[%add3A_212, %broadcast_in_dim3A_401] : memref<64x128xf32, #tpu.memory_space<vmem>>[vector<16xi32>, vector<16xi32>], vector<16xf32>,
            %mul3A_404 = arith.mulf %gather3A_402, %gather3A_403 : vector<16xf32>
            %add3A_405 = arith.addf %add3A_398, %mul3A_404 : vector<16xf32>
            %add3A_406 = arith.constant 26 : i32
            %add3A_407 = arith.addi %mul3A_224, %add3A_406 : i32
            %broadcast_in_dim3A_408 = vector.broadcast %add3A_407 : i32 to vector<16xi32>
            %gather3A_409 = tpu.vector_load_idx %arg12[%add3A_212, %broadcast_in_dim3A_408] : memref<64x128xf32, #tpu.memory_space<vmem>>[vector<16xi32>, vector<16xi32>], vector<16xf32>,
            %gather3A_410 = tpu.vector_load_idx %arg13[%add3A_212, %broadcast_in_dim3A_408] : memref<64x128xf32, #tpu.memory_space<vmem>>[vector<16xi32>, vector<16xi32>], vector<16xf32>,
            %mul3A_411 = arith.mulf %gather3A_409, %gather3A_410 : vector<16xf32>
            %add3A_412 = arith.addf %add3A_405, %mul3A_411 : vector<16xf32>
            %add3A_413 = arith.constant 27 : i32
            %add3A_414 = arith.addi %mul3A_224, %add3A_413 : i32
            %broadcast_in_dim3A_415 = vector.broadcast %add3A_414 : i32 to vector<16xi32>
            %gather3A_416 = tpu.vector_load_idx %arg12[%add3A_212, %broadcast_in_dim3A_415] : memref<64x128xf32, #tpu.memory_space<vmem>>[vector<16xi32>, vector<16xi32>], vector<16xf32>,
            %gather3A_417 = tpu.vector_load_idx %arg13[%add3A_212, %broadcast_in_dim3A_415] : memref<64x128xf32, #tpu.memory_space<vmem>>[vector<16xi32>, vector<16xi32>], vector<16xf32>,
            %mul3A_418 = arith.mulf %gather3A_416, %gather3A_417 : vector<16xf32>
            %add3A_419 = arith.addf %add3A_412, %mul3A_418 : vector<16xf32>
            %add3A_420 = arith.constant 28 : i32
            %add3A_421 = arith.addi %mul3A_224, %add3A_420 : i32
            %broadcast_in_dim3A_422 = vector.broadcast %add3A_421 : i32 to vector<16xi32>
            %gather3A_423 = tpu.vector_load_idx %arg12[%add3A_212, %broadcast_in_dim3A_422] : memref<64x128xf32, #tpu.memory_space<vmem>>[vector<16xi32>, vector<16xi32>], vector<16xf32>,
            %gather3A_424 = tpu.vector_load_idx %arg13[%add3A_212, %broadcast_in_dim3A_422] : memref<64x128xf32, #tpu.memory_space<vmem>>[vector<16xi32>, vector<16xi32>], vector<16xf32>,
            %mul3A_425 = arith.mulf %gather3A_423, %gather3A_424 : vector<16xf32>
            %add3A_426 = arith.addf %add3A_419, %mul3A_425 : vector<16xf32>
            %add3A_427 = arith.constant 29 : i32
            %add3A_428 = arith.addi %mul3A_224, %add3A_427 : i32
            %broadcast_in_dim3A_429 = vector.broadcast %add3A_428 : i32 to vector<16xi32>
            %gather3A_430 = tpu.vector_load_idx %arg12[%add3A_212, %broadcast_in_dim3A_429] : memref<64x128xf32, #tpu.memory_space<vmem>>[vector<16xi32>, vector<16xi32>], vector<16xf32>,
            %gather3A_431 = tpu.vector_load_idx %arg13[%add3A_212, %broadcast_in_dim3A_429] : memref<64x128xf32, #tpu.memory_space<vmem>>[vector<16xi32>, vector<16xi32>], vector<16xf32>,
            %mul3A_432 = arith.mulf %gather3A_430, %gather3A_431 : vector<16xf32>
            %add3A_433 = arith.addf %add3A_426, %mul3A_432 : vector<16xf32>
            %add3A_434 = arith.constant 30 : i32
            %add3A_435 = arith.addi %mul3A_224, %add3A_434 : i32
            %broadcast_in_dim3A_436 = vector.broadcast %add3A_435 : i32 to vector<16xi32>
            %gather3A_437 = tpu.vector_load_idx %arg12[%add3A_212, %broadcast_in_dim3A_436] : memref<64x128xf32, #tpu.memory_space<vmem>>[vector<16xi32>, vector<16xi32>], vector<16xf32>,
            %gather3A_438 = tpu.vector_load_idx %arg13[%add3A_212, %broadcast_in_dim3A_436] : memref<64x128xf32, #tpu.memory_space<vmem>>[vector<16xi32>, vector<16xi32>], vector<16xf32>,
            %mul3A_439 = arith.mulf %gather3A_437, %gather3A_438 : vector<16xf32>
            %add3A_440 = arith.addf %add3A_433, %mul3A_439 : vector<16xf32>
            %add3A_441 = arith.constant 31 : i32
            %add3A_442 = arith.addi %mul3A_224, %add3A_441 : i32
            %broadcast_in_dim3A_443 = vector.broadcast %add3A_442 : i32 to vector<16xi32>
            %gather3A_444 = tpu.vector_load_idx %arg12[%add3A_212, %broadcast_in_dim3A_443] : memref<64x128xf32, #tpu.memory_space<vmem>>[vector<16xi32>, vector<16xi32>], vector<16xf32>,
            %gather3A_445 = tpu.vector_load_idx %arg13[%add3A_212, %broadcast_in_dim3A_443] : memref<64x128xf32, #tpu.memory_space<vmem>>[vector<16xi32>, vector<16xi32>], vector<16xf32>,
            %mul3A_446 = arith.mulf %gather3A_444, %gather3A_445 : vector<16xf32>
            %add3A_447 = arith.addf %add3A_440, %mul3A_446 : vector<16xf32>
            %exp3A = math.exp %add3A_447 : vector<16xf32>
            %add3A_448 = arith.constant 128 : i32
            %add3A_449 = arith.addi %add3A_448, %add3A_222 : i32
            %broadcast_in_dim3A_450 = vector.broadcast %add3A_449 : i32 to vector<16xi32>
            tpu.vector_store_idx %arg15[%add3A_210, %broadcast_in_dim3A_450], %exp3A : memref<32x144xf32, #tpu.memory_space<vmem>>[vector<16xi32>, vector<16xi32>], vector<16xf32>,
            %add3A_451 = arith.constant 0 : i32
            %add3A_452 = arith.addi %mul3A_224, %add3A_451 : i32
            %broadcast_in_dim3A_453 = vector.broadcast %add3A_452 : i32 to vector<16xi32>
            %gather3A_454 = tpu.vector_load_idx %arg14[%add3A_212, %broadcast_in_dim3A_453] : memref<64x128xf32, #tpu.memory_space<vmem>>[vector<16xi32>, vector<16xi32>], vector<16xf32>,
            %mul3A_455 = arith.mulf %gather3A_454, %exp3A : vector<16xf32>
            tpu.vector_store_idx %arg15[%add3A_210, %broadcast_in_dim3A_453], %mul3A_455 : memref<32x144xf32, #tpu.memory_space<vmem>>[vector<16xi32>, vector<16xi32>], vector<16xf32>,
            %add3A_456 = arith.constant 1 : i32
            %add3A_457 = arith.addi %mul3A_224, %add3A_456 : i32
            %broadcast_in_dim3A_458 = vector.broadcast %add3A_457 : i32 to vector<16xi32>
            %gather3A_459 = tpu.vector_load_idx %arg14[%add3A_212, %broadcast_in_dim3A_458] : memref<64x128xf32, #tpu.memory_space<vmem>>[vector<16xi32>, vector<16xi32>], vector<16xf32>,
            %mul3A_460 = arith.mulf %gather3A_459, %exp3A : vector<16xf32>
            tpu.vector_store_idx %arg15[%add3A_210, %broadcast_in_dim3A_458], %mul3A_460 : memref<32x144xf32, #tpu.memory_space<vmem>>[vector<16xi32>, vector<16xi32>], vector<16xf32>,
            %add3A_461 = arith.constant 2 : i32
            %add3A_462 = arith.addi %mul3A_224, %add3A_461 : i32
            %broadcast_in_dim3A_463 = vector.broadcast %add3A_462 : i32 to vector<16xi32>
            %gather3A_464 = tpu.vector_load_idx %arg14[%add3A_212, %broadcast_in_dim3A_463] : memref<64x128xf32, #tpu.memory_space<vmem>>[vector<16xi32>, vector<16xi32>], vector<16xf32>,
            %mul3A_465 = arith.mulf %gather3A_464, %exp3A : vector<16xf32>
            tpu.vector_store_idx %arg15[%add3A_210, %broadcast_in_dim3A_463], %mul3A_465 : memref<32x144xf32, #tpu.memory_space<vmem>>[vector<16xi32>, vector<16xi32>], vector<16xf32>,
            %add3A_466 = arith.constant 3 : i32
            %add3A_467 = arith.addi %mul3A_224, %add3A_466 : i32
            %broadcast_in_dim3A_468 = vector.broadcast %add3A_467 : i32 to vector<16xi32>
            %gather3A_469 = tpu.vector_load_idx %arg14[%add3A_212, %broadcast_in_dim3A_468] : memref<64x128xf32, #tpu.memory_space<vmem>>[vector<16xi32>, vector<16xi32>], vector<16xf32>,
            %mul3A_470 = arith.mulf %gather3A_469, %exp3A : vector<16xf32>
            tpu.vector_store_idx %arg15[%add3A_210, %broadcast_in_dim3A_468], %mul3A_470 : memref<32x144xf32, #tpu.memory_space<vmem>>[vector<16xi32>, vector<16xi32>], vector<16xf32>,
            %add3A_471 = arith.constant 4 : i32
            %add3A_472 = arith.addi %mul3A_224, %add3A_471 : i32
            %broadcast_in_dim3A_473 = vector.broadcast %add3A_472 : i32 to vector<16xi32>
            %gather3A_474 = tpu.vector_load_idx %arg14[%add3A_212, %broadcast_in_dim3A_473] : memref<64x128xf32, #tpu.memory_space<vmem>>[vector<16xi32>, vector<16xi32>], vector<16xf32>,
            %mul3A_475 = arith.mulf %gather3A_474, %exp3A : vector<16xf32>
            tpu.vector_store_idx %arg15[%add3A_210, %broadcast_in_dim3A_473], %mul3A_475 : memref<32x144xf32, #tpu.memory_space<vmem>>[vector<16xi32>, vector<16xi32>], vector<16xf32>,
            %add3A_476 = arith.constant 5 : i32
            %add3A_477 = arith.addi %mul3A_224, %add3A_476 : i32
            %broadcast_in_dim3A_478 = vector.broadcast %add3A_477 : i32 to vector<16xi32>
            %gather3A_479 = tpu.vector_load_idx %arg14[%add3A_212, %broadcast_in_dim3A_478] : memref<64x128xf32, #tpu.memory_space<vmem>>[vector<16xi32>, vector<16xi32>], vector<16xf32>,
            %mul3A_480 = arith.mulf %gather3A_479, %exp3A : vector<16xf32>
            tpu.vector_store_idx %arg15[%add3A_210, %broadcast_in_dim3A_478], %mul3A_480 : memref<32x144xf32, #tpu.memory_space<vmem>>[vector<16xi32>, vector<16xi32>], vector<16xf32>,
            %add3A_481 = arith.constant 6 : i32
            %add3A_482 = arith.addi %mul3A_224, %add3A_481 : i32
            %broadcast_in_dim3A_483 = vector.broadcast %add3A_482 : i32 to vector<16xi32>
            %gather3A_484 = tpu.vector_load_idx %arg14[%add3A_212, %broadcast_in_dim3A_483] : memref<64x128xf32, #tpu.memory_space<vmem>>[vector<16xi32>, vector<16xi32>], vector<16xf32>,
            %mul3A_485 = arith.mulf %gather3A_484, %exp3A : vector<16xf32>
            tpu.vector_store_idx %arg15[%add3A_210, %broadcast_in_dim3A_483], %mul3A_485 : memref<32x144xf32, #tpu.memory_space<vmem>>[vector<16xi32>, vector<16xi32>], vector<16xf32>,
            %add3A_486 = arith.constant 7 : i32
            %add3A_487 = arith.addi %mul3A_224, %add3A_486 : i32
            %broadcast_in_dim3A_488 = vector.broadcast %add3A_487 : i32 to vector<16xi32>
            %gather3A_489 = tpu.vector_load_idx %arg14[%add3A_212, %broadcast_in_dim3A_488] : memref<64x128xf32, #tpu.memory_space<vmem>>[vector<16xi32>, vector<16xi32>], vector<16xf32>,
            %mul3A_490 = arith.mulf %gather3A_489, %exp3A : vector<16xf32>
            tpu.vector_store_idx %arg15[%add3A_210, %broadcast_in_dim3A_488], %mul3A_490 : memref<32x144xf32, #tpu.memory_space<vmem>>[vector<16xi32>, vector<16xi32>], vector<16xf32>,
            %add3A_491 = arith.constant 8 : i32
            %add3A_492 = arith.addi %mul3A_224, %add3A_491 : i32
            %broadcast_in_dim3A_493 = vector.broadcast %add3A_492 : i32 to vector<16xi32>
            %gather3A_494 = tpu.vector_load_idx %arg14[%add3A_212, %broadcast_in_dim3A_493] : memref<64x128xf32, #tpu.memory_space<vmem>>[vector<16xi32>, vector<16xi32>], vector<16xf32>,
            %mul3A_495 = arith.mulf %gather3A_494, %exp3A : vector<16xf32>
            tpu.vector_store_idx %arg15[%add3A_210, %broadcast_in_dim3A_493], %mul3A_495 : memref<32x144xf32, #tpu.memory_space<vmem>>[vector<16xi32>, vector<16xi32>], vector<16xf32>,
            %add3A_496 = arith.constant 9 : i32
            %add3A_497 = arith.addi %mul3A_224, %add3A_496 : i32
            %broadcast_in_dim3A_498 = vector.broadcast %add3A_497 : i32 to vector<16xi32>
            %gather3A_499 = tpu.vector_load_idx %arg14[%add3A_212, %broadcast_in_dim3A_498] : memref<64x128xf32, #tpu.memory_space<vmem>>[vector<16xi32>, vector<16xi32>], vector<16xf32>,
            %mul3A_500 = arith.mulf %gather3A_499, %exp3A : vector<16xf32>
            tpu.vector_store_idx %arg15[%add3A_210, %broadcast_in_dim3A_498], %mul3A_500 : memref<32x144xf32, #tpu.memory_space<vmem>>[vector<16xi32>, vector<16xi32>], vector<16xf32>,
            %add3A_501 = arith.constant 10 : i32
            %add3A_502 = arith.addi %mul3A_224, %add3A_501 : i32
            %broadcast_in_dim3A_503 = vector.broadcast %add3A_502 : i32 to vector<16xi32>
            %gather3A_504 = tpu.vector_load_idx %arg14[%add3A_212, %broadcast_in_dim3A_503] : memref<64x128xf32, #tpu.memory_space<vmem>>[vector<16xi32>, vector<16xi32>], vector<16xf32>,
            %mul3A_505 = arith.mulf %gather3A_504, %exp3A : vector<16xf32>
            tpu.vector_store_idx %arg15[%add3A_210, %broadcast_in_dim3A_503], %mul3A_505 : memref<32x144xf32, #tpu.memory_space<vmem>>[vector<16xi32>, vector<16xi32>], vector<16xf32>,
            %add3A_506 = arith.constant 11 : i32
            %add3A_507 = arith.addi %mul3A_224, %add3A_506 : i32
            %broadcast_in_dim3A_508 = vector.broadcast %add3A_507 : i32 to vector<16xi32>
            %gather3A_509 = tpu.vector_load_idx %arg14[%add3A_212, %broadcast_in_dim3A_508] : memref<64x128xf32, #tpu.memory_space<vmem>>[vector<16xi32>, vector<16xi32>], vector<16xf32>,
            %mul3A_510 = arith.mulf %gather3A_509, %exp3A : vector<16xf32>
            tpu.vector_store_idx %arg15[%add3A_210, %broadcast_in_dim3A_508], %mul3A_510 : memref<32x144xf32, #tpu.memory_space<vmem>>[vector<16xi32>, vector<16xi32>], vector<16xf32>,
            %add3A_511 = arith.constant 12 : i32
            %add3A_512 = arith.addi %mul3A_224, %add3A_511 : i32
            %broadcast_in_dim3A_513 = vector.broadcast %add3A_512 : i32 to vector<16xi32>
            %gather3A_514 = tpu.vector_load_idx %arg14[%add3A_212, %broadcast_in_dim3A_513] : memref<64x128xf32, #tpu.memory_space<vmem>>[vector<16xi32>, vector<16xi32>], vector<16xf32>,
            %mul3A_515 = arith.mulf %gather3A_514, %exp3A : vector<16xf32>
            tpu.vector_store_idx %arg15[%add3A_210, %broadcast_in_dim3A_513], %mul3A_515 : memref<32x144xf32, #tpu.memory_space<vmem>>[vector<16xi32>, vector<16xi32>], vector<16xf32>,
            %add3A_516 = arith.constant 13 : i32
            %add3A_517 = arith.addi %mul3A_224, %add3A_516 : i32
            %broadcast_in_dim3A_518 = vector.broadcast %add3A_517 : i32 to vector<16xi32>
            %gather3A_519 = tpu.vector_load_idx %arg14[%add3A_212, %broadcast_in_dim3A_518] : memref<64x128xf32, #tpu.memory_space<vmem>>[vector<16xi32>, vector<16xi32>], vector<16xf32>,
            %mul3A_520 = arith.mulf %gather3A_519, %exp3A : vector<16xf32>
            tpu.vector_store_idx %arg15[%add3A_210, %broadcast_in_dim3A_518], %mul3A_520 : memref<32x144xf32, #tpu.memory_space<vmem>>[vector<16xi32>, vector<16xi32>], vector<16xf32>,
            %add3A_521 = arith.constant 14 : i32
            %add3A_522 = arith.addi %mul3A_224, %add3A_521 : i32
            %broadcast_in_dim3A_523 = vector.broadcast %add3A_522 : i32 to vector<16xi32>
            %gather3A_524 = tpu.vector_load_idx %arg14[%add3A_212, %broadcast_in_dim3A_523] : memref<64x128xf32, #tpu.memory_space<vmem>>[vector<16xi32>, vector<16xi32>], vector<16xf32>,
            %mul3A_525 = arith.mulf %gather3A_524, %exp3A : vector<16xf32>
            tpu.vector_store_idx %arg15[%add3A_210, %broadcast_in_dim3A_523], %mul3A_525 : memref<32x144xf32, #tpu.memory_space<vmem>>[vector<16xi32>, vector<16xi32>], vector<16xf32>,
            %add3A_526 = arith.constant 15 : i32
            %add3A_527 = arith.addi %mul3A_224, %add3A_526 : i32
            %broadcast_in_dim3A_528 = vector.broadcast %add3A_527 : i32 to vector<16xi32>
            %gather3A_529 = tpu.vector_load_idx %arg14[%add3A_212, %broadcast_in_dim3A_528] : memref<64x128xf32, #tpu.memory_space<vmem>>[vector<16xi32>, vector<16xi32>], vector<16xf32>,
            %mul3A_530 = arith.mulf %gather3A_529, %exp3A : vector<16xf32>
            tpu.vector_store_idx %arg15[%add3A_210, %broadcast_in_dim3A_528], %mul3A_530 : memref<32x144xf32, #tpu.memory_space<vmem>>[vector<16xi32>, vector<16xi32>], vector<16xf32>,
            %add3A_531 = arith.constant 16 : i32
            %add3A_532 = arith.addi %mul3A_224, %add3A_531 : i32
            %broadcast_in_dim3A_533 = vector.broadcast %add3A_532 : i32 to vector<16xi32>
            %gather3A_534 = tpu.vector_load_idx %arg14[%add3A_212, %broadcast_in_dim3A_533] : memref<64x128xf32, #tpu.memory_space<vmem>>[vector<16xi32>, vector<16xi32>], vector<16xf32>,
            %mul3A_535 = arith.mulf %gather3A_534, %exp3A : vector<16xf32>
            tpu.vector_store_idx %arg15[%add3A_210, %broadcast_in_dim3A_533], %mul3A_535 : memref<32x144xf32, #tpu.memory_space<vmem>>[vector<16xi32>, vector<16xi32>], vector<16xf32>,
            %add3A_536 = arith.constant 17 : i32
            %add3A_537 = arith.addi %mul3A_224, %add3A_536 : i32
            %broadcast_in_dim3A_538 = vector.broadcast %add3A_537 : i32 to vector<16xi32>
            %gather3A_539 = tpu.vector_load_idx %arg14[%add3A_212, %broadcast_in_dim3A_538] : memref<64x128xf32, #tpu.memory_space<vmem>>[vector<16xi32>, vector<16xi32>], vector<16xf32>,
            %mul3A_540 = arith.mulf %gather3A_539, %exp3A : vector<16xf32>
            tpu.vector_store_idx %arg15[%add3A_210, %broadcast_in_dim3A_538], %mul3A_540 : memref<32x144xf32, #tpu.memory_space<vmem>>[vector<16xi32>, vector<16xi32>], vector<16xf32>,
            %add3A_541 = arith.constant 18 : i32
            %add3A_542 = arith.addi %mul3A_224, %add3A_541 : i32
            %broadcast_in_dim3A_543 = vector.broadcast %add3A_542 : i32 to vector<16xi32>
            %gather3A_544 = tpu.vector_load_idx %arg14[%add3A_212, %broadcast_in_dim3A_543] : memref<64x128xf32, #tpu.memory_space<vmem>>[vector<16xi32>, vector<16xi32>], vector<16xf32>,
            %mul3A_545 = arith.mulf %gather3A_544, %exp3A : vector<16xf32>
            tpu.vector_store_idx %arg15[%add3A_210, %broadcast_in_dim3A_543], %mul3A_545 : memref<32x144xf32, #tpu.memory_space<vmem>>[vector<16xi32>, vector<16xi32>], vector<16xf32>,
            %add3A_546 = arith.constant 19 : i32
            %add3A_547 = arith.addi %mul3A_224, %add3A_546 : i32
            %broadcast_in_dim3A_548 = vector.broadcast %add3A_547 : i32 to vector<16xi32>
            %gather3A_549 = tpu.vector_load_idx %arg14[%add3A_212, %broadcast_in_dim3A_548] : memref<64x128xf32, #tpu.memory_space<vmem>>[vector<16xi32>, vector<16xi32>], vector<16xf32>,
            %mul3A_550 = arith.mulf %gather3A_549, %exp3A : vector<16xf32>
            tpu.vector_store_idx %arg15[%add3A_210, %broadcast_in_dim3A_548], %mul3A_550 : memref<32x144xf32, #tpu.memory_space<vmem>>[vector<16xi32>, vector<16xi32>], vector<16xf32>,
            %add3A_551 = arith.constant 20 : i32
            %add3A_552 = arith.addi %mul3A_224, %add3A_551 : i32
            %broadcast_in_dim3A_553 = vector.broadcast %add3A_552 : i32 to vector<16xi32>
            %gather3A_554 = tpu.vector_load_idx %arg14[%add3A_212, %broadcast_in_dim3A_553] : memref<64x128xf32, #tpu.memory_space<vmem>>[vector<16xi32>, vector<16xi32>], vector<16xf32>,
            %mul3A_555 = arith.mulf %gather3A_554, %exp3A : vector<16xf32>
            tpu.vector_store_idx %arg15[%add3A_210, %broadcast_in_dim3A_553], %mul3A_555 : memref<32x144xf32, #tpu.memory_space<vmem>>[vector<16xi32>, vector<16xi32>], vector<16xf32>,
            %add3A_556 = arith.constant 21 : i32
            %add3A_557 = arith.addi %mul3A_224, %add3A_556 : i32
            %broadcast_in_dim3A_558 = vector.broadcast %add3A_557 : i32 to vector<16xi32>
            %gather3A_559 = tpu.vector_load_idx %arg14[%add3A_212, %broadcast_in_dim3A_558] : memref<64x128xf32, #tpu.memory_space<vmem>>[vector<16xi32>, vector<16xi32>], vector<16xf32>,
            %mul3A_560 = arith.mulf %gather3A_559, %exp3A : vector<16xf32>
            tpu.vector_store_idx %arg15[%add3A_210, %broadcast_in_dim3A_558], %mul3A_560 : memref<32x144xf32, #tpu.memory_space<vmem>>[vector<16xi32>, vector<16xi32>], vector<16xf32>,
            %add3A_561 = arith.constant 22 : i32
            %add3A_562 = arith.addi %mul3A_224, %add3A_561 : i32
            %broadcast_in_dim3A_563 = vector.broadcast %add3A_562 : i32 to vector<16xi32>
            %gather3A_564 = tpu.vector_load_idx %arg14[%add3A_212, %broadcast_in_dim3A_563] : memref<64x128xf32, #tpu.memory_space<vmem>>[vector<16xi32>, vector<16xi32>], vector<16xf32>,
            %mul3A_565 = arith.mulf %gather3A_564, %exp3A : vector<16xf32>
            tpu.vector_store_idx %arg15[%add3A_210, %broadcast_in_dim3A_563], %mul3A_565 : memref<32x144xf32, #tpu.memory_space<vmem>>[vector<16xi32>, vector<16xi32>], vector<16xf32>,
            %add3A_566 = arith.constant 23 : i32
            %add3A_567 = arith.addi %mul3A_224, %add3A_566 : i32
            %broadcast_in_dim3A_568 = vector.broadcast %add3A_567 : i32 to vector<16xi32>
            %gather3A_569 = tpu.vector_load_idx %arg14[%add3A_212, %broadcast_in_dim3A_568] : memref<64x128xf32, #tpu.memory_space<vmem>>[vector<16xi32>, vector<16xi32>], vector<16xf32>,
            %mul3A_570 = arith.mulf %gather3A_569, %exp3A : vector<16xf32>
            tpu.vector_store_idx %arg15[%add3A_210, %broadcast_in_dim3A_568], %mul3A_570 : memref<32x144xf32, #tpu.memory_space<vmem>>[vector<16xi32>, vector<16xi32>], vector<16xf32>,
            %add3A_571 = arith.constant 24 : i32
            %add3A_572 = arith.addi %mul3A_224, %add3A_571 : i32
            %broadcast_in_dim3A_573 = vector.broadcast %add3A_572 : i32 to vector<16xi32>
            %gather3A_574 = tpu.vector_load_idx %arg14[%add3A_212, %broadcast_in_dim3A_573] : memref<64x128xf32, #tpu.memory_space<vmem>>[vector<16xi32>, vector<16xi32>], vector<16xf32>,
            %mul3A_575 = arith.mulf %gather3A_574, %exp3A : vector<16xf32>
            tpu.vector_store_idx %arg15[%add3A_210, %broadcast_in_dim3A_573], %mul3A_575 : memref<32x144xf32, #tpu.memory_space<vmem>>[vector<16xi32>, vector<16xi32>], vector<16xf32>,
            %add3A_576 = arith.constant 25 : i32
            %add3A_577 = arith.addi %mul3A_224, %add3A_576 : i32
            %broadcast_in_dim3A_578 = vector.broadcast %add3A_577 : i32 to vector<16xi32>
            %gather3A_579 = tpu.vector_load_idx %arg14[%add3A_212, %broadcast_in_dim3A_578] : memref<64x128xf32, #tpu.memory_space<vmem>>[vector<16xi32>, vector<16xi32>], vector<16xf32>,
            %mul3A_580 = arith.mulf %gather3A_579, %exp3A : vector<16xf32>
            tpu.vector_store_idx %arg15[%add3A_210, %broadcast_in_dim3A_578], %mul3A_580 : memref<32x144xf32, #tpu.memory_space<vmem>>[vector<16xi32>, vector<16xi32>], vector<16xf32>,
            %add3A_581 = arith.constant 26 : i32
            %add3A_582 = arith.addi %mul3A_224, %add3A_581 : i32
            %broadcast_in_dim3A_583 = vector.broadcast %add3A_582 : i32 to vector<16xi32>
            %gather3A_584 = tpu.vector_load_idx %arg14[%add3A_212, %broadcast_in_dim3A_583] : memref<64x128xf32, #tpu.memory_space<vmem>>[vector<16xi32>, vector<16xi32>], vector<16xf32>,
            %mul3A_585 = arith.mulf %gather3A_584, %exp3A : vector<16xf32>
            tpu.vector_store_idx %arg15[%add3A_210, %broadcast_in_dim3A_583], %mul3A_585 : memref<32x144xf32, #tpu.memory_space<vmem>>[vector<16xi32>, vector<16xi32>], vector<16xf32>,
            %add3A_586 = arith.constant 27 : i32
            %add3A_587 = arith.addi %mul3A_224, %add3A_586 : i32
            %broadcast_in_dim3A_588 = vector.broadcast %add3A_587 : i32 to vector<16xi32>
            %gather3A_589 = tpu.vector_load_idx %arg14[%add3A_212, %broadcast_in_dim3A_588] : memref<64x128xf32, #tpu.memory_space<vmem>>[vector<16xi32>, vector<16xi32>], vector<16xf32>,
            %mul3A_590 = arith.mulf %gather3A_589, %exp3A : vector<16xf32>
            tpu.vector_store_idx %arg15[%add3A_210, %broadcast_in_dim3A_588], %mul3A_590 : memref<32x144xf32, #tpu.memory_space<vmem>>[vector<16xi32>, vector<16xi32>], vector<16xf32>,
            %add3A_591 = arith.constant 28 : i32
            %add3A_592 = arith.addi %mul3A_224, %add3A_591 : i32
            %broadcast_in_dim3A_593 = vector.broadcast %add3A_592 : i32 to vector<16xi32>
            %gather3A_594 = tpu.vector_load_idx %arg14[%add3A_212, %broadcast_in_dim3A_593] : memref<64x128xf32, #tpu.memory_space<vmem>>[vector<16xi32>, vector<16xi32>], vector<16xf32>,
            %mul3A_595 = arith.mulf %gather3A_594, %exp3A : vector<16xf32>
            tpu.vector_store_idx %arg15[%add3A_210, %broadcast_in_dim3A_593], %mul3A_595 : memref<32x144xf32, #tpu.memory_space<vmem>>[vector<16xi32>, vector<16xi32>], vector<16xf32>,
            %add3A_596 = arith.constant 29 : i32
            %add3A_597 = arith.addi %mul3A_224, %add3A_596 : i32
            %broadcast_in_dim3A_598 = vector.broadcast %add3A_597 : i32 to vector<16xi32>
            %gather3A_599 = tpu.vector_load_idx %arg14[%add3A_212, %broadcast_in_dim3A_598] : memref<64x128xf32, #tpu.memory_space<vmem>>[vector<16xi32>, vector<16xi32>], vector<16xf32>,
            %mul3A_600 = arith.mulf %gather3A_599, %exp3A : vector<16xf32>
            tpu.vector_store_idx %arg15[%add3A_210, %broadcast_in_dim3A_598], %mul3A_600 : memref<32x144xf32, #tpu.memory_space<vmem>>[vector<16xi32>, vector<16xi32>], vector<16xf32>,
            %add3A_601 = arith.constant 30 : i32
            %add3A_602 = arith.addi %mul3A_224, %add3A_601 : i32
            %broadcast_in_dim3A_603 = vector.broadcast %add3A_602 : i32 to vector<16xi32>
            %gather3A_604 = tpu.vector_load_idx %arg14[%add3A_212, %broadcast_in_dim3A_603] : memref<64x128xf32, #tpu.memory_space<vmem>>[vector<16xi32>, vector<16xi32>], vector<16xf32>,
            %mul3A_605 = arith.mulf %gather3A_604, %exp3A : vector<16xf32>
            tpu.vector_store_idx %arg15[%add3A_210, %broadcast_in_dim3A_603], %mul3A_605 : memref<32x144xf32, #tpu.memory_space<vmem>>[vector<16xi32>, vector<16xi32>], vector<16xf32>,
            %add3A_606 = arith.constant 31 : i32
            %add3A_607 = arith.addi %mul3A_224, %add3A_606 : i32
            %broadcast_in_dim3A_608 = vector.broadcast %add3A_607 : i32 to vector<16xi32>
            %gather3A_609 = tpu.vector_load_idx %arg14[%add3A_212, %broadcast_in_dim3A_608] : memref<64x128xf32, #tpu.memory_space<vmem>>[vector<16xi32>, vector<16xi32>], vector<16xf32>,
            %mul3A_610 = arith.mulf %gather3A_609, %exp3A : vector<16xf32>
            tpu.vector_store_idx %arg15[%add3A_210, %broadcast_in_dim3A_608], %mul3A_610 : memref<32x144xf32, #tpu.memory_space<vmem>>[vector<16xi32>, vector<16xi32>], vector<16xf32>,
          }
          %scan3A_217 = arith.constant 4 : i32
        }
        %scan3A_195 = arith.constant 2 : i32
        %dma_start3A_196 = arith.constant 0 : i32
        %dma_start3A_197 = tpu.memref_slice %arg11[%add3A_138, %dma_start3A_196] : memref<16x32xi32, #tpu.memory_space<vmem>> -> memref<1x32xi32, #tpu.memory_space<vmem>>
        %dma_start3A_198 = tpu.memref_squeeze %dma_start3A_197 : memref<1x32xi32, #tpu.memory_space<vmem>> -> memref<32xi32, #tpu.memory_space<vmem>>
        %dma_start3A_199 = arith.constant 0 : i32
        %dma_start3A_200 = arith.constant 0 : i32
        %dma_start3A_201 = tpu.memref_slice %arg18[%dma_start3A_199, %dma_start3A_200] : memref<10240x144xf32, #tpu.memory_space<vmem_shared>> -> memref<10240x144xf32, #tpu.memory_space<vmem_shared>>
        tpu.enqueue_indirect_dma source(%arg15 : memref<32x144xf32, #tpu.memory_space<vmem>>) target(%dma_start3A_201 : memref<10240x144xf32, #tpu.memory_space<vmem_shared>>) offsets(%dma_start3A_198 : memref<32xi32, #tpu.memory_space<vmem>>) semaphore(%arg17 : memref<!tpu.dma_semaphore, #tpu.memory_space<semaphore_mem>>) {add = true}
      }
      %while3A_135 = arith.constant 1 : i32
      scf.for %while3A_136 = %while3A_133 to %while3A_129 step %while3A_135  : i32 {
        %mul3A_137 = arith.muli %while3A_136, %while3A : i32
        %add3A_138 = arith.addi %while3A_126, %mul3A_137 : i32
        %and3A = arith.constant 1 : i32
        %and3A_139 = arith.andi %add3A_138, %and3A : i32
        %add3A_140 = arith.constant 1 : i32
        %add3A_141 = arith.addi %add3A_138, %add3A_140 : i32
        %lt3A_142 = arith.cmpi slt, %add3A_141, %min3A_80 : i32
        %convert_element_type3A_143 = arith.extui %lt3A_142 : i1 to i32
        %cond3A_144 = arith.constant 0 : i32
        %cond3A_145 = arith.cmpi ne, %convert_element_type3A_143, %cond3A_144 : i32
        scf.if %cond3A_145 {
          %add3A_202 = arith.constant 1 : i32
          %add3A_203 = arith.addi %add3A_138, %add3A_202 : i32
          %sub3A_204 = arith.constant 1 : i32
          %sub3A_205 = arith.subi %sub3A_204, %and3A_139 : i32
          %mul3A_206 = arith.constant 32 : i32
          %mul3A_207 = arith.muli %sub3A_205, %mul3A_206 : i32
          %dma_start3A_208 = arith.constant 0 : i32
          %dma_start3A_209 = tpu.memref_slice %arg12[%mul3A_207, %dma_start3A_208] : memref<64x128xf32, #tpu.memory_space<vmem>> -> memref<32x128xf32, #tpu.memory_space<vmem>>
          %dma_start3A_210 = arith.constant 0 : i32
          %dma_start3A_211 = tpu.memref_slice %arg9[%add3A_203, %dma_start3A_210] : memref<16x32xi32, #tpu.memory_space<vmem>> -> memref<1x32xi32, #tpu.memory_space<vmem>>
          %dma_start3A_212 = tpu.memref_squeeze %dma_start3A_211 : memref<1x32xi32, #tpu.memory_space<vmem>> -> memref<32xi32, #tpu.memory_space<vmem>>
          %dma_start3A_213 = arith.constant 0 : i32
          %dma_start3A_214 = arith.constant 0 : i32
          %dma_start3A_215 = tpu.memref_slice %arg6[%dma_start3A_213, %dma_start3A_214] : memref<20000x128xf32, #tpu.memory_space<hbm>> -> memref<20000x128xf32, #tpu.memory_space<hbm>>
          %dma_start3A_216 = tpu.memref_slice %arg16[%sub3A_205] : memref<2x!tpu.dma_semaphore, #tpu.memory_space<semaphore_mem>> -> memref<1x!tpu.dma_semaphore, #tpu.memory_space<semaphore_mem>>
          %dma_start3A_217 = tpu.memref_squeeze %dma_start3A_216 : memref<1x!tpu.dma_semaphore, #tpu.memory_space<semaphore_mem>> -> memref<!tpu.dma_semaphore, #tpu.memory_space<semaphore_mem>>
          tpu.enqueue_indirect_dma source(%dma_start3A_215 : memref<20000x128xf32, #tpu.memory_space<hbm>>) target(%dma_start3A_209 : memref<32x128xf32, #tpu.memory_space<vmem>>) offsets(%dma_start3A_212 : memref<32xi32, #tpu.memory_space<vmem>>) semaphore(%dma_start3A_217 : memref<!tpu.dma_semaphore, #tpu.memory_space<semaphore_mem>>)
          %dma_start3A_218 = arith.constant 0 : i32
          %dma_start3A_219 = tpu.memref_slice %arg13[%mul3A_207, %dma_start3A_218] : memref<64x128xf32, #tpu.memory_space<vmem>> -> memref<32x128xf32, #tpu.memory_space<vmem>>
          %dma_start3A_220 = arith.constant 0 : i32
          %dma_start3A_221 = tpu.memref_slice %arg10[%add3A_203, %dma_start3A_220] : memref<16x32xi32, #tpu.memory_space<vmem>> -> memref<1x32xi32, #tpu.memory_space<vmem>>
          %dma_start3A_222 = tpu.memref_squeeze %dma_start3A_221 : memref<1x32xi32, #tpu.memory_space<vmem>> -> memref<32xi32, #tpu.memory_space<vmem>>
          %dma_start3A_223 = arith.constant 0 : i32
          %dma_start3A_224 = arith.constant 0 : i32
          %dma_start3A_225 = tpu.memref_slice %arg5[%dma_start3A_223, %dma_start3A_224] : memref<20000x128xf32, #tpu.memory_space<hbm>> -> memref<20000x128xf32, #tpu.memory_space<hbm>>
          %dma_start3A_226 = tpu.memref_slice %arg16[%sub3A_205] : memref<2x!tpu.dma_semaphore, #tpu.memory_space<semaphore_mem>> -> memref<1x!tpu.dma_semaphore, #tpu.memory_space<semaphore_mem>>
          %dma_start3A_227 = tpu.memref_squeeze %dma_start3A_226 : memref<1x!tpu.dma_semaphore, #tpu.memory_space<semaphore_mem>> -> memref<!tpu.dma_semaphore, #tpu.memory_space<semaphore_mem>>
          tpu.enqueue_indirect_dma source(%dma_start3A_225 : memref<20000x128xf32, #tpu.memory_space<hbm>>) target(%dma_start3A_219 : memref<32x128xf32, #tpu.memory_space<vmem>>) offsets(%dma_start3A_222 : memref<32xi32, #tpu.memory_space<vmem>>) semaphore(%dma_start3A_227 : memref<!tpu.dma_semaphore, #tpu.memory_space<semaphore_mem>>)
          %dma_start3A_228 = arith.constant 0 : i32
          %dma_start3A_229 = tpu.memref_slice %arg14[%mul3A_207, %dma_start3A_228] : memref<64x128xf32, #tpu.memory_space<vmem>> -> memref<32x128xf32, #tpu.memory_space<vmem>>
          %dma_start3A_230 = arith.constant 0 : i32
          %dma_start3A_231 = tpu.memref_slice %arg9[%add3A_203, %dma_start3A_230] : memref<16x32xi32, #tpu.memory_space<vmem>> -> memref<1x32xi32, #tpu.memory_space<vmem>>
          %dma_start3A_232 = tpu.memref_squeeze %dma_start3A_231 : memref<1x32xi32, #tpu.memory_space<vmem>> -> memref<32xi32, #tpu.memory_space<vmem>>
          %dma_start3A_233 = arith.constant 0 : i32
          %dma_start3A_234 = arith.constant 0 : i32
          %dma_start3A_235 = tpu.memref_slice %arg7[%dma_start3A_233, %dma_start3A_234] : memref<20000x128xf32, #tpu.memory_space<hbm>> -> memref<20000x128xf32, #tpu.memory_space<hbm>>
          %dma_start3A_236 = tpu.memref_slice %arg16[%sub3A_205] : memref<2x!tpu.dma_semaphore, #tpu.memory_space<semaphore_mem>> -> memref<1x!tpu.dma_semaphore, #tpu.memory_space<semaphore_mem>>
          %dma_start3A_237 = tpu.memref_squeeze %dma_start3A_236 : memref<1x!tpu.dma_semaphore, #tpu.memory_space<semaphore_mem>> -> memref<!tpu.dma_semaphore, #tpu.memory_space<semaphore_mem>>
          tpu.enqueue_indirect_dma source(%dma_start3A_235 : memref<20000x128xf32, #tpu.memory_space<hbm>>) target(%dma_start3A_229 : memref<32x128xf32, #tpu.memory_space<vmem>>) offsets(%dma_start3A_232 : memref<32xi32, #tpu.memory_space<vmem>>) semaphore(%dma_start3A_237 : memref<!tpu.dma_semaphore, #tpu.memory_space<semaphore_mem>>)
        } else {
        }
        %mul3A_146 = arith.constant 32 : i32
        %mul3A_147 = arith.muli %and3A_139, %mul3A_146 : i32
        %dma_wait3A_148 = arith.constant 0 : i32
        %dma_wait3A_149 = tpu.memref_slice %arg12[%mul3A_147, %dma_wait3A_148] : memref<64x128xf32, #tpu.memory_space<vmem>> -> memref<32x128xf32, #tpu.memory_space<vmem>>
        %dma_wait3A_150 = arith.constant 0 : i32
        %dma_wait3A_151 = arith.constant 0 : i32
        %dma_wait3A_152 = tpu.memref_slice %arg6[%dma_wait3A_150, %dma_wait3A_151] : memref<20000x128xf32, #tpu.memory_space<hbm>> -> memref<32x128xf32, #tpu.memory_space<hbm>>
        %dma_wait3A_153 = tpu.memref_slice %arg16[%and3A_139] : memref<2x!tpu.dma_semaphore, #tpu.memory_space<semaphore_mem>> -> memref<1x!tpu.dma_semaphore, #tpu.memory_space<semaphore_mem>>
        %dma_wait3A_154 = tpu.memref_squeeze %dma_wait3A_153 : memref<1x!tpu.dma_semaphore, #tpu.memory_space<semaphore_mem>> -> memref<!tpu.dma_semaphore, #tpu.memory_space<semaphore_mem>>
        %dma_wait3A_155 = arith.constant 0 : i32
        %dma_wait3A_156 = tpu.memref_slice %arg12[%mul3A_147, %dma_wait3A_155] : memref<64x128xf32, #tpu.memory_space<vmem>> -> memref<32x128xf32, #tpu.memory_space<vmem>>
        %dma_wait3A_157 = arith.constant 0 : i32
        %dma_wait3A_158 = arith.constant 0 : i32
        %dma_wait3A_159 = tpu.memref_slice %arg6[%dma_wait3A_157, %dma_wait3A_158] : memref<20000x128xf32, #tpu.memory_space<hbm>> -> memref<32x128xf32, #tpu.memory_space<hbm>>
        tpu.wait_dma2 semaphore(%dma_wait3A_154 : memref<!tpu.dma_semaphore, #tpu.memory_space<semaphore_mem>>) src(%dma_wait3A_159 : memref<32x128xf32, #tpu.memory_space<hbm>>) dst(%dma_wait3A_156 : memref<32x128xf32, #tpu.memory_space<vmem>>)
        %dma_wait3A_160 = arith.constant 0 : i32
        %dma_wait3A_161 = tpu.memref_slice %arg13[%mul3A_147, %dma_wait3A_160] : memref<64x128xf32, #tpu.memory_space<vmem>> -> memref<32x128xf32, #tpu.memory_space<vmem>>
        %dma_wait3A_162 = arith.constant 0 : i32
        %dma_wait3A_163 = arith.constant 0 : i32
        %dma_wait3A_164 = tpu.memref_slice %arg6[%dma_wait3A_162, %dma_wait3A_163] : memref<20000x128xf32, #tpu.memory_space<hbm>> -> memref<32x128xf32, #tpu.memory_space<hbm>>
        %dma_wait3A_165 = tpu.memref_slice %arg16[%and3A_139] : memref<2x!tpu.dma_semaphore, #tpu.memory_space<semaphore_mem>> -> memref<1x!tpu.dma_semaphore, #tpu.memory_space<semaphore_mem>>
        %dma_wait3A_166 = tpu.memref_squeeze %dma_wait3A_165 : memref<1x!tpu.dma_semaphore, #tpu.memory_space<semaphore_mem>> -> memref<!tpu.dma_semaphore, #tpu.memory_space<semaphore_mem>>
        %dma_wait3A_167 = arith.constant 0 : i32
        %dma_wait3A_168 = tpu.memref_slice %arg13[%mul3A_147, %dma_wait3A_167] : memref<64x128xf32, #tpu.memory_space<vmem>> -> memref<32x128xf32, #tpu.memory_space<vmem>>
        %dma_wait3A_169 = arith.constant 0 : i32
        %dma_wait3A_170 = arith.constant 0 : i32
        %dma_wait3A_171 = tpu.memref_slice %arg6[%dma_wait3A_169, %dma_wait3A_170] : memref<20000x128xf32, #tpu.memory_space<hbm>> -> memref<32x128xf32, #tpu.memory_space<hbm>>
        tpu.wait_dma2 semaphore(%dma_wait3A_166 : memref<!tpu.dma_semaphore, #tpu.memory_space<semaphore_mem>>) src(%dma_wait3A_171 : memref<32x128xf32, #tpu.memory_space<hbm>>) dst(%dma_wait3A_168 : memref<32x128xf32, #tpu.memory_space<vmem>>)
        %dma_wait3A_172 = arith.constant 0 : i32
        %dma_wait3A_173 = tpu.memref_slice %arg14[%mul3A_147, %dma_wait3A_172] : memref<64x128xf32, #tpu.memory_space<vmem>> -> memref<32x128xf32, #tpu.memory_space<vmem>>
        %dma_wait3A_174 = arith.constant 0 : i32
        %dma_wait3A_175 = arith.constant 0 : i32
        %dma_wait3A_176 = tpu.memref_slice %arg6[%dma_wait3A_174, %dma_wait3A_175] : memref<20000x128xf32, #tpu.memory_space<hbm>> -> memref<32x128xf32, #tpu.memory_space<hbm>>
        %dma_wait3A_177 = tpu.memref_slice %arg16[%and3A_139] : memref<2x!tpu.dma_semaphore, #tpu.memory_space<semaphore_mem>> -> memref<1x!tpu.dma_semaphore, #tpu.memory_space<semaphore_mem>>
        %dma_wait3A_178 = tpu.memref_squeeze %dma_wait3A_177 : memref<1x!tpu.dma_semaphore, #tpu.memory_space<semaphore_mem>> -> memref<!tpu.dma_semaphore, #tpu.memory_space<semaphore_mem>>
        %dma_wait3A_179 = arith.constant 0 : i32
        %dma_wait3A_180 = tpu.memref_slice %arg14[%mul3A_147, %dma_wait3A_179] : memref<64x128xf32, #tpu.memory_space<vmem>> -> memref<32x128xf32, #tpu.memory_space<vmem>>
        %dma_wait3A_181 = arith.constant 0 : i32
        %dma_wait3A_182 = arith.constant 0 : i32
        %dma_wait3A_183 = tpu.memref_slice %arg6[%dma_wait3A_181, %dma_wait3A_182] : memref<20000x128xf32, #tpu.memory_space<hbm>> -> memref<32x128xf32, #tpu.memory_space<hbm>>
        tpu.wait_dma2 semaphore(%dma_wait3A_178 : memref<!tpu.dma_semaphore, #tpu.memory_space<semaphore_mem>>) src(%dma_wait3A_183 : memref<32x128xf32, #tpu.memory_space<hbm>>) dst(%dma_wait3A_180 : memref<32x128xf32, #tpu.memory_space<vmem>>)
        %gt3A_184 = arith.constant 0 : i32
        %gt3A_185 = arith.cmpi sgt, %add3A_138, %gt3A_184 : i32
        %convert_element_type3A_186 = arith.extui %gt3A_185 : i1 to i32
        %cond3A_187 = arith.constant 0 : i32
        %cond3A_188 = arith.cmpi ne, %convert_element_type3A_186, %cond3A_187 : i32
        scf.if %cond3A_188 {
          %dma_wait3A_202 = arith.constant 0 : i32
          %dma_wait3A_203 = arith.constant 0 : i32
          %dma_wait3A_204 = tpu.memref_slice %arg8[%dma_wait3A_202, %dma_wait3A_203] : memref<20480x144xf32, #tpu.memory_space<hbm>> -> memref<32x144xf32, #tpu.memory_space<hbm>>
          %dma_wait3A_205 = arith.constant 0 : i32
          %dma_wait3A_206 = arith.constant 0 : i32
          %dma_wait3A_207 = tpu.memref_slice %arg8[%dma_wait3A_205, %dma_wait3A_206] : memref<20480x144xf32, #tpu.memory_space<hbm>> -> memref<32x144xf32, #tpu.memory_space<hbm>>
          tpu.wait_dma2 semaphore(%arg17 : memref<!tpu.dma_semaphore, #tpu.memory_space<semaphore_mem>>) src(%dma_wait3A_207 : memref<32x144xf32, #tpu.memory_space<hbm>>) dst(%arg15 : memref<32x144xf32, #tpu.memory_space<vmem>>)
        } else {
        }
        %mul3A_189 = arith.constant 32 : i32
        %mul3A_190 = arith.muli %and3A_139, %mul3A_189 : i32
        %scan3A_191 = arith.constant 0 : i32
        %scan3A_192 = arith.constant 2 : i32
        %scan3A_193 = arith.addi %scan3A_191, %scan3A_192 : i32
        %scan3A_194 = arith.constant 1 : i32
        scf.for %scan3A_202 = %scan3A_191 to %scan3A_193 step %scan3A_194  : i32 {
          %mul3A_203 = arith.constant 1 : i32
          %mul3A_204 = arith.muli %scan3A_202, %mul3A_203 : i32
          %add3A_205 = arith.constant 0 : i32
          %add3A_206 = arith.addi %add3A_205, %mul3A_204 : i32
          %mul3A_207 = arith.constant 16 : i32
          %mul3A_208 = arith.muli %add3A_206, %mul3A_207 : i32
          %add3A_209 = vector.broadcast %mul3A_208 : i32 to vector<16xi32>
          %add3A_210 = arith.addi %add3A_209, %iota3A : vector<16xi32>
          %add3A_211 = vector.broadcast %mul3A_190 : i32 to vector<16xi32>
          %add3A_212 = arith.addi %add3A_211, %add3A_210 : vector<16xi32>
          %scan3A_213 = arith.constant 0 : i32
          %scan3A_214 = arith.constant 4 : i32
          %scan3A_215 = arith.addi %scan3A_213, %scan3A_214 : i32
          %scan3A_216 = arith.constant 1 : i32
          scf.for %scan3A_218 = %scan3A_213 to %scan3A_215 step %scan3A_216  : i32 {
            %mul3A_219 = arith.constant 1 : i32
            %mul3A_220 = arith.muli %scan3A_218, %mul3A_219 : i32
            %add3A_221 = arith.constant 0 : i32
            %add3A_222 = arith.addi %add3A_221, %mul3A_220 : i32
            %mul3A_223 = arith.constant 32 : i32
            %mul3A_224 = arith.muli %add3A_222, %mul3A_223 : i32
            %add3A_225 = arith.constant 0 : i32
            %add3A_226 = arith.addi %mul3A_224, %add3A_225 : i32
            %broadcast_in_dim3A_227 = vector.broadcast %add3A_226 : i32 to vector<16xi32>
            %gather3A = tpu.vector_load_idx %arg12[%add3A_212, %broadcast_in_dim3A_227] : memref<64x128xf32, #tpu.memory_space<vmem>>[vector<16xi32>, vector<16xi32>], vector<16xf32>,
            %gather3A_228 = tpu.vector_load_idx %arg13[%add3A_212, %broadcast_in_dim3A_227] : memref<64x128xf32, #tpu.memory_space<vmem>>[vector<16xi32>, vector<16xi32>], vector<16xf32>,
            %mul3A_229 = arith.mulf %gather3A, %gather3A_228 : vector<16xf32>
            %add3A_230 = arith.addf %broadcast_in_dim3A_0, %mul3A_229 : vector<16xf32>
            %add3A_231 = arith.constant 1 : i32
            %add3A_232 = arith.addi %mul3A_224, %add3A_231 : i32
            %broadcast_in_dim3A_233 = vector.broadcast %add3A_232 : i32 to vector<16xi32>
            %gather3A_234 = tpu.vector_load_idx %arg12[%add3A_212, %broadcast_in_dim3A_233] : memref<64x128xf32, #tpu.memory_space<vmem>>[vector<16xi32>, vector<16xi32>], vector<16xf32>,
            %gather3A_235 = tpu.vector_load_idx %arg13[%add3A_212, %broadcast_in_dim3A_233] : memref<64x128xf32, #tpu.memory_space<vmem>>[vector<16xi32>, vector<16xi32>], vector<16xf32>,
            %mul3A_236 = arith.mulf %gather3A_234, %gather3A_235 : vector<16xf32>
            %add3A_237 = arith.addf %add3A_230, %mul3A_236 : vector<16xf32>
            %add3A_238 = arith.constant 2 : i32
            %add3A_239 = arith.addi %mul3A_224, %add3A_238 : i32
            %broadcast_in_dim3A_240 = vector.broadcast %add3A_239 : i32 to vector<16xi32>
            %gather3A_241 = tpu.vector_load_idx %arg12[%add3A_212, %broadcast_in_dim3A_240] : memref<64x128xf32, #tpu.memory_space<vmem>>[vector<16xi32>, vector<16xi32>], vector<16xf32>,
            %gather3A_242 = tpu.vector_load_idx %arg13[%add3A_212, %broadcast_in_dim3A_240] : memref<64x128xf32, #tpu.memory_space<vmem>>[vector<16xi32>, vector<16xi32>], vector<16xf32>,
            %mul3A_243 = arith.mulf %gather3A_241, %gather3A_242 : vector<16xf32>
            %add3A_244 = arith.addf %add3A_237, %mul3A_243 : vector<16xf32>
            %add3A_245 = arith.constant 3 : i32
            %add3A_246 = arith.addi %mul3A_224, %add3A_245 : i32
            %broadcast_in_dim3A_247 = vector.broadcast %add3A_246 : i32 to vector<16xi32>
            %gather3A_248 = tpu.vector_load_idx %arg12[%add3A_212, %broadcast_in_dim3A_247] : memref<64x128xf32, #tpu.memory_space<vmem>>[vector<16xi32>, vector<16xi32>], vector<16xf32>,
            %gather3A_249 = tpu.vector_load_idx %arg13[%add3A_212, %broadcast_in_dim3A_247] : memref<64x128xf32, #tpu.memory_space<vmem>>[vector<16xi32>, vector<16xi32>], vector<16xf32>,
            %mul3A_250 = arith.mulf %gather3A_248, %gather3A_249 : vector<16xf32>
            %add3A_251 = arith.addf %add3A_244, %mul3A_250 : vector<16xf32>
            %add3A_252 = arith.constant 4 : i32
            %add3A_253 = arith.addi %mul3A_224, %add3A_252 : i32
            %broadcast_in_dim3A_254 = vector.broadcast %add3A_253 : i32 to vector<16xi32>
            %gather3A_255 = tpu.vector_load_idx %arg12[%add3A_212, %broadcast_in_dim3A_254] : memref<64x128xf32, #tpu.memory_space<vmem>>[vector<16xi32>, vector<16xi32>], vector<16xf32>,
            %gather3A_256 = tpu.vector_load_idx %arg13[%add3A_212, %broadcast_in_dim3A_254] : memref<64x128xf32, #tpu.memory_space<vmem>>[vector<16xi32>, vector<16xi32>], vector<16xf32>,
            %mul3A_257 = arith.mulf %gather3A_255, %gather3A_256 : vector<16xf32>
            %add3A_258 = arith.addf %add3A_251, %mul3A_257 : vector<16xf32>
            %add3A_259 = arith.constant 5 : i32
            %add3A_260 = arith.addi %mul3A_224, %add3A_259 : i32
            %broadcast_in_dim3A_261 = vector.broadcast %add3A_260 : i32 to vector<16xi32>
            %gather3A_262 = tpu.vector_load_idx %arg12[%add3A_212, %broadcast_in_dim3A_261] : memref<64x128xf32, #tpu.memory_space<vmem>>[vector<16xi32>, vector<16xi32>], vector<16xf32>,
            %gather3A_263 = tpu.vector_load_idx %arg13[%add3A_212, %broadcast_in_dim3A_261] : memref<64x128xf32, #tpu.memory_space<vmem>>[vector<16xi32>, vector<16xi32>], vector<16xf32>,
            %mul3A_264 = arith.mulf %gather3A_262, %gather3A_263 : vector<16xf32>
            %add3A_265 = arith.addf %add3A_258, %mul3A_264 : vector<16xf32>
            %add3A_266 = arith.constant 6 : i32
            %add3A_267 = arith.addi %mul3A_224, %add3A_266 : i32
            %broadcast_in_dim3A_268 = vector.broadcast %add3A_267 : i32 to vector<16xi32>
            %gather3A_269 = tpu.vector_load_idx %arg12[%add3A_212, %broadcast_in_dim3A_268] : memref<64x128xf32, #tpu.memory_space<vmem>>[vector<16xi32>, vector<16xi32>], vector<16xf32>,
            %gather3A_270 = tpu.vector_load_idx %arg13[%add3A_212, %broadcast_in_dim3A_268] : memref<64x128xf32, #tpu.memory_space<vmem>>[vector<16xi32>, vector<16xi32>], vector<16xf32>,
            %mul3A_271 = arith.mulf %gather3A_269, %gather3A_270 : vector<16xf32>
            %add3A_272 = arith.addf %add3A_265, %mul3A_271 : vector<16xf32>
            %add3A_273 = arith.constant 7 : i32
            %add3A_274 = arith.addi %mul3A_224, %add3A_273 : i32
            %broadcast_in_dim3A_275 = vector.broadcast %add3A_274 : i32 to vector<16xi32>
            %gather3A_276 = tpu.vector_load_idx %arg12[%add3A_212, %broadcast_in_dim3A_275] : memref<64x128xf32, #tpu.memory_space<vmem>>[vector<16xi32>, vector<16xi32>], vector<16xf32>,
            %gather3A_277 = tpu.vector_load_idx %arg13[%add3A_212, %broadcast_in_dim3A_275] : memref<64x128xf32, #tpu.memory_space<vmem>>[vector<16xi32>, vector<16xi32>], vector<16xf32>,
            %mul3A_278 = arith.mulf %gather3A_276, %gather3A_277 : vector<16xf32>
            %add3A_279 = arith.addf %add3A_272, %mul3A_278 : vector<16xf32>
            %add3A_280 = arith.constant 8 : i32
            %add3A_281 = arith.addi %mul3A_224, %add3A_280 : i32
            %broadcast_in_dim3A_282 = vector.broadcast %add3A_281 : i32 to vector<16xi32>
            %gather3A_283 = tpu.vector_load_idx %arg12[%add3A_212, %broadcast_in_dim3A_282] : memref<64x128xf32, #tpu.memory_space<vmem>>[vector<16xi32>, vector<16xi32>], vector<16xf32>,
            %gather3A_284 = tpu.vector_load_idx %arg13[%add3A_212, %broadcast_in_dim3A_282] : memref<64x128xf32, #tpu.memory_space<vmem>>[vector<16xi32>, vector<16xi32>], vector<16xf32>,
            %mul3A_285 = arith.mulf %gather3A_283, %gather3A_284 : vector<16xf32>
            %add3A_286 = arith.addf %add3A_279, %mul3A_285 : vector<16xf32>
            %add3A_287 = arith.constant 9 : i32
            %add3A_288 = arith.addi %mul3A_224, %add3A_287 : i32
            %broadcast_in_dim3A_289 = vector.broadcast %add3A_288 : i32 to vector<16xi32>
            %gather3A_290 = tpu.vector_load_idx %arg12[%add3A_212, %broadcast_in_dim3A_289] : memref<64x128xf32, #tpu.memory_space<vmem>>[vector<16xi32>, vector<16xi32>], vector<16xf32>,
            %gather3A_291 = tpu.vector_load_idx %arg13[%add3A_212, %broadcast_in_dim3A_289] : memref<64x128xf32, #tpu.memory_space<vmem>>[vector<16xi32>, vector<16xi32>], vector<16xf32>,
            %mul3A_292 = arith.mulf %gather3A_290, %gather3A_291 : vector<16xf32>
            %add3A_293 = arith.addf %add3A_286, %mul3A_292 : vector<16xf32>
            %add3A_294 = arith.constant 10 : i32
            %add3A_295 = arith.addi %mul3A_224, %add3A_294 : i32
            %broadcast_in_dim3A_296 = vector.broadcast %add3A_295 : i32 to vector<16xi32>
            %gather3A_297 = tpu.vector_load_idx %arg12[%add3A_212, %broadcast_in_dim3A_296] : memref<64x128xf32, #tpu.memory_space<vmem>>[vector<16xi32>, vector<16xi32>], vector<16xf32>,
            %gather3A_298 = tpu.vector_load_idx %arg13[%add3A_212, %broadcast_in_dim3A_296] : memref<64x128xf32, #tpu.memory_space<vmem>>[vector<16xi32>, vector<16xi32>], vector<16xf32>,
            %mul3A_299 = arith.mulf %gather3A_297, %gather3A_298 : vector<16xf32>
            %add3A_300 = arith.addf %add3A_293, %mul3A_299 : vector<16xf32>
            %add3A_301 = arith.constant 11 : i32
            %add3A_302 = arith.addi %mul3A_224, %add3A_301 : i32
            %broadcast_in_dim3A_303 = vector.broadcast %add3A_302 : i32 to vector<16xi32>
            %gather3A_304 = tpu.vector_load_idx %arg12[%add3A_212, %broadcast_in_dim3A_303] : memref<64x128xf32, #tpu.memory_space<vmem>>[vector<16xi32>, vector<16xi32>], vector<16xf32>,
            %gather3A_305 = tpu.vector_load_idx %arg13[%add3A_212, %broadcast_in_dim3A_303] : memref<64x128xf32, #tpu.memory_space<vmem>>[vector<16xi32>, vector<16xi32>], vector<16xf32>,
            %mul3A_306 = arith.mulf %gather3A_304, %gather3A_305 : vector<16xf32>
            %add3A_307 = arith.addf %add3A_300, %mul3A_306 : vector<16xf32>
            %add3A_308 = arith.constant 12 : i32
            %add3A_309 = arith.addi %mul3A_224, %add3A_308 : i32
            %broadcast_in_dim3A_310 = vector.broadcast %add3A_309 : i32 to vector<16xi32>
            %gather3A_311 = tpu.vector_load_idx %arg12[%add3A_212, %broadcast_in_dim3A_310] : memref<64x128xf32, #tpu.memory_space<vmem>>[vector<16xi32>, vector<16xi32>], vector<16xf32>,
            %gather3A_312 = tpu.vector_load_idx %arg13[%add3A_212, %broadcast_in_dim3A_310] : memref<64x128xf32, #tpu.memory_space<vmem>>[vector<16xi32>, vector<16xi32>], vector<16xf32>,
            %mul3A_313 = arith.mulf %gather3A_311, %gather3A_312 : vector<16xf32>
            %add3A_314 = arith.addf %add3A_307, %mul3A_313 : vector<16xf32>
            %add3A_315 = arith.constant 13 : i32
            %add3A_316 = arith.addi %mul3A_224, %add3A_315 : i32
            %broadcast_in_dim3A_317 = vector.broadcast %add3A_316 : i32 to vector<16xi32>
            %gather3A_318 = tpu.vector_load_idx %arg12[%add3A_212, %broadcast_in_dim3A_317] : memref<64x128xf32, #tpu.memory_space<vmem>>[vector<16xi32>, vector<16xi32>], vector<16xf32>,
            %gather3A_319 = tpu.vector_load_idx %arg13[%add3A_212, %broadcast_in_dim3A_317] : memref<64x128xf32, #tpu.memory_space<vmem>>[vector<16xi32>, vector<16xi32>], vector<16xf32>,
            %mul3A_320 = arith.mulf %gather3A_318, %gather3A_319 : vector<16xf32>
            %add3A_321 = arith.addf %add3A_314, %mul3A_320 : vector<16xf32>
            %add3A_322 = arith.constant 14 : i32
            %add3A_323 = arith.addi %mul3A_224, %add3A_322 : i32
            %broadcast_in_dim3A_324 = vector.broadcast %add3A_323 : i32 to vector<16xi32>
            %gather3A_325 = tpu.vector_load_idx %arg12[%add3A_212, %broadcast_in_dim3A_324] : memref<64x128xf32, #tpu.memory_space<vmem>>[vector<16xi32>, vector<16xi32>], vector<16xf32>,
            %gather3A_326 = tpu.vector_load_idx %arg13[%add3A_212, %broadcast_in_dim3A_324] : memref<64x128xf32, #tpu.memory_space<vmem>>[vector<16xi32>, vector<16xi32>], vector<16xf32>,
            %mul3A_327 = arith.mulf %gather3A_325, %gather3A_326 : vector<16xf32>
            %add3A_328 = arith.addf %add3A_321, %mul3A_327 : vector<16xf32>
            %add3A_329 = arith.constant 15 : i32
            %add3A_330 = arith.addi %mul3A_224, %add3A_329 : i32
            %broadcast_in_dim3A_331 = vector.broadcast %add3A_330 : i32 to vector<16xi32>
            %gather3A_332 = tpu.vector_load_idx %arg12[%add3A_212, %broadcast_in_dim3A_331] : memref<64x128xf32, #tpu.memory_space<vmem>>[vector<16xi32>, vector<16xi32>], vector<16xf32>,
            %gather3A_333 = tpu.vector_load_idx %arg13[%add3A_212, %broadcast_in_dim3A_331] : memref<64x128xf32, #tpu.memory_space<vmem>>[vector<16xi32>, vector<16xi32>], vector<16xf32>,
            %mul3A_334 = arith.mulf %gather3A_332, %gather3A_333 : vector<16xf32>
            %add3A_335 = arith.addf %add3A_328, %mul3A_334 : vector<16xf32>
            %add3A_336 = arith.constant 16 : i32
            %add3A_337 = arith.addi %mul3A_224, %add3A_336 : i32
            %broadcast_in_dim3A_338 = vector.broadcast %add3A_337 : i32 to vector<16xi32>
            %gather3A_339 = tpu.vector_load_idx %arg12[%add3A_212, %broadcast_in_dim3A_338] : memref<64x128xf32, #tpu.memory_space<vmem>>[vector<16xi32>, vector<16xi32>], vector<16xf32>,
            %gather3A_340 = tpu.vector_load_idx %arg13[%add3A_212, %broadcast_in_dim3A_338] : memref<64x128xf32, #tpu.memory_space<vmem>>[vector<16xi32>, vector<16xi32>], vector<16xf32>,
            %mul3A_341 = arith.mulf %gather3A_339, %gather3A_340 : vector<16xf32>
            %add3A_342 = arith.addf %add3A_335, %mul3A_341 : vector<16xf32>
            %add3A_343 = arith.constant 17 : i32
            %add3A_344 = arith.addi %mul3A_224, %add3A_343 : i32
            %broadcast_in_dim3A_345 = vector.broadcast %add3A_344 : i32 to vector<16xi32>
            %gather3A_346 = tpu.vector_load_idx %arg12[%add3A_212, %broadcast_in_dim3A_345] : memref<64x128xf32, #tpu.memory_space<vmem>>[vector<16xi32>, vector<16xi32>], vector<16xf32>,
            %gather3A_347 = tpu.vector_load_idx %arg13[%add3A_212, %broadcast_in_dim3A_345] : memref<64x128xf32, #tpu.memory_space<vmem>>[vector<16xi32>, vector<16xi32>], vector<16xf32>,
            %mul3A_348 = arith.mulf %gather3A_346, %gather3A_347 : vector<16xf32>
            %add3A_349 = arith.addf %add3A_342, %mul3A_348 : vector<16xf32>
            %add3A_350 = arith.constant 18 : i32
            %add3A_351 = arith.addi %mul3A_224, %add3A_350 : i32
            %broadcast_in_dim3A_352 = vector.broadcast %add3A_351 : i32 to vector<16xi32>
            %gather3A_353 = tpu.vector_load_idx %arg12[%add3A_212, %broadcast_in_dim3A_352] : memref<64x128xf32, #tpu.memory_space<vmem>>[vector<16xi32>, vector<16xi32>], vector<16xf32>,
            %gather3A_354 = tpu.vector_load_idx %arg13[%add3A_212, %broadcast_in_dim3A_352] : memref<64x128xf32, #tpu.memory_space<vmem>>[vector<16xi32>, vector<16xi32>], vector<16xf32>,
            %mul3A_355 = arith.mulf %gather3A_353, %gather3A_354 : vector<16xf32>
            %add3A_356 = arith.addf %add3A_349, %mul3A_355 : vector<16xf32>
            %add3A_357 = arith.constant 19 : i32
            %add3A_358 = arith.addi %mul3A_224, %add3A_357 : i32
            %broadcast_in_dim3A_359 = vector.broadcast %add3A_358 : i32 to vector<16xi32>
            %gather3A_360 = tpu.vector_load_idx %arg12[%add3A_212, %broadcast_in_dim3A_359] : memref<64x128xf32, #tpu.memory_space<vmem>>[vector<16xi32>, vector<16xi32>], vector<16xf32>,
            %gather3A_361 = tpu.vector_load_idx %arg13[%add3A_212, %broadcast_in_dim3A_359] : memref<64x128xf32, #tpu.memory_space<vmem>>[vector<16xi32>, vector<16xi32>], vector<16xf32>,
            %mul3A_362 = arith.mulf %gather3A_360, %gather3A_361 : vector<16xf32>
            %add3A_363 = arith.addf %add3A_356, %mul3A_362 : vector<16xf32>
            %add3A_364 = arith.constant 20 : i32
            %add3A_365 = arith.addi %mul3A_224, %add3A_364 : i32
            %broadcast_in_dim3A_366 = vector.broadcast %add3A_365 : i32 to vector<16xi32>
            %gather3A_367 = tpu.vector_load_idx %arg12[%add3A_212, %broadcast_in_dim3A_366] : memref<64x128xf32, #tpu.memory_space<vmem>>[vector<16xi32>, vector<16xi32>], vector<16xf32>,
            %gather3A_368 = tpu.vector_load_idx %arg13[%add3A_212, %broadcast_in_dim3A_366] : memref<64x128xf32, #tpu.memory_space<vmem>>[vector<16xi32>, vector<16xi32>], vector<16xf32>,
            %mul3A_369 = arith.mulf %gather3A_367, %gather3A_368 : vector<16xf32>
            %add3A_370 = arith.addf %add3A_363, %mul3A_369 : vector<16xf32>
            %add3A_371 = arith.constant 21 : i32
            %add3A_372 = arith.addi %mul3A_224, %add3A_371 : i32
            %broadcast_in_dim3A_373 = vector.broadcast %add3A_372 : i32 to vector<16xi32>
            %gather3A_374 = tpu.vector_load_idx %arg12[%add3A_212, %broadcast_in_dim3A_373] : memref<64x128xf32, #tpu.memory_space<vmem>>[vector<16xi32>, vector<16xi32>], vector<16xf32>,
            %gather3A_375 = tpu.vector_load_idx %arg13[%add3A_212, %broadcast_in_dim3A_373] : memref<64x128xf32, #tpu.memory_space<vmem>>[vector<16xi32>, vector<16xi32>], vector<16xf32>,
            %mul3A_376 = arith.mulf %gather3A_374, %gather3A_375 : vector<16xf32>
            %add3A_377 = arith.addf %add3A_370, %mul3A_376 : vector<16xf32>
            %add3A_378 = arith.constant 22 : i32
            %add3A_379 = arith.addi %mul3A_224, %add3A_378 : i32
            %broadcast_in_dim3A_380 = vector.broadcast %add3A_379 : i32 to vector<16xi32>
            %gather3A_381 = tpu.vector_load_idx %arg12[%add3A_212, %broadcast_in_dim3A_380] : memref<64x128xf32, #tpu.memory_space<vmem>>[vector<16xi32>, vector<16xi32>], vector<16xf32>,
            %gather3A_382 = tpu.vector_load_idx %arg13[%add3A_212, %broadcast_in_dim3A_380] : memref<64x128xf32, #tpu.memory_space<vmem>>[vector<16xi32>, vector<16xi32>], vector<16xf32>,
            %mul3A_383 = arith.mulf %gather3A_381, %gather3A_382 : vector<16xf32>
            %add3A_384 = arith.addf %add3A_377, %mul3A_383 : vector<16xf32>
            %add3A_385 = arith.constant 23 : i32
            %add3A_386 = arith.addi %mul3A_224, %add3A_385 : i32
            %broadcast_in_dim3A_387 = vector.broadcast %add3A_386 : i32 to vector<16xi32>
            %gather3A_388 = tpu.vector_load_idx %arg12[%add3A_212, %broadcast_in_dim3A_387] : memref<64x128xf32, #tpu.memory_space<vmem>>[vector<16xi32>, vector<16xi32>], vector<16xf32>,
            %gather3A_389 = tpu.vector_load_idx %arg13[%add3A_212, %broadcast_in_dim3A_387] : memref<64x128xf32, #tpu.memory_space<vmem>>[vector<16xi32>, vector<16xi32>], vector<16xf32>,
            %mul3A_390 = arith.mulf %gather3A_388, %gather3A_389 : vector<16xf32>
            %add3A_391 = arith.addf %add3A_384, %mul3A_390 : vector<16xf32>
            %add3A_392 = arith.constant 24 : i32
            %add3A_393 = arith.addi %mul3A_224, %add3A_392 : i32
            %broadcast_in_dim3A_394 = vector.broadcast %add3A_393 : i32 to vector<16xi32>
            %gather3A_395 = tpu.vector_load_idx %arg12[%add3A_212, %broadcast_in_dim3A_394] : memref<64x128xf32, #tpu.memory_space<vmem>>[vector<16xi32>, vector<16xi32>], vector<16xf32>,
            %gather3A_396 = tpu.vector_load_idx %arg13[%add3A_212, %broadcast_in_dim3A_394] : memref<64x128xf32, #tpu.memory_space<vmem>>[vector<16xi32>, vector<16xi32>], vector<16xf32>,
            %mul3A_397 = arith.mulf %gather3A_395, %gather3A_396 : vector<16xf32>
            %add3A_398 = arith.addf %add3A_391, %mul3A_397 : vector<16xf32>
            %add3A_399 = arith.constant 25 : i32
            %add3A_400 = arith.addi %mul3A_224, %add3A_399 : i32
            %broadcast_in_dim3A_401 = vector.broadcast %add3A_400 : i32 to vector<16xi32>
            %gather3A_402 = tpu.vector_load_idx %arg12[%add3A_212, %broadcast_in_dim3A_401] : memref<64x128xf32, #tpu.memory_space<vmem>>[vector<16xi32>, vector<16xi32>], vector<16xf32>,
            %gather3A_403 = tpu.vector_load_idx %arg13[%add3A_212, %broadcast_in_dim3A_401] : memref<64x128xf32, #tpu.memory_space<vmem>>[vector<16xi32>, vector<16xi32>], vector<16xf32>,
            %mul3A_404 = arith.mulf %gather3A_402, %gather3A_403 : vector<16xf32>
            %add3A_405 = arith.addf %add3A_398, %mul3A_404 : vector<16xf32>
            %add3A_406 = arith.constant 26 : i32
            %add3A_407 = arith.addi %mul3A_224, %add3A_406 : i32
            %broadcast_in_dim3A_408 = vector.broadcast %add3A_407 : i32 to vector<16xi32>
            %gather3A_409 = tpu.vector_load_idx %arg12[%add3A_212, %broadcast_in_dim3A_408] : memref<64x128xf32, #tpu.memory_space<vmem>>[vector<16xi32>, vector<16xi32>], vector<16xf32>,
            %gather3A_410 = tpu.vector_load_idx %arg13[%add3A_212, %broadcast_in_dim3A_408] : memref<64x128xf32, #tpu.memory_space<vmem>>[vector<16xi32>, vector<16xi32>], vector<16xf32>,
            %mul3A_411 = arith.mulf %gather3A_409, %gather3A_410 : vector<16xf32>
            %add3A_412 = arith.addf %add3A_405, %mul3A_411 : vector<16xf32>
            %add3A_413 = arith.constant 27 : i32
            %add3A_414 = arith.addi %mul3A_224, %add3A_413 : i32
            %broadcast_in_dim3A_415 = vector.broadcast %add3A_414 : i32 to vector<16xi32>
            %gather3A_416 = tpu.vector_load_idx %arg12[%add3A_212, %broadcast_in_dim3A_415] : memref<64x128xf32, #tpu.memory_space<vmem>>[vector<16xi32>, vector<16xi32>], vector<16xf32>,
            %gather3A_417 = tpu.vector_load_idx %arg13[%add3A_212, %broadcast_in_dim3A_415] : memref<64x128xf32, #tpu.memory_space<vmem>>[vector<16xi32>, vector<16xi32>], vector<16xf32>,
            %mul3A_418 = arith.mulf %gather3A_416, %gather3A_417 : vector<16xf32>
            %add3A_419 = arith.addf %add3A_412, %mul3A_418 : vector<16xf32>
            %add3A_420 = arith.constant 28 : i32
            %add3A_421 = arith.addi %mul3A_224, %add3A_420 : i32
            %broadcast_in_dim3A_422 = vector.broadcast %add3A_421 : i32 to vector<16xi32>
            %gather3A_423 = tpu.vector_load_idx %arg12[%add3A_212, %broadcast_in_dim3A_422] : memref<64x128xf32, #tpu.memory_space<vmem>>[vector<16xi32>, vector<16xi32>], vector<16xf32>,
            %gather3A_424 = tpu.vector_load_idx %arg13[%add3A_212, %broadcast_in_dim3A_422] : memref<64x128xf32, #tpu.memory_space<vmem>>[vector<16xi32>, vector<16xi32>], vector<16xf32>,
            %mul3A_425 = arith.mulf %gather3A_423, %gather3A_424 : vector<16xf32>
            %add3A_426 = arith.addf %add3A_419, %mul3A_425 : vector<16xf32>
            %add3A_427 = arith.constant 29 : i32
            %add3A_428 = arith.addi %mul3A_224, %add3A_427 : i32
            %broadcast_in_dim3A_429 = vector.broadcast %add3A_428 : i32 to vector<16xi32>
            %gather3A_430 = tpu.vector_load_idx %arg12[%add3A_212, %broadcast_in_dim3A_429] : memref<64x128xf32, #tpu.memory_space<vmem>>[vector<16xi32>, vector<16xi32>], vector<16xf32>,
            %gather3A_431 = tpu.vector_load_idx %arg13[%add3A_212, %broadcast_in_dim3A_429] : memref<64x128xf32, #tpu.memory_space<vmem>>[vector<16xi32>, vector<16xi32>], vector<16xf32>,
            %mul3A_432 = arith.mulf %gather3A_430, %gather3A_431 : vector<16xf32>
            %add3A_433 = arith.addf %add3A_426, %mul3A_432 : vector<16xf32>
            %add3A_434 = arith.constant 30 : i32
            %add3A_435 = arith.addi %mul3A_224, %add3A_434 : i32
            %broadcast_in_dim3A_436 = vector.broadcast %add3A_435 : i32 to vector<16xi32>
            %gather3A_437 = tpu.vector_load_idx %arg12[%add3A_212, %broadcast_in_dim3A_436] : memref<64x128xf32, #tpu.memory_space<vmem>>[vector<16xi32>, vector<16xi32>], vector<16xf32>,
            %gather3A_438 = tpu.vector_load_idx %arg13[%add3A_212, %broadcast_in_dim3A_436] : memref<64x128xf32, #tpu.memory_space<vmem>>[vector<16xi32>, vector<16xi32>], vector<16xf32>,
            %mul3A_439 = arith.mulf %gather3A_437, %gather3A_438 : vector<16xf32>
            %add3A_440 = arith.addf %add3A_433, %mul3A_439 : vector<16xf32>
            %add3A_441 = arith.constant 31 : i32
            %add3A_442 = arith.addi %mul3A_224, %add3A_441 : i32
            %broadcast_in_dim3A_443 = vector.broadcast %add3A_442 : i32 to vector<16xi32>
            %gather3A_444 = tpu.vector_load_idx %arg12[%add3A_212, %broadcast_in_dim3A_443] : memref<64x128xf32, #tpu.memory_space<vmem>>[vector<16xi32>, vector<16xi32>], vector<16xf32>,
            %gather3A_445 = tpu.vector_load_idx %arg13[%add3A_212, %broadcast_in_dim3A_443] : memref<64x128xf32, #tpu.memory_space<vmem>>[vector<16xi32>, vector<16xi32>], vector<16xf32>,
            %mul3A_446 = arith.mulf %gather3A_444, %gather3A_445 : vector<16xf32>
            %add3A_447 = arith.addf %add3A_440, %mul3A_446 : vector<16xf32>
            %exp3A = math.exp %add3A_447 : vector<16xf32>
            %add3A_448 = arith.constant 128 : i32
            %add3A_449 = arith.addi %add3A_448, %add3A_222 : i32
            %broadcast_in_dim3A_450 = vector.broadcast %add3A_449 : i32 to vector<16xi32>
            tpu.vector_store_idx %arg15[%add3A_210, %broadcast_in_dim3A_450], %exp3A : memref<32x144xf32, #tpu.memory_space<vmem>>[vector<16xi32>, vector<16xi32>], vector<16xf32>,
            %add3A_451 = arith.constant 0 : i32
            %add3A_452 = arith.addi %mul3A_224, %add3A_451 : i32
            %broadcast_in_dim3A_453 = vector.broadcast %add3A_452 : i32 to vector<16xi32>
            %gather3A_454 = tpu.vector_load_idx %arg14[%add3A_212, %broadcast_in_dim3A_453] : memref<64x128xf32, #tpu.memory_space<vmem>>[vector<16xi32>, vector<16xi32>], vector<16xf32>,
            %mul3A_455 = arith.mulf %gather3A_454, %exp3A : vector<16xf32>
            tpu.vector_store_idx %arg15[%add3A_210, %broadcast_in_dim3A_453], %mul3A_455 : memref<32x144xf32, #tpu.memory_space<vmem>>[vector<16xi32>, vector<16xi32>], vector<16xf32>,
            %add3A_456 = arith.constant 1 : i32
            %add3A_457 = arith.addi %mul3A_224, %add3A_456 : i32
            %broadcast_in_dim3A_458 = vector.broadcast %add3A_457 : i32 to vector<16xi32>
            %gather3A_459 = tpu.vector_load_idx %arg14[%add3A_212, %broadcast_in_dim3A_458] : memref<64x128xf32, #tpu.memory_space<vmem>>[vector<16xi32>, vector<16xi32>], vector<16xf32>,
            %mul3A_460 = arith.mulf %gather3A_459, %exp3A : vector<16xf32>
            tpu.vector_store_idx %arg15[%add3A_210, %broadcast_in_dim3A_458], %mul3A_460 : memref<32x144xf32, #tpu.memory_space<vmem>>[vector<16xi32>, vector<16xi32>], vector<16xf32>,
            %add3A_461 = arith.constant 2 : i32
            %add3A_462 = arith.addi %mul3A_224, %add3A_461 : i32
            %broadcast_in_dim3A_463 = vector.broadcast %add3A_462 : i32 to vector<16xi32>
            %gather3A_464 = tpu.vector_load_idx %arg14[%add3A_212, %broadcast_in_dim3A_463] : memref<64x128xf32, #tpu.memory_space<vmem>>[vector<16xi32>, vector<16xi32>], vector<16xf32>,
            %mul3A_465 = arith.mulf %gather3A_464, %exp3A : vector<16xf32>
            tpu.vector_store_idx %arg15[%add3A_210, %broadcast_in_dim3A_463], %mul3A_465 : memref<32x144xf32, #tpu.memory_space<vmem>>[vector<16xi32>, vector<16xi32>], vector<16xf32>,
            %add3A_466 = arith.constant 3 : i32
            %add3A_467 = arith.addi %mul3A_224, %add3A_466 : i32
            %broadcast_in_dim3A_468 = vector.broadcast %add3A_467 : i32 to vector<16xi32>
            %gather3A_469 = tpu.vector_load_idx %arg14[%add3A_212, %broadcast_in_dim3A_468] : memref<64x128xf32, #tpu.memory_space<vmem>>[vector<16xi32>, vector<16xi32>], vector<16xf32>,
            %mul3A_470 = arith.mulf %gather3A_469, %exp3A : vector<16xf32>
            tpu.vector_store_idx %arg15[%add3A_210, %broadcast_in_dim3A_468], %mul3A_470 : memref<32x144xf32, #tpu.memory_space<vmem>>[vector<16xi32>, vector<16xi32>], vector<16xf32>,
            %add3A_471 = arith.constant 4 : i32
            %add3A_472 = arith.addi %mul3A_224, %add3A_471 : i32
            %broadcast_in_dim3A_473 = vector.broadcast %add3A_472 : i32 to vector<16xi32>
            %gather3A_474 = tpu.vector_load_idx %arg14[%add3A_212, %broadcast_in_dim3A_473] : memref<64x128xf32, #tpu.memory_space<vmem>>[vector<16xi32>, vector<16xi32>], vector<16xf32>,
            %mul3A_475 = arith.mulf %gather3A_474, %exp3A : vector<16xf32>
            tpu.vector_store_idx %arg15[%add3A_210, %broadcast_in_dim3A_473], %mul3A_475 : memref<32x144xf32, #tpu.memory_space<vmem>>[vector<16xi32>, vector<16xi32>], vector<16xf32>,
            %add3A_476 = arith.constant 5 : i32
            %add3A_477 = arith.addi %mul3A_224, %add3A_476 : i32
            %broadcast_in_dim3A_478 = vector.broadcast %add3A_477 : i32 to vector<16xi32>
            %gather3A_479 = tpu.vector_load_idx %arg14[%add3A_212, %broadcast_in_dim3A_478] : memref<64x128xf32, #tpu.memory_space<vmem>>[vector<16xi32>, vector<16xi32>], vector<16xf32>,
            %mul3A_480 = arith.mulf %gather3A_479, %exp3A : vector<16xf32>
            tpu.vector_store_idx %arg15[%add3A_210, %broadcast_in_dim3A_478], %mul3A_480 : memref<32x144xf32, #tpu.memory_space<vmem>>[vector<16xi32>, vector<16xi32>], vector<16xf32>,
            %add3A_481 = arith.constant 6 : i32
            %add3A_482 = arith.addi %mul3A_224, %add3A_481 : i32
            %broadcast_in_dim3A_483 = vector.broadcast %add3A_482 : i32 to vector<16xi32>
            %gather3A_484 = tpu.vector_load_idx %arg14[%add3A_212, %broadcast_in_dim3A_483] : memref<64x128xf32, #tpu.memory_space<vmem>>[vector<16xi32>, vector<16xi32>], vector<16xf32>,
            %mul3A_485 = arith.mulf %gather3A_484, %exp3A : vector<16xf32>
            tpu.vector_store_idx %arg15[%add3A_210, %broadcast_in_dim3A_483], %mul3A_485 : memref<32x144xf32, #tpu.memory_space<vmem>>[vector<16xi32>, vector<16xi32>], vector<16xf32>,
            %add3A_486 = arith.constant 7 : i32
            %add3A_487 = arith.addi %mul3A_224, %add3A_486 : i32
            %broadcast_in_dim3A_488 = vector.broadcast %add3A_487 : i32 to vector<16xi32>
            %gather3A_489 = tpu.vector_load_idx %arg14[%add3A_212, %broadcast_in_dim3A_488] : memref<64x128xf32, #tpu.memory_space<vmem>>[vector<16xi32>, vector<16xi32>], vector<16xf32>,
            %mul3A_490 = arith.mulf %gather3A_489, %exp3A : vector<16xf32>
            tpu.vector_store_idx %arg15[%add3A_210, %broadcast_in_dim3A_488], %mul3A_490 : memref<32x144xf32, #tpu.memory_space<vmem>>[vector<16xi32>, vector<16xi32>], vector<16xf32>,
            %add3A_491 = arith.constant 8 : i32
            %add3A_492 = arith.addi %mul3A_224, %add3A_491 : i32
            %broadcast_in_dim3A_493 = vector.broadcast %add3A_492 : i32 to vector<16xi32>
            %gather3A_494 = tpu.vector_load_idx %arg14[%add3A_212, %broadcast_in_dim3A_493] : memref<64x128xf32, #tpu.memory_space<vmem>>[vector<16xi32>, vector<16xi32>], vector<16xf32>,
            %mul3A_495 = arith.mulf %gather3A_494, %exp3A : vector<16xf32>
            tpu.vector_store_idx %arg15[%add3A_210, %broadcast_in_dim3A_493], %mul3A_495 : memref<32x144xf32, #tpu.memory_space<vmem>>[vector<16xi32>, vector<16xi32>], vector<16xf32>,
            %add3A_496 = arith.constant 9 : i32
            %add3A_497 = arith.addi %mul3A_224, %add3A_496 : i32
            %broadcast_in_dim3A_498 = vector.broadcast %add3A_497 : i32 to vector<16xi32>
            %gather3A_499 = tpu.vector_load_idx %arg14[%add3A_212, %broadcast_in_dim3A_498] : memref<64x128xf32, #tpu.memory_space<vmem>>[vector<16xi32>, vector<16xi32>], vector<16xf32>,
            %mul3A_500 = arith.mulf %gather3A_499, %exp3A : vector<16xf32>
            tpu.vector_store_idx %arg15[%add3A_210, %broadcast_in_dim3A_498], %mul3A_500 : memref<32x144xf32, #tpu.memory_space<vmem>>[vector<16xi32>, vector<16xi32>], vector<16xf32>,
            %add3A_501 = arith.constant 10 : i32
            %add3A_502 = arith.addi %mul3A_224, %add3A_501 : i32
            %broadcast_in_dim3A_503 = vector.broadcast %add3A_502 : i32 to vector<16xi32>
            %gather3A_504 = tpu.vector_load_idx %arg14[%add3A_212, %broadcast_in_dim3A_503] : memref<64x128xf32, #tpu.memory_space<vmem>>[vector<16xi32>, vector<16xi32>], vector<16xf32>,
            %mul3A_505 = arith.mulf %gather3A_504, %exp3A : vector<16xf32>
            tpu.vector_store_idx %arg15[%add3A_210, %broadcast_in_dim3A_503], %mul3A_505 : memref<32x144xf32, #tpu.memory_space<vmem>>[vector<16xi32>, vector<16xi32>], vector<16xf32>,
            %add3A_506 = arith.constant 11 : i32
            %add3A_507 = arith.addi %mul3A_224, %add3A_506 : i32
            %broadcast_in_dim3A_508 = vector.broadcast %add3A_507 : i32 to vector<16xi32>
            %gather3A_509 = tpu.vector_load_idx %arg14[%add3A_212, %broadcast_in_dim3A_508] : memref<64x128xf32, #tpu.memory_space<vmem>>[vector<16xi32>, vector<16xi32>], vector<16xf32>,
            %mul3A_510 = arith.mulf %gather3A_509, %exp3A : vector<16xf32>
            tpu.vector_store_idx %arg15[%add3A_210, %broadcast_in_dim3A_508], %mul3A_510 : memref<32x144xf32, #tpu.memory_space<vmem>>[vector<16xi32>, vector<16xi32>], vector<16xf32>,
            %add3A_511 = arith.constant 12 : i32
            %add3A_512 = arith.addi %mul3A_224, %add3A_511 : i32
            %broadcast_in_dim3A_513 = vector.broadcast %add3A_512 : i32 to vector<16xi32>
            %gather3A_514 = tpu.vector_load_idx %arg14[%add3A_212, %broadcast_in_dim3A_513] : memref<64x128xf32, #tpu.memory_space<vmem>>[vector<16xi32>, vector<16xi32>], vector<16xf32>,
            %mul3A_515 = arith.mulf %gather3A_514, %exp3A : vector<16xf32>
            tpu.vector_store_idx %arg15[%add3A_210, %broadcast_in_dim3A_513], %mul3A_515 : memref<32x144xf32, #tpu.memory_space<vmem>>[vector<16xi32>, vector<16xi32>], vector<16xf32>,
            %add3A_516 = arith.constant 13 : i32
            %add3A_517 = arith.addi %mul3A_224, %add3A_516 : i32
            %broadcast_in_dim3A_518 = vector.broadcast %add3A_517 : i32 to vector<16xi32>
            %gather3A_519 = tpu.vector_load_idx %arg14[%add3A_212, %broadcast_in_dim3A_518] : memref<64x128xf32, #tpu.memory_space<vmem>>[vector<16xi32>, vector<16xi32>], vector<16xf32>,
            %mul3A_520 = arith.mulf %gather3A_519, %exp3A : vector<16xf32>
            tpu.vector_store_idx %arg15[%add3A_210, %broadcast_in_dim3A_518], %mul3A_520 : memref<32x144xf32, #tpu.memory_space<vmem>>[vector<16xi32>, vector<16xi32>], vector<16xf32>,
            %add3A_521 = arith.constant 14 : i32
            %add3A_522 = arith.addi %mul3A_224, %add3A_521 : i32
            %broadcast_in_dim3A_523 = vector.broadcast %add3A_522 : i32 to vector<16xi32>
            %gather3A_524 = tpu.vector_load_idx %arg14[%add3A_212, %broadcast_in_dim3A_523] : memref<64x128xf32, #tpu.memory_space<vmem>>[vector<16xi32>, vector<16xi32>], vector<16xf32>,
            %mul3A_525 = arith.mulf %gather3A_524, %exp3A : vector<16xf32>
            tpu.vector_store_idx %arg15[%add3A_210, %broadcast_in_dim3A_523], %mul3A_525 : memref<32x144xf32, #tpu.memory_space<vmem>>[vector<16xi32>, vector<16xi32>], vector<16xf32>,
            %add3A_526 = arith.constant 15 : i32
            %add3A_527 = arith.addi %mul3A_224, %add3A_526 : i32
            %broadcast_in_dim3A_528 = vector.broadcast %add3A_527 : i32 to vector<16xi32>
            %gather3A_529 = tpu.vector_load_idx %arg14[%add3A_212, %broadcast_in_dim3A_528] : memref<64x128xf32, #tpu.memory_space<vmem>>[vector<16xi32>, vector<16xi32>], vector<16xf32>,
            %mul3A_530 = arith.mulf %gather3A_529, %exp3A : vector<16xf32>
            tpu.vector_store_idx %arg15[%add3A_210, %broadcast_in_dim3A_528], %mul3A_530 : memref<32x144xf32, #tpu.memory_space<vmem>>[vector<16xi32>, vector<16xi32>], vector<16xf32>,
            %add3A_531 = arith.constant 16 : i32
            %add3A_532 = arith.addi %mul3A_224, %add3A_531 : i32
            %broadcast_in_dim3A_533 = vector.broadcast %add3A_532 : i32 to vector<16xi32>
            %gather3A_534 = tpu.vector_load_idx %arg14[%add3A_212, %broadcast_in_dim3A_533] : memref<64x128xf32, #tpu.memory_space<vmem>>[vector<16xi32>, vector<16xi32>], vector<16xf32>,
            %mul3A_535 = arith.mulf %gather3A_534, %exp3A : vector<16xf32>
            tpu.vector_store_idx %arg15[%add3A_210, %broadcast_in_dim3A_533], %mul3A_535 : memref<32x144xf32, #tpu.memory_space<vmem>>[vector<16xi32>, vector<16xi32>], vector<16xf32>,
            %add3A_536 = arith.constant 17 : i32
            %add3A_537 = arith.addi %mul3A_224, %add3A_536 : i32
            %broadcast_in_dim3A_538 = vector.broadcast %add3A_537 : i32 to vector<16xi32>
            %gather3A_539 = tpu.vector_load_idx %arg14[%add3A_212, %broadcast_in_dim3A_538] : memref<64x128xf32, #tpu.memory_space<vmem>>[vector<16xi32>, vector<16xi32>], vector<16xf32>,
            %mul3A_540 = arith.mulf %gather3A_539, %exp3A : vector<16xf32>
            tpu.vector_store_idx %arg15[%add3A_210, %broadcast_in_dim3A_538], %mul3A_540 : memref<32x144xf32, #tpu.memory_space<vmem>>[vector<16xi32>, vector<16xi32>], vector<16xf32>,
            %add3A_541 = arith.constant 18 : i32
            %add3A_542 = arith.addi %mul3A_224, %add3A_541 : i32
            %broadcast_in_dim3A_543 = vector.broadcast %add3A_542 : i32 to vector<16xi32>
            %gather3A_544 = tpu.vector_load_idx %arg14[%add3A_212, %broadcast_in_dim3A_543] : memref<64x128xf32, #tpu.memory_space<vmem>>[vector<16xi32>, vector<16xi32>], vector<16xf32>,
            %mul3A_545 = arith.mulf %gather3A_544, %exp3A : vector<16xf32>
            tpu.vector_store_idx %arg15[%add3A_210, %broadcast_in_dim3A_543], %mul3A_545 : memref<32x144xf32, #tpu.memory_space<vmem>>[vector<16xi32>, vector<16xi32>], vector<16xf32>,
            %add3A_546 = arith.constant 19 : i32
            %add3A_547 = arith.addi %mul3A_224, %add3A_546 : i32
            %broadcast_in_dim3A_548 = vector.broadcast %add3A_547 : i32 to vector<16xi32>
            %gather3A_549 = tpu.vector_load_idx %arg14[%add3A_212, %broadcast_in_dim3A_548] : memref<64x128xf32, #tpu.memory_space<vmem>>[vector<16xi32>, vector<16xi32>], vector<16xf32>,
            %mul3A_550 = arith.mulf %gather3A_549, %exp3A : vector<16xf32>
            tpu.vector_store_idx %arg15[%add3A_210, %broadcast_in_dim3A_548], %mul3A_550 : memref<32x144xf32, #tpu.memory_space<vmem>>[vector<16xi32>, vector<16xi32>], vector<16xf32>,
            %add3A_551 = arith.constant 20 : i32
            %add3A_552 = arith.addi %mul3A_224, %add3A_551 : i32
            %broadcast_in_dim3A_553 = vector.broadcast %add3A_552 : i32 to vector<16xi32>
            %gather3A_554 = tpu.vector_load_idx %arg14[%add3A_212, %broadcast_in_dim3A_553] : memref<64x128xf32, #tpu.memory_space<vmem>>[vector<16xi32>, vector<16xi32>], vector<16xf32>,
            %mul3A_555 = arith.mulf %gather3A_554, %exp3A : vector<16xf32>
            tpu.vector_store_idx %arg15[%add3A_210, %broadcast_in_dim3A_553], %mul3A_555 : memref<32x144xf32, #tpu.memory_space<vmem>>[vector<16xi32>, vector<16xi32>], vector<16xf32>,
            %add3A_556 = arith.constant 21 : i32
            %add3A_557 = arith.addi %mul3A_224, %add3A_556 : i32
            %broadcast_in_dim3A_558 = vector.broadcast %add3A_557 : i32 to vector<16xi32>
            %gather3A_559 = tpu.vector_load_idx %arg14[%add3A_212, %broadcast_in_dim3A_558] : memref<64x128xf32, #tpu.memory_space<vmem>>[vector<16xi32>, vector<16xi32>], vector<16xf32>,
            %mul3A_560 = arith.mulf %gather3A_559, %exp3A : vector<16xf32>
            tpu.vector_store_idx %arg15[%add3A_210, %broadcast_in_dim3A_558], %mul3A_560 : memref<32x144xf32, #tpu.memory_space<vmem>>[vector<16xi32>, vector<16xi32>], vector<16xf32>,
            %add3A_561 = arith.constant 22 : i32
            %add3A_562 = arith.addi %mul3A_224, %add3A_561 : i32
            %broadcast_in_dim3A_563 = vector.broadcast %add3A_562 : i32 to vector<16xi32>
            %gather3A_564 = tpu.vector_load_idx %arg14[%add3A_212, %broadcast_in_dim3A_563] : memref<64x128xf32, #tpu.memory_space<vmem>>[vector<16xi32>, vector<16xi32>], vector<16xf32>,
            %mul3A_565 = arith.mulf %gather3A_564, %exp3A : vector<16xf32>
            tpu.vector_store_idx %arg15[%add3A_210, %broadcast_in_dim3A_563], %mul3A_565 : memref<32x144xf32, #tpu.memory_space<vmem>>[vector<16xi32>, vector<16xi32>], vector<16xf32>,
            %add3A_566 = arith.constant 23 : i32
            %add3A_567 = arith.addi %mul3A_224, %add3A_566 : i32
            %broadcast_in_dim3A_568 = vector.broadcast %add3A_567 : i32 to vector<16xi32>
            %gather3A_569 = tpu.vector_load_idx %arg14[%add3A_212, %broadcast_in_dim3A_568] : memref<64x128xf32, #tpu.memory_space<vmem>>[vector<16xi32>, vector<16xi32>], vector<16xf32>,
            %mul3A_570 = arith.mulf %gather3A_569, %exp3A : vector<16xf32>
            tpu.vector_store_idx %arg15[%add3A_210, %broadcast_in_dim3A_568], %mul3A_570 : memref<32x144xf32, #tpu.memory_space<vmem>>[vector<16xi32>, vector<16xi32>], vector<16xf32>,
            %add3A_571 = arith.constant 24 : i32
            %add3A_572 = arith.addi %mul3A_224, %add3A_571 : i32
            %broadcast_in_dim3A_573 = vector.broadcast %add3A_572 : i32 to vector<16xi32>
            %gather3A_574 = tpu.vector_load_idx %arg14[%add3A_212, %broadcast_in_dim3A_573] : memref<64x128xf32, #tpu.memory_space<vmem>>[vector<16xi32>, vector<16xi32>], vector<16xf32>,
            %mul3A_575 = arith.mulf %gather3A_574, %exp3A : vector<16xf32>
            tpu.vector_store_idx %arg15[%add3A_210, %broadcast_in_dim3A_573], %mul3A_575 : memref<32x144xf32, #tpu.memory_space<vmem>>[vector<16xi32>, vector<16xi32>], vector<16xf32>,
            %add3A_576 = arith.constant 25 : i32
            %add3A_577 = arith.addi %mul3A_224, %add3A_576 : i32
            %broadcast_in_dim3A_578 = vector.broadcast %add3A_577 : i32 to vector<16xi32>
            %gather3A_579 = tpu.vector_load_idx %arg14[%add3A_212, %broadcast_in_dim3A_578] : memref<64x128xf32, #tpu.memory_space<vmem>>[vector<16xi32>, vector<16xi32>], vector<16xf32>,
            %mul3A_580 = arith.mulf %gather3A_579, %exp3A : vector<16xf32>
            tpu.vector_store_idx %arg15[%add3A_210, %broadcast_in_dim3A_578], %mul3A_580 : memref<32x144xf32, #tpu.memory_space<vmem>>[vector<16xi32>, vector<16xi32>], vector<16xf32>,
            %add3A_581 = arith.constant 26 : i32
            %add3A_582 = arith.addi %mul3A_224, %add3A_581 : i32
            %broadcast_in_dim3A_583 = vector.broadcast %add3A_582 : i32 to vector<16xi32>
            %gather3A_584 = tpu.vector_load_idx %arg14[%add3A_212, %broadcast_in_dim3A_583] : memref<64x128xf32, #tpu.memory_space<vmem>>[vector<16xi32>, vector<16xi32>], vector<16xf32>,
            %mul3A_585 = arith.mulf %gather3A_584, %exp3A : vector<16xf32>
            tpu.vector_store_idx %arg15[%add3A_210, %broadcast_in_dim3A_583], %mul3A_585 : memref<32x144xf32, #tpu.memory_space<vmem>>[vector<16xi32>, vector<16xi32>], vector<16xf32>,
            %add3A_586 = arith.constant 27 : i32
            %add3A_587 = arith.addi %mul3A_224, %add3A_586 : i32
            %broadcast_in_dim3A_588 = vector.broadcast %add3A_587 : i32 to vector<16xi32>
            %gather3A_589 = tpu.vector_load_idx %arg14[%add3A_212, %broadcast_in_dim3A_588] : memref<64x128xf32, #tpu.memory_space<vmem>>[vector<16xi32>, vector<16xi32>], vector<16xf32>,
            %mul3A_590 = arith.mulf %gather3A_589, %exp3A : vector<16xf32>
            tpu.vector_store_idx %arg15[%add3A_210, %broadcast_in_dim3A_588], %mul3A_590 : memref<32x144xf32, #tpu.memory_space<vmem>>[vector<16xi32>, vector<16xi32>], vector<16xf32>,
            %add3A_591 = arith.constant 28 : i32
            %add3A_592 = arith.addi %mul3A_224, %add3A_591 : i32
            %broadcast_in_dim3A_593 = vector.broadcast %add3A_592 : i32 to vector<16xi32>
            %gather3A_594 = tpu.vector_load_idx %arg14[%add3A_212, %broadcast_in_dim3A_593] : memref<64x128xf32, #tpu.memory_space<vmem>>[vector<16xi32>, vector<16xi32>], vector<16xf32>,
            %mul3A_595 = arith.mulf %gather3A_594, %exp3A : vector<16xf32>
            tpu.vector_store_idx %arg15[%add3A_210, %broadcast_in_dim3A_593], %mul3A_595 : memref<32x144xf32, #tpu.memory_space<vmem>>[vector<16xi32>, vector<16xi32>], vector<16xf32>,
            %add3A_596 = arith.constant 29 : i32
            %add3A_597 = arith.addi %mul3A_224, %add3A_596 : i32
            %broadcast_in_dim3A_598 = vector.broadcast %add3A_597 : i32 to vector<16xi32>
            %gather3A_599 = tpu.vector_load_idx %arg14[%add3A_212, %broadcast_in_dim3A_598] : memref<64x128xf32, #tpu.memory_space<vmem>>[vector<16xi32>, vector<16xi32>], vector<16xf32>,
            %mul3A_600 = arith.mulf %gather3A_599, %exp3A : vector<16xf32>
            tpu.vector_store_idx %arg15[%add3A_210, %broadcast_in_dim3A_598], %mul3A_600 : memref<32x144xf32, #tpu.memory_space<vmem>>[vector<16xi32>, vector<16xi32>], vector<16xf32>,
            %add3A_601 = arith.constant 30 : i32
            %add3A_602 = arith.addi %mul3A_224, %add3A_601 : i32
            %broadcast_in_dim3A_603 = vector.broadcast %add3A_602 : i32 to vector<16xi32>
            %gather3A_604 = tpu.vector_load_idx %arg14[%add3A_212, %broadcast_in_dim3A_603] : memref<64x128xf32, #tpu.memory_space<vmem>>[vector<16xi32>, vector<16xi32>], vector<16xf32>,
            %mul3A_605 = arith.mulf %gather3A_604, %exp3A : vector<16xf32>
            tpu.vector_store_idx %arg15[%add3A_210, %broadcast_in_dim3A_603], %mul3A_605 : memref<32x144xf32, #tpu.memory_space<vmem>>[vector<16xi32>, vector<16xi32>], vector<16xf32>,
            %add3A_606 = arith.constant 31 : i32
            %add3A_607 = arith.addi %mul3A_224, %add3A_606 : i32
            %broadcast_in_dim3A_608 = vector.broadcast %add3A_607 : i32 to vector<16xi32>
            %gather3A_609 = tpu.vector_load_idx %arg14[%add3A_212, %broadcast_in_dim3A_608] : memref<64x128xf32, #tpu.memory_space<vmem>>[vector<16xi32>, vector<16xi32>], vector<16xf32>,
            %mul3A_610 = arith.mulf %gather3A_609, %exp3A : vector<16xf32>
            tpu.vector_store_idx %arg15[%add3A_210, %broadcast_in_dim3A_608], %mul3A_610 : memref<32x144xf32, #tpu.memory_space<vmem>>[vector<16xi32>, vector<16xi32>], vector<16xf32>,
          }
          %scan3A_217 = arith.constant 4 : i32
        }
        %scan3A_195 = arith.constant 2 : i32
        %dma_start3A_196 = arith.constant 0 : i32
        %dma_start3A_197 = tpu.memref_slice %arg11[%add3A_138, %dma_start3A_196] : memref<16x32xi32, #tpu.memory_space<vmem>> -> memref<1x32xi32, #tpu.memory_space<vmem>>
        %dma_start3A_198 = tpu.memref_squeeze %dma_start3A_197 : memref<1x32xi32, #tpu.memory_space<vmem>> -> memref<32xi32, #tpu.memory_space<vmem>>
        %dma_start3A_199 = arith.constant 0 : i32
        %dma_start3A_200 = arith.constant 0 : i32
        %dma_start3A_201 = tpu.memref_slice %arg18[%dma_start3A_199, %dma_start3A_200] : memref<10240x144xf32, #tpu.memory_space<vmem_shared>> -> memref<10240x144xf32, #tpu.memory_space<vmem_shared>>
        tpu.enqueue_indirect_dma source(%arg15 : memref<32x144xf32, #tpu.memory_space<vmem>>) target(%dma_start3A_201 : memref<10240x144xf32, #tpu.memory_space<vmem_shared>>) offsets(%dma_start3A_198 : memref<32xi32, #tpu.memory_space<vmem>>) semaphore(%arg17 : memref<!tpu.dma_semaphore, #tpu.memory_space<semaphore_mem>>) {add = true}
      }
    }
    %scan3A_55 = arith.constant 20 : i32
    %dma_wait3A = arith.constant 0 : i32
    %dma_wait3A_56 = arith.constant 0 : i32
    %dma_wait3A_57 = tpu.memref_slice %arg8[%dma_wait3A, %dma_wait3A_56] : memref<20480x144xf32, #tpu.memory_space<hbm>> -> memref<32x144xf32, #tpu.memory_space<hbm>>
    %dma_wait3A_58 = arith.constant 0 : i32
    %dma_wait3A_59 = arith.constant 0 : i32
    %dma_wait3A_60 = tpu.memref_slice %arg8[%dma_wait3A_58, %dma_wait3A_59] : memref<20480x144xf32, #tpu.memory_space<hbm>> -> memref<32x144xf32, #tpu.memory_space<hbm>>
    tpu.wait_dma2 semaphore(%arg17 : memref<!tpu.dma_semaphore, #tpu.memory_space<semaphore_mem>>) src(%dma_wait3A_60 : memref<32x144xf32, #tpu.memory_space<hbm>>) dst(%arg15 : memref<32x144xf32, #tpu.memory_space<vmem>>)
    %barrier3A_61 = arith.constant 0 : index
    tpu.barrier barrier_id(%barrier3A_61)
    %scan3A_62 = arith.constant 0 : i32
    %scan3A_63 = arith.constant 20 : i32
    %scan3A_64 = arith.addi %scan3A_62, %scan3A_63 : i32
    %scan3A_65 = arith.constant 1 : i32
    scf.for %scan3A_67 = %scan3A_62 to %scan3A_64 step %scan3A_65  : i32 {
      %mul3A_68 = arith.constant 1 : i32
      %mul3A_69 = arith.muli %scan3A_67, %mul3A_68 : i32
      %add3A_70 = arith.constant 0 : i32
      %add3A_71 = arith.addi %add3A_70, %mul3A_69 : i32
      %mul3A_72 = arith.constant 640 : i32
      %mul3A_73 = arith.muli %arg1, %mul3A_72 : i32
      %mul3A_74 = arith.constant 32 : i32
      %mul3A_75 = arith.muli %add3A_71, %mul3A_74 : i32
      %add3A_76 = arith.addi %mul3A_73, %mul3A_75 : i32
      %mul3A_77 = arith.constant 10240 : i32
      %mul3A_78 = arith.muli %arg0, %mul3A_77 : i32
      %add3A_79 = arith.addi %mul3A_78, %add3A_76 : i32
      "tpu.region"() ({
        %run_scoped3A = tpu.sem_alloc : memref<!tpu.dma_semaphore, #tpu.memory_space<semaphore_mem>>
        %dma_start3A = arith.constant 0 : i32
        %dma_start3A_80 = tpu.memref_slice %arg18[%add3A_76, %dma_start3A] : memref<10240x144xf32, #tpu.memory_space<vmem_shared>> -> memref<32x144xf32, #tpu.memory_space<vmem_shared>>
        %dma_start3A_81 = arith.constant 0 : i32
        %dma_start3A_82 = tpu.memref_slice %arg18[%add3A_76, %dma_start3A_81] : memref<10240x144xf32, #tpu.memory_space<vmem_shared>> -> memref<32x144xf32, #tpu.memory_space<vmem_shared>>
        tpu.enqueue_dma source(%dma_start3A_82 : memref<32x144xf32, #tpu.memory_space<vmem_shared>>) target(%arg15 : memref<32x144xf32, #tpu.memory_space<vmem>>) target_semaphore(%run_scoped3A : memref<!tpu.dma_semaphore, #tpu.memory_space<semaphore_mem>>)
        %dma_wait3A_83 = arith.constant 0 : i32
        %dma_wait3A_84 = tpu.memref_slice %arg18[%add3A_76, %dma_wait3A_83] : memref<10240x144xf32, #tpu.memory_space<vmem_shared>> -> memref<32x144xf32, #tpu.memory_space<vmem_shared>>
        %dma_wait3A_85 = arith.constant 0 : i32
        %dma_wait3A_86 = tpu.memref_slice %arg18[%add3A_76, %dma_wait3A_85] : memref<10240x144xf32, #tpu.memory_space<vmem_shared>> -> memref<32x144xf32, #tpu.memory_space<vmem_shared>>
        tpu.wait_dma2 semaphore(%run_scoped3A : memref<!tpu.dma_semaphore, #tpu.memory_space<semaphore_mem>>) src(%dma_wait3A_86 : memref<32x144xf32, #tpu.memory_space<vmem_shared>>) dst(%arg15 : memref<32x144xf32, #tpu.memory_space<vmem>>)
        tpu.yield
      }) : () -> ()
      "tpu.region"() ({
        %run_scoped3A = tpu.sem_alloc : memref<!tpu.dma_semaphore, #tpu.memory_space<semaphore_mem>>
        %dma_start3A = arith.constant 0 : i32
        %dma_start3A_80 = tpu.memref_slice %arg8[%add3A_79, %dma_start3A] : memref<20480x144xf32, #tpu.memory_space<hbm>> -> memref<32x144xf32, #tpu.memory_space<hbm>>
        %dma_start3A_81 = arith.constant 0 : i32
        %dma_start3A_82 = tpu.memref_slice %arg8[%add3A_79, %dma_start3A_81] : memref<20480x144xf32, #tpu.memory_space<hbm>> -> memref<32x144xf32, #tpu.memory_space<hbm>>
        tpu.enqueue_dma source(%arg15 : memref<32x144xf32, #tpu.memory_space<vmem>>) target(%dma_start3A_82 : memref<32x144xf32, #tpu.memory_space<hbm>>) target_semaphore(%run_scoped3A : memref<!tpu.dma_semaphore, #tpu.memory_space<semaphore_mem>>)
        %dma_wait3A_83 = arith.constant 0 : i32
        %dma_wait3A_84 = tpu.memref_slice %arg8[%add3A_79, %dma_wait3A_83] : memref<20480x144xf32, #tpu.memory_space<hbm>> -> memref<32x144xf32, #tpu.memory_space<hbm>>
        %dma_wait3A_85 = arith.constant 0 : i32
        %dma_wait3A_86 = tpu.memref_slice %arg8[%add3A_79, %dma_wait3A_85] : memref<20480x144xf32, #tpu.memory_space<hbm>> -> memref<32x144xf32, #tpu.memory_space<hbm>>
        tpu.wait_dma2 semaphore(%run_scoped3A : memref<!tpu.dma_semaphore, #tpu.memory_space<semaphore_mem>>) src(%arg15 : memref<32x144xf32, #tpu.memory_space<vmem>>) dst(%dma_wait3A_86 : memref<32x144xf32, #tpu.memory_space<hbm>>)
        tpu.yield
      }) : () -> ()
    }
    %scan3A_66 = arith.constant 20 : i32
    return
  }
}

module attributes {stable_mosaic.version = 14 : i64} {
  func.func @_proj_body(%arg0: i32, %arg1: memref<400x256xf32, #tpu.memory_space<vmem>>, %arg2: memref<256x768xf32, #tpu.memory_space<vmem>>, %arg3: memref<1x768xf32, #tpu.memory_space<vmem>>, %arg4: memref<2x400x128xf32, #tpu.memory_space<vmem>>, %arg5: memref<2x400x128xf32, #tpu.memory_space<vmem>>, %arg6: memref<2x400x128xf32, #tpu.memory_space<vmem>>) attributes {dimension_semantics = [#tpu.dimension_semantics<arbitrary>], iteration_bounds = array<i64: 25>, scalar_prefetch = 0 : i64, scratch_operands = 0 : i64, tpu.core_type = #tpu.core_type<tc>, window_params = [{transform_indices = @transform_0, window_bounds = array<i64: 400, 256>}, {pipeline_mode = #tpu.pipeline_mode<synchronous>, transform_indices = @transform_1, window_bounds = array<i64: 256, 768>}, {pipeline_mode = #tpu.pipeline_mode<synchronous>, transform_indices = @transform_2, window_bounds = array<i64: 1, 768>}, {transform_indices = @transform_3, window_bounds = array<i64: 2, 400, 128>}, {transform_indices = @transform_4, window_bounds = array<i64: 2, 400, 128>}, {transform_indices = @transform_5, window_bounds = array<i64: 2, 400, 128>}]} {
    %get3A = arith.constant 0 : index
    %get3A_0 = arith.constant 0 : index
    %get3A_1 = vector.load %arg1[%get3A, %get3A_0] : memref<400x256xf32, #tpu.memory_space<vmem>>, vector<400x256xf32>
    %get3A_2 = arith.constant 0 : index
    %get3A_3 = arith.constant 0 : index
    %get3A_4 = vector.load %arg2[%get3A_2, %get3A_3] : memref<256x768xf32, #tpu.memory_space<vmem>>, vector<256x768xf32>
    %dot_general3A = arith.constant dense<0.000000e+00> : vector<400x768xf32>
    %dot_general3A_5 = tpu.matmul %get3A_1, %get3A_4, %dot_general3A {dimension_numbers = #tpu.dot_dimension_numbers<[1], [0], [0], [1], [0, 0, 1, 1], [], []>, transpose_lhs_hint = false} : vector<400x256xf32>, vector<256x768xf32>, vector<400x768xf32> -> vector<400x768xf32>
    %get3A_6 = arith.constant 0 : index
    %get3A_7 = arith.constant 0 : index
    %get3A_8 = vector.load %arg3[%get3A_6, %get3A_7] : memref<1x768xf32, #tpu.memory_space<vmem>>, vector<1x768xf32>
    %add3A = vector.broadcast %get3A_8 : vector<1x768xf32> to vector<400x768xf32>
    %add3A_9 = arith.addf %dot_general3A_5, %add3A : vector<400x768xf32>
    %slice3A = vector.extract_strided_slice %add3A_9 {offsets = [0, 0], sizes = [400, 128], strides = [1, 1]} : vector<400x768xf32> to vector<400x128xf32>
    %swap3A = arith.constant 0 : index
    %swap3A_10 = arith.constant 0 : index
    %swap3A_11 = arith.constant 0 : index
    %swap3A_12 = vector.load %arg4[%swap3A, %swap3A_10, %swap3A_11] : memref<2x400x128xf32, #tpu.memory_space<vmem>>, vector<1x400x128xf32>
    %swap3A_13 = vector.shape_cast %swap3A_12 : vector<1x400x128xf32> to vector<400x128xf32>
    %swap3A_14 = vector.shape_cast %slice3A : vector<400x128xf32> to vector<1x400x128xf32>
    tpu.vector_store %arg4[%swap3A, %swap3A_10, %swap3A_11], %swap3A_14 {strides = array<i32>} : memref<2x400x128xf32, #tpu.memory_space<vmem>>, vector<1x400x128xf32>,
    %slice3A_15 = vector.extract_strided_slice %add3A_9 {offsets = [0, 128], sizes = [400, 128], strides = [1, 1]} : vector<400x768xf32> to vector<400x128xf32>
    %swap3A_16 = arith.constant 1 : index
    %swap3A_17 = arith.constant 0 : index
    %swap3A_18 = arith.constant 0 : index
    %swap3A_19 = vector.load %arg4[%swap3A_16, %swap3A_17, %swap3A_18] : memref<2x400x128xf32, #tpu.memory_space<vmem>>, vector<1x400x128xf32>
    %swap3A_20 = vector.shape_cast %swap3A_19 : vector<1x400x128xf32> to vector<400x128xf32>
    %swap3A_21 = vector.shape_cast %slice3A_15 : vector<400x128xf32> to vector<1x400x128xf32>
    tpu.vector_store %arg4[%swap3A_16, %swap3A_17, %swap3A_18], %swap3A_21 {strides = array<i32>} : memref<2x400x128xf32, #tpu.memory_space<vmem>>, vector<1x400x128xf32>,
    %slice3A_22 = vector.extract_strided_slice %add3A_9 {offsets = [0, 256], sizes = [400, 128], strides = [1, 1]} : vector<400x768xf32> to vector<400x128xf32>
    %swap3A_23 = arith.constant 0 : index
    %swap3A_24 = arith.constant 0 : index
    %swap3A_25 = arith.constant 0 : index
    %swap3A_26 = vector.load %arg5[%swap3A_23, %swap3A_24, %swap3A_25] : memref<2x400x128xf32, #tpu.memory_space<vmem>>, vector<1x400x128xf32>
    %swap3A_27 = vector.shape_cast %swap3A_26 : vector<1x400x128xf32> to vector<400x128xf32>
    %swap3A_28 = vector.shape_cast %slice3A_22 : vector<400x128xf32> to vector<1x400x128xf32>
    tpu.vector_store %arg5[%swap3A_23, %swap3A_24, %swap3A_25], %swap3A_28 {strides = array<i32>} : memref<2x400x128xf32, #tpu.memory_space<vmem>>, vector<1x400x128xf32>,
    %slice3A_29 = vector.extract_strided_slice %add3A_9 {offsets = [0, 384], sizes = [400, 128], strides = [1, 1]} : vector<400x768xf32> to vector<400x128xf32>
    %swap3A_30 = arith.constant 1 : index
    %swap3A_31 = arith.constant 0 : index
    %swap3A_32 = arith.constant 0 : index
    %swap3A_33 = vector.load %arg5[%swap3A_30, %swap3A_31, %swap3A_32] : memref<2x400x128xf32, #tpu.memory_space<vmem>>, vector<1x400x128xf32>
    %swap3A_34 = vector.shape_cast %swap3A_33 : vector<1x400x128xf32> to vector<400x128xf32>
    %swap3A_35 = vector.shape_cast %slice3A_29 : vector<400x128xf32> to vector<1x400x128xf32>
    tpu.vector_store %arg5[%swap3A_30, %swap3A_31, %swap3A_32], %swap3A_35 {strides = array<i32>} : memref<2x400x128xf32, #tpu.memory_space<vmem>>, vector<1x400x128xf32>,
    %slice3A_36 = vector.extract_strided_slice %add3A_9 {offsets = [0, 512], sizes = [400, 128], strides = [1, 1]} : vector<400x768xf32> to vector<400x128xf32>
    %swap3A_37 = arith.constant 0 : index
    %swap3A_38 = arith.constant 0 : index
    %swap3A_39 = arith.constant 0 : index
    %swap3A_40 = vector.load %arg6[%swap3A_37, %swap3A_38, %swap3A_39] : memref<2x400x128xf32, #tpu.memory_space<vmem>>, vector<1x400x128xf32>
    %swap3A_41 = vector.shape_cast %swap3A_40 : vector<1x400x128xf32> to vector<400x128xf32>
    %swap3A_42 = vector.shape_cast %slice3A_36 : vector<400x128xf32> to vector<1x400x128xf32>
    tpu.vector_store %arg6[%swap3A_37, %swap3A_38, %swap3A_39], %swap3A_42 {strides = array<i32>} : memref<2x400x128xf32, #tpu.memory_space<vmem>>, vector<1x400x128xf32>,
    %slice3A_43 = vector.extract_strided_slice %add3A_9 {offsets = [0, 640], sizes = [400, 128], strides = [1, 1]} : vector<400x768xf32> to vector<400x128xf32>
    %swap3A_44 = arith.constant 1 : index
    %swap3A_45 = arith.constant 0 : index
    %swap3A_46 = arith.constant 0 : index
    %swap3A_47 = vector.load %arg6[%swap3A_44, %swap3A_45, %swap3A_46] : memref<2x400x128xf32, #tpu.memory_space<vmem>>, vector<1x400x128xf32>
    %swap3A_48 = vector.shape_cast %swap3A_47 : vector<1x400x128xf32> to vector<400x128xf32>
    %swap3A_49 = vector.shape_cast %slice3A_43 : vector<400x128xf32> to vector<1x400x128xf32>
    tpu.vector_store %arg6[%swap3A_44, %swap3A_45, %swap3A_46], %swap3A_49 {strides = array<i32>} : memref<2x400x128xf32, #tpu.memory_space<vmem>>, vector<1x400x128xf32>,
    return
  }
  func.func @transform_0(%arg0: i32) -> (i32, i32) {
    %c0_i32 = arith.constant 0 : i32
    %c0_i32_0 = arith.constant 0 : i32
    return %arg0, %c0_i32 : i32, i32
  }
  func.func @transform_1(%arg0: i32) -> (i32, i32) {
    %c0_i32 = arith.constant 0 : i32
    %c0_i32_0 = arith.constant 0 : i32
    %c0_i32_1 = arith.constant 0 : i32
    return %c0_i32, %c0_i32_0 : i32, i32
  }
  func.func @transform_2(%arg0: i32) -> (i32, i32) {
    %c0_i32 = arith.constant 0 : i32
    %c0_i32_0 = arith.constant 0 : i32
    %c0_i32_1 = arith.constant 0 : i32
    return %c0_i32, %c0_i32_0 : i32, i32
  }
  func.func @transform_3(%arg0: i32) -> (i32, i32, i32) {
    %c0_i32 = arith.constant 0 : i32
    %c0_i32_0 = arith.constant 0 : i32
    %c0_i32_1 = arith.constant 0 : i32
    return %c0_i32, %arg0, %c0_i32_0 : i32, i32, i32
  }
  func.func @transform_4(%arg0: i32) -> (i32, i32, i32) {
    %c0_i32 = arith.constant 0 : i32
    %c0_i32_0 = arith.constant 0 : i32
    %c0_i32_1 = arith.constant 0 : i32
    return %c0_i32, %arg0, %c0_i32_0 : i32, i32, i32
  }
  func.func @transform_5(%arg0: i32) -> (i32, i32, i32) {
    %c0_i32 = arith.constant 0 : i32
    %c0_i32_0 = arith.constant 0 : i32
    %c0_i32_1 = arith.constant 0 : i32
    return %c0_i32, %arg0, %c0_i32_0 : i32, i32, i32
  }
}

module attributes {stable_mosaic.version = 14 : i64} {
  func.func @_out_body(%arg0: i32, %arg1: memref<2x400x144xf32, #tpu.memory_space<vmem>>, %arg2: memref<400x256xf32, #tpu.memory_space<vmem>>, %arg3: memref<256x256xf32, #tpu.memory_space<vmem>>, %arg4: memref<1x256xf32, #tpu.memory_space<vmem>>, %arg5: memref<1x256xf32, #tpu.memory_space<vmem>>, %arg6: memref<1x256xf32, #tpu.memory_space<vmem>>, %arg7: memref<8x256xf32, #tpu.memory_space<vmem>>, %arg8: memref<400x256xf32, #tpu.memory_space<vmem>>) attributes {dimension_semantics = [#tpu.dimension_semantics<arbitrary>], iteration_bounds = array<i64: 25>, scalar_prefetch = 0 : i64, scratch_operands = 0 : i64, tpu.core_type = #tpu.core_type<tc>, window_params = [{transform_indices = @transform_0, window_bounds = array<i64: 2, 400, 144>}, {transform_indices = @transform_1, window_bounds = array<i64: 400, 256>}, {pipeline_mode = #tpu.pipeline_mode<synchronous>, transform_indices = @transform_2, window_bounds = array<i64: 256, 256>}, {pipeline_mode = #tpu.pipeline_mode<synchronous>, transform_indices = @transform_3, window_bounds = array<i64: 1, 256>}, {pipeline_mode = #tpu.pipeline_mode<synchronous>, transform_indices = @transform_4, window_bounds = array<i64: 1, 256>}, {pipeline_mode = #tpu.pipeline_mode<synchronous>, transform_indices = @transform_5, window_bounds = array<i64: 1, 256>}, {pipeline_mode = #tpu.pipeline_mode<synchronous>, transform_indices = @transform_6, window_bounds = array<i64: 8, 256>}, {transform_indices = @transform_7, window_bounds = array<i64: 400, 256>}]} {
    %get3A = arith.constant 0 : index
    %get3A_0 = arith.constant 0 : index
    %get3A_1 = arith.constant 0 : index
    %get3A_2 = vector.load %arg1[%get3A, %get3A_0, %get3A_1] : memref<2x400x144xf32, #tpu.memory_space<vmem>>, vector<1x400x144xf32>
    %get3A_3 = vector.shape_cast %get3A_2 : vector<1x400x144xf32> to vector<400x144xf32>
    %slice3A = vector.extract_strided_slice %get3A_3 {offsets = [0, 0], sizes = [400, 128], strides = [1, 1]} : vector<400x144xf32> to vector<400x128xf32>
    %get3A_4 = arith.constant 1 : index
    %get3A_5 = arith.constant 0 : index
    %get3A_6 = arith.constant 0 : index
    %get3A_7 = vector.load %arg1[%get3A_4, %get3A_5, %get3A_6] : memref<2x400x144xf32, #tpu.memory_space<vmem>>, vector<1x400x144xf32>
    %get3A_8 = vector.shape_cast %get3A_7 : vector<1x400x144xf32> to vector<400x144xf32>
    %slice3A_9 = vector.extract_strided_slice %get3A_8 {offsets = [0, 0], sizes = [400, 128], strides = [1, 1]} : vector<400x144xf32> to vector<400x128xf32>
    %concatenate3A = tpu.concatenate %slice3A, %slice3A_9 in 1 : vector<400x128xf32>, vector<400x128xf32> -> vector<400x256xf32>
    %get3A_10 = arith.constant 0 : index
    %get3A_11 = arith.constant 0 : index
    %get3A_12 = arith.constant 0 : index
    %get3A_13 = vector.load %arg1[%get3A_10, %get3A_11, %get3A_12] : memref<2x400x144xf32, #tpu.memory_space<vmem>>, vector<1x400x144xf32>
    %get3A_14 = vector.shape_cast %get3A_13 : vector<1x400x144xf32> to vector<400x144xf32>
    %slice3A_15 = vector.extract_strided_slice %get3A_14 {offsets = [0, 128], sizes = [400, 4], strides = [1, 1]} : vector<400x144xf32> to vector<400x4xf32>
    %get3A_16 = arith.constant 1 : index
    %get3A_17 = arith.constant 0 : index
    %get3A_18 = arith.constant 0 : index
    %get3A_19 = vector.load %arg1[%get3A_16, %get3A_17, %get3A_18] : memref<2x400x144xf32, #tpu.memory_space<vmem>>, vector<1x400x144xf32>
    %get3A_20 = vector.shape_cast %get3A_19 : vector<1x400x144xf32> to vector<400x144xf32>
    %slice3A_21 = vector.extract_strided_slice %get3A_20 {offsets = [0, 128], sizes = [400, 4], strides = [1, 1]} : vector<400x144xf32> to vector<400x4xf32>
    %concatenate3A_22 = tpu.concatenate %slice3A_15, %slice3A_21 in 1 : vector<400x4xf32>, vector<400x4xf32> -> vector<400x8xf32>
    %max3A = arith.constant 1.000000e-30 : f32
    %max3A_23 = vector.broadcast %max3A : f32 to vector<400x8xf32>
    %max3A_24 = arith.maximumf %concatenate3A_22, %max3A_23 : vector<400x8xf32>
    %div3A = arith.constant 1.000000e+00 : f32
    %div3A_25 = vector.broadcast %div3A : f32 to vector<400x8xf32>
    %div3A_26 = arith.divf %div3A_25, %max3A_24 : vector<400x8xf32>
    %get3A_27 = arith.constant 0 : index
    %get3A_28 = arith.constant 0 : index
    %get3A_29 = vector.load %arg7[%get3A_27, %get3A_28] : memref<8x256xf32, #tpu.memory_space<vmem>>, vector<8x256xf32>
    %dot_general3A = arith.constant dense<0.000000e+00> : vector<400x256xf32>
    %dot_general3A_30 = tpu.matmul %div3A_26, %get3A_29, %dot_general3A {dimension_numbers = #tpu.dot_dimension_numbers<[1], [0], [0], [1], [0, 0, 1, 1], [], []>, transpose_lhs_hint = false} : vector<400x8xf32>, vector<8x256xf32>, vector<400x256xf32> -> vector<400x256xf32>
    %mul3A = arith.mulf %concatenate3A, %dot_general3A_30 : vector<400x256xf32>
    %get3A_31 = arith.constant 0 : index
    %get3A_32 = arith.constant 0 : index
    %get3A_33 = vector.load %arg3[%get3A_31, %get3A_32] : memref<256x256xf32, #tpu.memory_space<vmem>>, vector<256x256xf32>
    %dot_general3A_34 = arith.constant dense<0.000000e+00> : vector<400x256xf32>
    %dot_general3A_35 = tpu.matmul %mul3A, %get3A_33, %dot_general3A_34 {dimension_numbers = #tpu.dot_dimension_numbers<[1], [0], [0], [1], [0, 0, 1, 1], [], []>, transpose_lhs_hint = false} : vector<400x256xf32>, vector<256x256xf32>, vector<400x256xf32> -> vector<400x256xf32>
    %get3A_36 = arith.constant 0 : index
    %get3A_37 = arith.constant 0 : index
    %get3A_38 = vector.load %arg4[%get3A_36, %get3A_37] : memref<1x256xf32, #tpu.memory_space<vmem>>, vector<1x256xf32>
    %add3A = vector.broadcast %get3A_38 : vector<1x256xf32> to vector<400x256xf32>
    %add3A_39 = arith.addf %dot_general3A_35, %add3A : vector<400x256xf32>
    %get3A_40 = arith.constant 0 : index
    %get3A_41 = arith.constant 0 : index
    %get3A_42 = vector.load %arg2[%get3A_40, %get3A_41] : memref<400x256xf32, #tpu.memory_space<vmem>>, vector<400x256xf32>
    %add3A_43 = arith.addf %add3A_39, %get3A_42 : vector<400x256xf32>
    %reduce_sum3A = arith.constant dense<0.000000e+00> : vector<400xf32>
    %reduce_sum3A_44 = vector.multi_reduction <add>, %add3A_43, %reduce_sum3A [1] : vector<400x256xf32> to vector<400xf32>
    %broadcast_in_dim3A = vector.shape_cast %reduce_sum3A_44 : vector<400xf32> to vector<400x1xf32>
    %div3A_45 = arith.constant 2.560000e+02 : f32
    %div3A_46 = vector.broadcast %div3A_45 : f32 to vector<400x1xf32>
    %div3A_47 = arith.divf %broadcast_in_dim3A, %div3A_46 : vector<400x1xf32>
    %sub3A = vector.broadcast %div3A_47 : vector<400x1xf32> to vector<400x256xf32>
    %sub3A_48 = arith.subf %add3A_43, %sub3A : vector<400x256xf32>
    %mul3A_49 = arith.mulf %sub3A_48, %sub3A_48 : vector<400x256xf32>
    %reduce_sum3A_50 = arith.constant dense<0.000000e+00> : vector<400xf32>
    %reduce_sum3A_51 = vector.multi_reduction <add>, %mul3A_49, %reduce_sum3A_50 [1] : vector<400x256xf32> to vector<400xf32>
    %broadcast_in_dim3A_52 = vector.shape_cast %reduce_sum3A_51 : vector<400xf32> to vector<400x1xf32>
    %div3A_53 = arith.constant 2.560000e+02 : f32
    %div3A_54 = vector.broadcast %div3A_53 : f32 to vector<400x1xf32>
    %div3A_55 = arith.divf %broadcast_in_dim3A_52, %div3A_54 : vector<400x1xf32>
    %add3A_56 = arith.constant 9.99999996E-13 : f32
    %add3A_57 = vector.broadcast %add3A_56 : f32 to vector<400x1xf32>
    %add3A_58 = arith.addf %div3A_55, %add3A_57 : vector<400x1xf32>
    %rsqrt3A = math.rsqrt %add3A_58 : vector<400x1xf32>
    %mul3A_59 = vector.broadcast %rsqrt3A : vector<400x1xf32> to vector<400x256xf32>
    %mul3A_60 = arith.mulf %sub3A_48, %mul3A_59 : vector<400x256xf32>
    %get3A_61 = arith.constant 0 : index
    %get3A_62 = arith.constant 0 : index
    %get3A_63 = vector.load %arg5[%get3A_61, %get3A_62] : memref<1x256xf32, #tpu.memory_space<vmem>>, vector<1x256xf32>
    %mul3A_64 = vector.broadcast %get3A_63 : vector<1x256xf32> to vector<400x256xf32>
    %mul3A_65 = arith.mulf %mul3A_60, %mul3A_64 : vector<400x256xf32>
    %get3A_66 = arith.constant 0 : index
    %get3A_67 = arith.constant 0 : index
    %get3A_68 = vector.load %arg6[%get3A_66, %get3A_67] : memref<1x256xf32, #tpu.memory_space<vmem>>, vector<1x256xf32>
    %add3A_69 = vector.broadcast %get3A_68 : vector<1x256xf32> to vector<400x256xf32>
    %add3A_70 = arith.addf %mul3A_65, %add3A_69 : vector<400x256xf32>
    %swap3A = arith.constant 0 : index
    %swap3A_71 = arith.constant 0 : index
    %swap3A_72 = vector.load %arg8[%swap3A, %swap3A_71] : memref<400x256xf32, #tpu.memory_space<vmem>>, vector<400x256xf32>
    tpu.vector_store %arg8[%swap3A, %swap3A_71], %add3A_70 {strides = array<i32>} : memref<400x256xf32, #tpu.memory_space<vmem>>, vector<400x256xf32>,
    return
  }
  func.func @transform_0(%arg0: i32) -> (i32, i32, i32) {
    %c0_i32 = arith.constant 0 : i32
    %c0_i32_0 = arith.constant 0 : i32
    %c0_i32_1 = arith.constant 0 : i32
    return %c0_i32, %arg0, %c0_i32_0 : i32, i32, i32
  }
  func.func @transform_1(%arg0: i32) -> (i32, i32) {
    %c0_i32 = arith.constant 0 : i32
    %c0_i32_0 = arith.constant 0 : i32
    return %arg0, %c0_i32 : i32, i32
  }
  func.func @transform_2(%arg0: i32) -> (i32, i32) {
    %c0_i32 = arith.constant 0 : i32
    %c0_i32_0 = arith.constant 0 : i32
    %c0_i32_1 = arith.constant 0 : i32
    return %c0_i32, %c0_i32_0 : i32, i32
  }
  func.func @transform_3(%arg0: i32) -> (i32, i32) {
    %c0_i32 = arith.constant 0 : i32
    %c0_i32_0 = arith.constant 0 : i32
    %c0_i32_1 = arith.constant 0 : i32
    return %c0_i32, %c0_i32_0 : i32, i32
  }
  func.func @transform_4(%arg0: i32) -> (i32, i32) {
    %c0_i32 = arith.constant 0 : i32
    %c0_i32_0 = arith.constant 0 : i32
    %c0_i32_1 = arith.constant 0 : i32
    return %c0_i32, %c0_i32_0 : i32, i32
  }
  func.func @transform_5(%arg0: i32) -> (i32, i32) {
    %c0_i32 = arith.constant 0 : i32
    %c0_i32_0 = arith.constant 0 : i32
    %c0_i32_1 = arith.constant 0 : i32
    return %c0_i32, %c0_i32_0 : i32, i32
  }
  func.func @transform_6(%arg0: i32) -> (i32, i32) {
    %c0_i32 = arith.constant 0 : i32
    %c0_i32_0 = arith.constant 0 : i32
    %c0_i32_1 = arith.constant 0 : i32
    return %c0_i32, %c0_i32_0 : i32, i32
  }
  func.func @transform_7(%arg0: i32) -> (i32, i32) {
    %c0_i32 = arith.constant 0 : i32
    %c0_i32_0 = arith.constant 0 : i32
    return %arg0, %c0_i32 : i32, i32
  }
}

</mosaic_0001>

<sc_bundles>
// kernel: kernel.5.cloned.1.call-start
scs
__scs_entry_jumppad:
0x0: {  	(pc) =	sbr.rel $0x88, $3  }
0x1: {  	(tag) =	ssettag $0x0;
	lr =	simm.s32 $0x1  }
0x2: {  	[smem:$0x3F95] =	sst lr;
	_ =	strace $0xD0000000  }
0x3: {  	_ = 	snop  }
0x4: {  	_ = 	snop  }
0x5: {  	_ = 	snop  }
0x6: {  	_ = 	snop  }
0x7: {  	_ = 	snop  }
__scs_overlays_trampoline_lowered:
0x8: {  	[smem:$0x3FA4] =	sst s0  }
0x9: {  	[smem:$0x3FA5] =	sst s1  }
0xa: {  	[smem:$0x3FA6] =	sst s2  }
0xb: {  	[smem:$0x3FA7] =	sst s3  }
0xc: {  	[smem:$0x3FA8] =	sst s4  }
0xd: {  	[smem:$0x3FA9] =	sst s5  }
0xe: {  	[smem:$0x3FAA] =	sst s6  }
0xf: {  	[smem:$0x3FAB] =	sst s7  }
0x10: {  	[smem:$0x3FAC] =	sst s8  }
0x11: {  	[smem:$0x3FAD] =	sst s9;
	s0 =	simm.s32 @!p0 $0x0  }
0x12: {  	s1 =	sld [smem:$0x3F93];
	s0 =	simm.s32 @p0 $0x1  }
0x13: {  	[smem:$0x3FAE] =	sst s0;
	s0 =	simm.s32 @!p1 $0x0  }
0x14: {  	s2 =	sld [smem:$0x3F92];
	s0 =	simm.s32 @p1 $0x1  }
0x15: {  	[smem:$0x3FAF] =	sst s0;
	s0 =	simm.s32 @!p2 $0x0  }
0x16: {  	s3 =	sld [smem:$0x3FDB];
	s0 =	simm.s32 @p2 $0x1  }
0x17: {  	s4 =	simm.s32 $0x1BF5;
	[smem:$0x3FB1] =	sst s0  }
0x18: {  	s0 =	sld [smem:$0x3F94];
	_ =	swait.ge [sflag:s4], $0x0  }
0x19: {  	s7 =	sld [smem:$0x3F95]  }
0x1a: {  	s8 =	sadd.s32 $0xFFFFE003, lr  }
0x1b: {  	s9 =	sadd.s32 $0xFFFFFEF7, lr;
	s5 =	simm.s32 $0xFFFFFFFF;
	p2 =	slt.u32 s8, $0xFFFFF086  }
0x1c: {  	p1 =	slt.u32 s9, $0xF7A;
	s5 =	simm.s32 @!p2 $0x0  }
0x1d: {  	s5 =	simm.s32 @p1 $0x1;
	p0 =	seq.s32 s7, s2  }
0x1e: {  	s7 =	smul.u32 @!p0 $0xF7A, s2;
	p2 =	seq.s32 @!p0 s5, $0x0  }
0x1f: {  	s9 =	smul.u32 $0xF7A, s1;
	s8 =	simm.s32 @!p0 $0x1BF5;
	p2 =	por !p2, p0  }
0x20: {  	[sflag:s8] =	ssyncset.s32 @!p0 $0xFFFFF086;
	s6 =	sadd.s32 @!p0 s3, s7;
	s7 =	simm.s32 @!p0 $0x108  }
0x21: {  	s3 =	sadd.s32 s3, s9;
	s6 =	sadd.s32 @!p0 $0x88, s6;
	s7 =	simm.s32 @p2 $0x1082  }
0x22: {  	[simem:s7], [sflag:s8] =	dma.local @!p0 [hbm:s6], $0xF7A  }
0x23: {  	s9 =	sor.u32 $0xD0000000, s2;
	s6 =	simm.s32 $0x108;
	_ =	swait.ge @!p0 [sflag:s8], $0x0  }
0x24: {  	s3 =	sadd.s32 $0x88, s3;
	s6 =	simm.s32 @!p1 $0x1082;
	[sflag:s4] =	ssyncset.s32 $0xFFFFF086  }
0x25: {  	[simem:s6], [sflag:s4] =	dma.local [hbm:s3], $0xF7A  }
0x26: {  	[smem:$0x3F95] =	sst s1;
	(tag) =	ssettag s2;
	_ =	strace s9  }
0x27: {  	s1 =	sld [smem:$0x3FA5]  }
0x28: {  	s2 =	sld [smem:$0x3FA6]  }
0x29: {  	s4 =	sld [smem:$0x3FA8]  }
0x2a: {  	p0 =	seq.s32 s5, $0x0;
	s5 =	sld [smem:$0x3FA9]  }
0x2b: {  	s6 =	sld [smem:$0x3FAA]  }
0x2c: {  	s7 =	sld [smem:$0x3FAB]  }
0x2d: {  	s3 =	simm.s32 $0x108;
	s8 =	sld [smem:$0x3FAC]  }
0x2e: {  	s3 =	simm.s32 @!p0 $0x1082;
	s9 =	sld [smem:$0x3FAD]  }
0x2f: {  	lr =	sadd.s32 s0, s3;
	s0 =	sld [smem:$0x3FA4]  }
0x30: {  	s3 =	sld [smem:$0x3FA7]  }
0x31: {  	[smem:$0x3FB0] =	sst s10  }
0x32: {  	s10 =	sld [smem:$0x3FAE];
	_ =	sdelay $0x3  }
0x33: {  	p0 =	seq.s32 s10, $0x1;
	s10 =	sld [smem:$0x3FB0];
	_ =	sdelay $0x3  }
0x34: {  	[smem:$0x3FB0] =	sst s10  }
0x35: {  	s10 =	sld [smem:$0x3FAF];
	_ =	sdelay $0x3  }
0x36: {  	p1 =	seq.s32 s10, $0x1;
	s10 =	sld [smem:$0x3FB0];
	_ =	sdelay $0x3  }
0x37: {  	[smem:$0x3FB0] =	sst s10  }
0x38: {  	s10 =	sld [smem:$0x3FB1]  }
0x39: {  	_ = 	snop;
	(pc) =	sbr.ind lr, $3  }
0x3a: {  	_ = 	snop  }
0x3b: {  	_ = 	snop  }
0x3c: {  	p2 =	seq.s32 s10, $0x1;
	s10 =	sld [smem:$0x3FB0]  }
0x3d: {  	_ =	shalt  }
0x3e: {  	_ =	shalt  }
0x3f: {  	_ =	shalt  }
0x40: {  	_ =	shalt  }
0x41: {  	_ =	shalt  }
0x42: {  	_ =	shalt  }
0x43: {  	_ =	shalt  }
0x44: {  	_ =	shalt  }
0x45: {  	_ =	shalt  }
0x46: {  	_ =	shalt  }
0x47: {  	_ =	shalt  }
0x48: {  	_ =	shalt  }
0x49: {  	_ =	shalt  }
0x4a: {  	_ =	shalt  }
0x4b: {  	_ =	shalt  }
0x4c: {  	_ =	shalt  }
0x4d: {  	_ =	shalt  }
0x4e: {  	_ =	shalt  }
0x4f: {  	_ =	shalt  }
0x50: {  	_ =	shalt  }
0x51: {  	_ =	shalt  }
0x52: {  	_ =	shalt  }
0x53: {  	_ =	shalt  }
0x54: {  	_ =	shalt  }
0x55: {  	_ =	shalt  }
0x56: {  	_ =	shalt  }
0x57: {  	_ =	shalt  }
0x58: {  	_ =	shalt  }
0x59: {  	_ =	shalt  }
0x5a: {  	_ =	shalt  }
0x5b: {  	_ =	shalt  }
0x5c: {  	_ =	shalt  }
0x5d: {  	_ =	shalt  }
0x5e: {  	_ =	shalt  }
0x5f: {  	_ =	shalt  }
0x60: {  	_ =	shalt  }
0x61: {  	_ =	shalt  }
0x62: {  	_ =	shalt  }
0x63: {  	_ =	shalt  }
0x64: {  	_ =	shalt  }
0x65: {  	_ =	shalt  }
0x66: {  	_ =	shalt  }
0x67: {  	_ =	shalt  }
0x68: {  	_ =	shalt  }
0x69: {  	_ =	shalt  }
0x6a: {  	_ =	shalt  }
0x6b: {  	_ =	shalt  }
0x6c: {  	_ =	shalt  }
0x6d: {  	_ =	shalt  }
0x6e: {  	_ =	shalt  }
0x6f: {  	_ =	shalt  }
0x70: {  	_ =	shalt  }
0x71: {  	_ =	shalt  }
0x72: {  	_ =	shalt  }
0x73: {  	_ =	shalt  }
0x74: {  	_ =	shalt  }
0x75: {  	_ =	shalt  }
0x76: {  	_ =	shalt  }
0x77: {  	_ =	shalt  }
0x78: {  	_ =	shalt  }
0x79: {  	_ =	shalt  }
0x7a: {  	_ =	shalt  }
0x7b: {  	_ =	shalt  }
0x7c: {  	_ =	shalt  }
0x7d: {  	_ =	shalt  }
0x7e: {  	_ =	shalt  }
0x7f: {  	_ =	shalt  }
0x80: {  	_ =	shalt  }
0x81: {  	_ =	shalt  }
0x82: {  	_ =	shalt  }
0x83: {  	_ =	shalt  }
0x84: {  	_ =	shalt  }
0x85: {  	_ =	shalt  }
0x86: {  	_ =	shalt  }
0x87: {  	_ =	shalt  }
.Lfunc_end0:
.L_simem_size_0:
called_computation_lowered:
.L_overlay_start_0:
0x88: {  	s2 =	sld [smem:$0x3FD9]  }
0x89: {  	s3 =	sld [smem:$0x3FFE];
	_ =	sdelay $0x1  }
0x8a: {  	s1 =	srdreg.scid  }
0x8b: {  	s0 =	sand.u32 $0x1, s1  }
0x8c: {  	s17 =	sshll.u32 s0, $0xA;
	s2 =	sadd.s32 s3, s2  }
0x8d: {  	s2 =	sadd.s32 s2, s17  }
0x8e: {  	[smem:$0x3FBC] =	sst s2  }
0x8f: {  	_ = 	snop  }
0x90: {  	s2 =	sld [smem:$0x3FD0];
	(tm) =	ssettm $0x1  }
0x91: {  	s18 =	sld [smem:$0x3FFB];
	_ =	sdelay $0x3  }
0x92: {  	_ =	strace s18  }
0x93: {  	s3 =	sld [smem:$0x3FFC];
	_ =	sdelay $0x3  }
0x94: {  	_ =	strace s3  }
0x95: {  	s3 =	sld [smem:$0x3FFD];
	_ =	sdelay $0x3  }
0x96: {  	_ =	strace s3  }
0x97: {  	_ =	strace $0x8FFFFFFF  }
0x98: {  	s19 =	sld [smem:$0x3FDB];
	_ =	sdelay $0x1  }
0x99: {  	s4 =	simm.s32 $_scs_section_size  }
0x9a: {  	s5 =	simm.s32 $_size__tile_overlayer_lowered;
	s6 =	simm.s32 $_tile_overlayer_lowered  }
0x9b: {  	s22 =	simm.s32 $0x1BFF;
	s21 =	sshll.u32 s6, $0x1;
	s3 =	sadd.s32 s4, s19  }
0x9c: {  	s7 =	simm.s32 $0x0;
	s20 =	sshll.u32 s5, $0x1;
	s5 =	sadd.s32 s21, s3  }
0x9d: {  	[timem:s7], [sflag:s22] =	dma.local [hbm:s5], s20  }
0x9e: {  	_ =	swait.ge [sflag:s22], s20  }
0x9f: {  	s4 =	ssub.s32 $0x0, s20;
	[sflag:s22] =	ssyncset.done $0x0  }
0xa0: {  	[sflag:s22] =	ssyncadd.s32 s4;
	_ =	sdelay $0x1  }
0xa1: {  	s23 =	simm.s32 $0x1B8B  }
0xa2: {  	_ =	swait.ge [sflag:s23], $0x1  }
0xa3: {  	[sflag:s23] =	ssyncset.done $0x0  }
0xa4: {  	s25 =	simm.s32 $0x1B8E;
	s24 =	sld [smem:$0x3FFE];
	[sflag:s23] =	ssyncadd.s32 $0xFFFFFFFF  }
0xa5: {  	s26 =	simm.s32 $execute0_lowered;
	[smem:$0x3FD2] =	sst s25  }
0xa6: {  	s5 =	sshll.u32 s26, $0x1;
	_ =	strace $0x80000046;
	[dreg:$0x1] =	wrdreg $0xFFFFFFFF  }
0xa7: {  	s28 =	simm.s32 $_size_execute0_lowered;
	s3 =	sadd.s32 s3, s5;
	[dreg:$0x0] =	wrdreg $0x0  }
0xa8: {  	s5 =	sshll.u32 s28, $0x1;
	[dreg:$0x2] =	wrdreg s3  }
0xa9: {  	[dreg:$0x3] =	wrdreg s5  }
0xaa: {  	[dreg:$0x4] =	wrdreg $0xC0  }
0xab: {  	_ =	task [dreg:s7], $0x5FFFF  }
0xac: {  	[dreg:$0x1] =	wrdreg $0xFFFFFFFF  }
0xad: {  	[dreg:$0x0] =	wrdreg $0x60  }
0xae: {  	[dreg:$0x2] =	wrdreg s24  }
0xaf: {  	[dreg:$0x3] =	wrdreg s2  }
0xb0: {  	[dreg:$0x4] =	wrdreg $0x78000  }
0xb1: {  	[dreg:$0x5] =	wrdreg $0x9  }
0xb2: {  	_ =	task.clear_ibuf [dreg:s7], $0x6FFFF;
	_ =	strace $0x90000046  }
0xb3: {  	s29 =	simm.s32 $0x9;
	_ =	strace $0x80000048  }
0xb4: {  	_ =	swait.ge [sflag:s29], $0x1  }
0xb5: {  	[sflag:s29] =	ssyncadd.s32 $0xFFFFFFFF  }
0xb6: {  	_ =	strace $0x90000048  }
0xb7: {  	_ =	sfence  }
0xb8: {  	s30 =	sld [smem:$0x0];
	_ =	sdelay $0x2  }
0xb9: {  	s31 =	sshll.u32 s1, $0xD;
	s1 =	sshrl.u32 s1, $0x2  }
0xba: {  	s3 =	sand.u32 $0x4000, s31;
	s1 =	sadd.s32 s1, s30  }
0xbb: {  	s0 =	sor.u32 s3, s0;
	s1 =	sshll.u32 s1, $0x11  }
0xbc: {  	s0 =	sor.u32 s1, s0  }
0xbd: {  	s0 =	sadd.s32 $0x8F2B, s0  }
0xbe: {  	[sflag:s0] =	ssyncadd.remote.s32 $0x1  }
0xbf: {  	_ =	sfence.sel $0xFFFF  }
0xc0: {  	[dreg:$0x0] =	wrdreg $0xFFFFFFFF;
	(pc) =	sbr.abs _section_cstart, $3  }
0xc1: {  	[dreg:$0x1] =	wrdreg $0xFFFFFFFF  }
0xc2: {  	_ =	task.clear_ibuf [dreg:s7], $0x2FFFF;
	_ =	strace $0x9FFFFFFF  }
0xc3: {  	(tm) =	ssettm $0x7FFFFFFF  }
tec
execute0_lowered:
.L_overlay_start_1:
0x0: {  	(tag) =	ssettag $0x1  }
0x1: {  	s0 =	rddreg [dreg:$0x0]  }
0x2: {  	s1 =	rddreg [dreg:$0x1]  }
0x3: {  	s2 =	rddreg [dreg:$0x2]  }
0x4: {  	s4 =	simm.s32 $0x0;
	s5 =	stileid.u32;
	s20 =	srdreg.scid  }
0x5: {  	s28 =	simm.s32 $0x0;
	[smem:$0x7FF] =	sst s4;
	s3 =	sadd.s32 $0x10E00, s0  }
0x6: {  	s19 =	sadd.s32 $0x7000, s0;
	s9 =	smul.u32 $0x5A000, s5;
	s7 =	sadd.s32 $0x2000, s0  }
0x7: {  	s8 =	sadd.s32 $0x1AC00, s0;
	s29 =	smul.u32 $0x138, s5;
	s30 =	smin.u32 s5, $0x8  }
0x8: {  	_ =	strace $0x80000047;
	[dreg:$0x4] =	wrdreg s3;
	s10 =	sshrl.u32 s9, $0x2  }
0x9: {  	s14 =	smul.u32 $0x2D00, s5;
	[dreg:$0x5] =	wrdreg s19;
	s6 =	sadd.s32 s10, s2  }
0xa: {  	p0 =	slt.u32 s5, $0x8;
	s21 =	sadd.s32 $0x1200, s6;
	[dreg:$0x6] =	wrdreg s6  }
0xb: {  	s5 =	simm.s32 $0x0;
	s22 =	sadd.s32 $0x2400, s6;
	[dreg:$0x7] =	wrdreg s21  }
0xc: {  	s3 =	sand.u32 $0x1, s20;
	s23 =	sadd.s32 $0x3600, s6;
	[dreg:$0x8] =	wrdreg s22  }
0xd: {  	s11 =	smul.u32 $0x2D000, s3;
	s24 =	sadd.s32 $0x4800, s6;
	[dreg:$0x9] =	wrdreg s23  }
0xe: {  	s12 =	ssub.s32 $0x2, s3;
	s25 =	sadd.s32 $0x5A00, s6;
	[dreg:$0xa] =	wrdreg s24  }
0xf: {  	s9 =	sadd.s32 $0x68E00, s0;
	s26 =	sadd.s32 $0x6C00, s6;
	[dreg:$0xb] =	wrdreg s25  }
0x10: {  	s20 =	sadd.s32 s30, s29;
	s10 =	sadd.s32 $0x7E00, s6;
	[dreg:$0xc] =	wrdreg s26  }
0x11: {  	s13 =	sshrl.u32 s12, $0x1;
	s31 =	sadd.s32 $0x9000, s6;
	[dreg:$0xd] =	wrdreg s10  }
0x12: {  	s11 =	sadd.s32 s11, s0;
	s15 =	sadd.s32 $0xA200, s6;
	[dreg:$0xe] =	wrdreg s31  }
0x13: {  	s12 =	ssub.s32 s12, s13;
	s16 =	sadd.s32 $0xB400, s6;
	[dreg:$0xf] =	wrdreg s15  }
0x14: {  	v0 =	vlaneseq.u32;
	s0 =	simm.s32 $0x139;
	s18 =	sadd.s32 $0xC600, s6;
	[dreg:$0x10] =	wrdreg s16  }
0x15: {  	v1 =	vmul.u32 $0x90, v0;
	s19 =	sadd.s32 $0xD800, s6;
	s29 =	sadd.s32 $0x13200, s6;
	[dreg:$0x12] =	wrdreg s18  }
0x16: {  	s30 =	sadd.s32 $0x14400, s6;
	s13 =	simm.s32 $0x6600;
	[dreg:$0x13] =	wrdreg s19  }
0x17: {  	v0 =	vor.u32 $0x1, v1;
	[tilespmem:$0x1FFF0] =	vst v1;
	s11 =	sadd.s32 s14, s11;
	s0 =	simm.s32 @!p0 $0x138;
	[dreg:$0x18] =	wrdreg s29  }
0x18: {  	[tilespmem:$0x1FF80] =	vst v0;
	v0 =	vor.u32 $0x2, v1;
	s23 =	smul.u32 $0x27200, s3;
	s17 =	smax.u32 s12, $0x1;
	[dreg:$0x19] =	wrdreg s30  }
0x19: {  	[tilespmem:$0x1FF90] =	vst v0;
	v0 =	vor.u32 $0x3, v1;
	s21 =	sadd.s32 $0xEA00, s6;
	s22 =	sadd.s32 $0xFC00, s6;
	[dreg:$0x11] =	wrdreg s17  }
0x1a: {  	s24 =	sadd.s32 $0x10E00, s6;
	s26 =	sadd.s32 $0x12000, s6;
	[tilespmem:$0x1FFA0] =	vst v0;
	v0 =	vor.u32 $0x4, v1;
	[dreg:$0x14] =	wrdreg s21  }
0x1b: {  	s31 =	sadd.s32 $0x15600, s6;
	s14 =	simm.s32 $0x4;
	[dreg:$0x15] =	wrdreg s22;
	[tilespmem:$0x1FFB0] =	vst v0;
	v0 =	vor.u32 $0x5, v1  }
0x1c: {  	s15 =	simm.s32 $0x200;
	s18 =	simm.s32 $0x600;
	[dreg:$0x16] =	wrdreg s24;
	[tilespmem:$0x1FFC0] =	vst v0;
	v0 =	vor.u32 $0x6, v1  }
0x1d: {  	vm0 =	vcmask $0x300;
	v3 =	vor.u32 $0x7, v1;
	s19 =	simm.s32 $0x2600;
	s25 =	sadd.s32 $0xB7000, s11;
	[dreg:$0x17] =	wrdreg s26;
	[tilespmem:$0x1FFD0] =	vst v0;
	v0 =	vimm.s32 $0x0  }
0x1e: {  	v2 =	vimm.f32 $0.0e+00;
	v22 =	vadd.s32 $0x80, v1;
	[tilespmem:$0x1FFE0] =	vst v3;
	[dreg:$0x1a] =	wrdreg s31;
	s17 =	simm.s32 $0x20;
	s22 =	simm.s32 $0x4600;
	v40 =	vsel vm0, $0x3, v0  }
.LBB2_1:
0x1f: {  	[dreg:$0x1b] =	wrdreg s5;
	s3 =	simm.s32 $0x0;
	s11 =	simm.s32 $0x240  }
.LBB2_2:
0x20: {  	p0 =	sne.s32 s11, $0x45C0;
	[tilespmem:s3+$0x6680] =	vst v2  }
0x21: {  	[tilespmem:s3+$0x6600] =	vst v2  }
0x22: {  	[tilespmem:s3+$0x6610] =	vst v2  }
0x23: {  	[tilespmem:s3+$0x6620] =	vst v2  }
.Ltmp0:
0x24: {  	[tilespmem:s3+$0x6630] =	vst v2;
	(pc) =	sbr.rel @p0 .LBB2_2-.Ltmp0, $4  }
0x25: {  	[tilespmem:s3+$0x6640] =	vst v2  }
0x26: {  	[tilespmem:s3+$0x6650] =	vst v2  }
0x27: {  	[tilespmem:s3+$0x6660] =	vst v2  }
0x28: {  	[tilespmem:s3+$0x6670] =	vst v2;
	s3 =	sshra.s32 s11, $0x2;
	s11 =	sadd.s32 $0x240, s11  }
0x29: {  	[tilespmem:s3+$0x6680] =	vst v2  }
0x2a: {  	[tilespmem:s3+$0x6600] =	vst v2  }
0x2b: {  	[tilespmem:s3+$0x6610] =	vst v2  }
0x2c: {  	[tilespmem:s3+$0x6620] =	vst v2  }
0x2d: {  	[tilespmem:s3+$0x6630] =	vst v2  }
0x2e: {  	[tilespmem:s3+$0x6640] =	vst v2  }
0x2f: {  	[tilespmem:s3+$0x6650] =	vst v2  }
0x30: {  	[tilespmem:s3+$0x6660] =	vst v2  }
0x31: {  	[tilespmem:s3+$0x6670] =	vst v2  }
0x32: {  	[spmem:s6] =	stream.linear.scatter [tilespmem:s13], [sflag:$0x4], $0x1200, $0x38;
	[tilespmem:$0x1E000] =	vst v63  }
0x33: {  	_ =	swait.ge [sflag:s14], $0x1200  }
0x34: {  	[sflag:s14] =	ssyncset.done $0x0  }
0x35: {  	s6 =	rddreg [dreg:$0x7];
	[sflag:s14] =	ssyncadd.s32 $0xFFFFEE00  }
0x36: {  	[spmem:s6] =	stream.linear.scatter [tilespmem:s13], [sflag:$0x4], $0x1200, $0x38;
	[tilespmem:$0x1E000] =	vst v63  }
0x37: {  	_ =	swait.ge [sflag:s14], $0x1200  }
0x38: {  	[sflag:s14] =	ssyncset.done $0x0  }
0x39: {  	s10 =	rddreg [dreg:$0x8];
	[sflag:s14] =	ssyncadd.s32 $0xFFFFEE00  }
0x3a: {  	[spmem:s10] =	stream.linear.scatter [tilespmem:s13], [sflag:$0x4], $0x1200, $0x38;
	[tilespmem:$0x1E000] =	vst v63  }
0x3b: {  	_ =	swait.ge [sflag:s14], $0x1200  }
0x3c: {  	[sflag:s14] =	ssyncset.done $0x0  }
0x3d: {  	s11 =	rddreg [dreg:$0x9];
	[sflag:s14] =	ssyncadd.s32 $0xFFFFEE00  }
0x3e: {  	[spmem:s11] =	stream.linear.scatter [tilespmem:s13], [sflag:$0x4], $0x1200, $0x38;
	[tilespmem:$0x1E000] =	vst v63  }
0x3f: {  	_ =	swait.ge [sflag:s14], $0x1200  }
0x40: {  	[sflag:s14] =	ssyncset.done $0x0  }
0x41: {  	s12 =	rddreg [dreg:$0xa];
	[sflag:s14] =	ssyncadd.s32 $0xFFFFEE00  }
0x42: {  	[spmem:s12] =	stream.linear.scatter [tilespmem:s13], [sflag:$0x4], $0x1200, $0x38;
	[tilespmem:$0x1E000] =	vst v63  }
0x43: {  	_ =	swait.ge [sflag:s14], $0x1200  }
0x44: {  	[sflag:s14] =	ssyncset.done $0x0  }
0x45: {  	s16 =	rddreg [dreg:$0xb];
	[sflag:s14] =	ssyncadd.s32 $0xFFFFEE00  }
0x46: {  	[spmem:s16] =	stream.linear.scatter [tilespmem:s13], [sflag:$0x4], $0x1200, $0x38;
	[tilespmem:$0x1E000] =	vst v63  }
0x47: {  	_ =	swait.ge [sflag:s14], $0x1200  }
0x48: {  	[sflag:s14] =	ssyncset.done $0x0  }
0x49: {  	s21 =	rddreg [dreg:$0xc];
	[sflag:s14] =	ssyncadd.s32 $0xFFFFEE00  }
0x4a: {  	[spmem:s21] =	stream.linear.scatter [tilespmem:s13], [sflag:$0x4], $0x1200, $0x38;
	[tilespmem:$0x1E000] =	vst v63  }
0x4b: {  	_ =	swait.ge [sflag:s14], $0x1200  }
0x4c: {  	[sflag:s14] =	ssyncset.done $0x0  }
0x4d: {  	s24 =	rddreg [dreg:$0xd];
	[sflag:s14] =	ssyncadd.s32 $0xFFFFEE00  }
0x4e: {  	[spmem:s24] =	stream.linear.scatter [tilespmem:s13], [sflag:$0x4], $0x1200, $0x38;
	[tilespmem:$0x1E000] =	vst v63  }
0x4f: {  	_ =	swait.ge [sflag:s14], $0x1200  }
0x50: {  	[sflag:s14] =	ssyncset.done $0x0  }
0x51: {  	s26 =	rddreg [dreg:$0xe];
	[sflag:s14] =	ssyncadd.s32 $0xFFFFEE00  }
0x52: {  	[spmem:s26] =	stream.linear.scatter [tilespmem:s13], [sflag:$0x4], $0x1200, $0x38;
	[tilespmem:$0x1E000] =	vst v63  }
0x53: {  	_ =	swait.ge [sflag:s14], $0x1200  }
0x54: {  	[sflag:s14] =	ssyncset.done $0x0  }
0x55: {  	s31 =	rddreg [dreg:$0xf];
	[sflag:s14] =	ssyncadd.s32 $0xFFFFEE00  }
0x56: {  	[spmem:s31] =	stream.linear.scatter [tilespmem:s13], [sflag:$0x4], $0x1200, $0x38;
	[tilespmem:$0x1E000] =	vst v63  }
0x57: {  	_ =	swait.ge [sflag:s14], $0x1200  }
0x58: {  	[sflag:s14] =	ssyncset.done $0x0  }
0x59: {  	s5 =	rddreg [dreg:$0x10];
	[sflag:s14] =	ssyncadd.s32 $0xFFFFEE00  }
0x5a: {  	[spmem:s5] =	stream.linear.scatter [tilespmem:s13], [sflag:$0x4], $0x1200, $0x38;
	[tilespmem:$0x1E000] =	vst v63  }
0x5b: {  	_ =	swait.ge [sflag:s14], $0x1200  }
0x5c: {  	[sflag:s14] =	ssyncset.done $0x0  }
0x5d: {  	s6 =	rddreg [dreg:$0x12];
	[sflag:s14] =	ssyncadd.s32 $0xFFFFEE00  }
0x5e: {  	[spmem:s6] =	stream.linear.scatter [tilespmem:s13], [sflag:$0x4], $0x1200, $0x38;
	[tilespmem:$0x1E000] =	vst v63  }
0x5f: {  	_ =	swait.ge [sflag:s14], $0x1200  }
0x60: {  	[sflag:s14] =	ssyncset.done $0x0  }
0x61: {  	s10 =	rddreg [dreg:$0x13];
	[sflag:s14] =	ssyncadd.s32 $0xFFFFEE00  }
0x62: {  	[spmem:s10] =	stream.linear.scatter [tilespmem:s13], [sflag:$0x4], $0x1200, $0x38;
	[tilespmem:$0x1E000] =	vst v63  }
0x63: {  	_ =	swait.ge [sflag:s14], $0x1200  }
0x64: {  	[sflag:s14] =	ssyncset.done $0x0  }
0x65: {  	s11 =	rddreg [dreg:$0x14];
	[sflag:s14] =	ssyncadd.s32 $0xFFFFEE00  }
0x66: {  	[spmem:s11] =	stream.linear.scatter [tilespmem:s13], [sflag:$0x4], $0x1200, $0x38;
	[tilespmem:$0x1E000] =	vst v63  }
0x67: {  	_ =	swait.ge [sflag:s14], $0x1200  }
0x68: {  	[sflag:s14] =	ssyncset.done $0x0  }
0x69: {  	s12 =	rddreg [dreg:$0x15];
	[sflag:s14] =	ssyncadd.s32 $0xFFFFEE00  }
0x6a: {  	[spmem:s12] =	stream.linear.scatter [tilespmem:s13], [sflag:$0x4], $0x1200, $0x38;
	[tilespmem:$0x1E000] =	vst v63  }
0x6b: {  	_ =	swait.ge [sflag:s14], $0x1200  }
0x6c: {  	[sflag:s14] =	ssyncset.done $0x0  }
0x6d: {  	s16 =	rddreg [dreg:$0x16];
	[sflag:s14] =	ssyncadd.s32 $0xFFFFEE00  }
0x6e: {  	[spmem:s16] =	stream.linear.scatter [tilespmem:s13], [sflag:$0x4], $0x1200, $0x38;
	[tilespmem:$0x1E000] =	vst v63  }
0x6f: {  	_ =	swait.ge [sflag:s14], $0x1200  }
0x70: {  	[sflag:s14] =	ssyncset.done $0x0  }
0x71: {  	s21 =	rddreg [dreg:$0x17];
	[sflag:s14] =	ssyncadd.s32 $0xFFFFEE00  }
0x72: {  	[spmem:s21] =	stream.linear.scatter [tilespmem:s13], [sflag:$0x4], $0x1200, $0x38;
	[tilespmem:$0x1E000] =	vst v63  }
0x73: {  	_ =	swait.ge [sflag:s14], $0x1200  }
0x74: {  	[sflag:s14] =	ssyncset.done $0x0  }
0x75: {  	s24 =	rddreg [dreg:$0x18];
	[sflag:s14] =	ssyncadd.s32 $0xFFFFEE00  }
0x76: {  	[spmem:s24] =	stream.linear.scatter [tilespmem:s13], [sflag:$0x4], $0x1200, $0x38;
	[tilespmem:$0x1E000] =	vst v63  }
0x77: {  	_ =	swait.ge [sflag:s14], $0x1200  }
0x78: {  	[sflag:s14] =	ssyncset.done $0x0  }
0x79: {  	s26 =	rddreg [dreg:$0x19];
	[sflag:s14] =	ssyncadd.s32 $0xFFFFEE00  }
0x7a: {  	[spmem:s26] =	stream.linear.scatter [tilespmem:s13], [sflag:$0x4], $0x1200, $0x38;
	[tilespmem:$0x1E000] =	vst v63  }
0x7b: {  	_ =	swait.ge [sflag:s14], $0x1200  }
0x7c: {  	[sflag:s14] =	ssyncset.done $0x0  }
0x7d: {  	s31 =	rddreg [dreg:$0x1a];
	[sflag:s14] =	ssyncadd.s32 $0xFFFFEE00  }
0x7e: {  	[spmem:s31] =	stream.linear.scatter [tilespmem:s13], [sflag:$0x4], $0x1200, $0x38;
	[tilespmem:$0x1E000] =	vst v63  }
0x7f: {  	_ =	swait.ge [sflag:s14], $0x1200  }
0x80: {  	[sflag:s14] =	ssyncset.done $0x0  }
0x81: {  	[sflag:s14] =	ssyncadd.s32 $0xFFFFEE00  }
0x82: {  	s29 =	smov.u32 s0;
	s30 =	simm.s32 $0x0;
	[bflag:$0x0] =	sbarrier.arrive $0xFFFF  }
.LBB2_4:
0x83: {  	s3 =	sshll.u32 s30, $0x4  }
0x84: {  	p0 =	seq.s32 s30, $0x0;
	s11 =	sadd.s32 s3, s20  }
0x85: {  	s12 =	simm.s32 @!p0 $0x3;
	s21 =	sshll.u32 s11, $0x5  }
0x86: {  	_ =	swait.ge @!p0 [sflag:s12], $0x1200;
	s21 =	sadd.s32 s23, s21  }
0x87: {  	[sflag:s12] =	ssyncset.done @!p0 $0x0;
	s5 =	rddreg [dreg:$0x4];
	s21 =	sshrl.u32 s21, $0x3  }
0x88: {  	[sflag:s12] =	ssyncadd.s32 @!p0 $0xFFFFEE00;
	s10 =	sadd.s32 s5, s21  }
0x89: {  	[tilespmem:s28], [sflag:$0x4] =	stream.linear.gather [hbm4b:s10+s28], $0x200, $0x38;
	[tilespmem:$0x1E000] =	vst v63  }
0x8a: {  	_ =	swait.ge [sflag:s14], $0x200  }
0x8b: {  	[sflag:s14] =	ssyncset.done $0x0;
	s16 =	rddreg [dreg:$0x5]  }
0x8c: {  	[sflag:s14] =	ssyncadd.s32 $0xFFFFFE00;
	s24 =	sadd.s32 s16, s21  }
0x8d: {  	[tilespmem:s15], [sflag:$0x4] =	stream.linear.gather [hbm4b:s24+s28], $0x200, $0x38;
	[tilespmem:$0x1E000] =	vst v63  }
0x8e: {  	_ =	swait.ge [sflag:s14], $0x200  }
0x8f: {  	s11 =	sshll.u32 s11, $0x2;
	[sflag:s14] =	ssyncset.done $0x0  }
0x90: {  	s26 =	simm.s32 $0x400;
	s11 =	sadd.s32 s7, s11;
	[sflag:s14] =	ssyncadd.s32 $0xFFFFFE00  }
0x91: {  	[tilespmem:s26], [sflag:$0x4] =	stream.linear.gather [hbm4b:s11+s28], $0x200, $0x38;
	[tilespmem:$0x1E000] =	vst v63  }
0x92: {  	_ =	swait.ge [sflag:s14], $0x200  }
0x93: {  	[sflag:s14] =	ssyncset.done $0x0  }
0x94: {  	s31 =	ssub.s32 s0, s3;
	[sflag:s14] =	ssyncadd.s32 $0xFFFFFE00  }
0x95: {  	[tilespmem:s18], [sflag:$0x1] =	stream.indirect.gather [hbm4b:s9+s17], $0x80, s28, s17, $0xb8;
	[tilespmem:$0x1E000] =	vst v63  }
0x96: {  	p1 =	slt.s32 s31, $0x10;
	p0 =	slt.s32 s29, $0x10;
	s21 =	smov.u32 s29  }
0x97: {  	[tilespmem:s19], [sflag:$0x1] =	stream.indirect.gather [hbm4b:s8+s17], $0x80, s15, s17, $0xb8;
	[tilespmem:$0x1E000] =	vst v63  }
0x98: {  	s3 =	simm.s32 $0x0;
	s31 =	simm.s32 @!p1 $0x10;
	s21 =	simm.s32 @!p0 $0x10  }
0x99: {  	[tilespmem:s22], [sflag:$0x1] =	stream.indirect.gather [hbm4b:s1+s17], $0x80, s28, s17, $0xb8;
	[tilespmem:$0x1E000] =	vst v63  }
.LBB2_5:
0x9a: {  	s11 =	sadd.s32 $0x1, s3  }
0x9b: {  	s12 =	sand.u32 $0x1, s3;
	p0 =	sge.u32 s11, s31  }
0x9c: {  	s24 =	sxor.u32 @!p0 $0x1, s12  }
0x9d: {  	s16 =	sshll.u32 @!p0 s11, $0x5;
	s10 =	sshll.u32 @!p0 s24, $0xC  }
0x9e: {  	s5 =	simm.s32 @!p0 $0x20;
	s24 =	sadd.s32 @!p0 $0x1, s24;
	s26 =	sor.u32 @!p0 $0x600, s10  }
0x9f: {  	[tilespmem:s26], [sflag:s24] =	stream.indirect.gather @!p0 [hbm4b:s9+s5], $0x80, s16, s5, $0xb8;
	[tilespmem:$0x1E000] =	vst v63  }
0xa0: {  	s6 =	sadd.s32 @!p0 $0x200, s16;
	s26 =	sor.u32 @!p0 $0x2600, s10  }
0xa1: {  	[tilespmem:s26], [sflag:s24] =	stream.indirect.gather @!p0 [hbm4b:s8+s5], $0x80, s6, s5, $0xb8;
	[tilespmem:$0x1E000] =	vst v63  }
0xa2: {  	s6 =	sor.u32 @!p0 $0x4600, s10  }
0xa3: {  	[tilespmem:s6], [sflag:s24] =	stream.indirect.gather @!p0 [hbm4b:s1+s5], $0x80, s16, s5, $0xb8;
	[tilespmem:$0x1E000] =	vst v63  }
0xa4: {  	s24 =	sadd.s32 $0x1, s12  }
0xa5: {  	_ =	swait.ge [sflag:s24], $0x1000  }
0xa6: {  	[sflag:s24] =	ssyncset.done $0x0  }
0xa7: {  	[sflag:s24] =	ssyncadd.s32 $0xFFFFF000  }
0xa8: {  	_ =	swait.ge [sflag:s24], $0x1000  }
0xa9: {  	[sflag:s24] =	ssyncset.done $0x0  }
0xaa: {  	[sflag:s24] =	ssyncadd.s32 $0xFFFFF000  }
0xab: {  	_ =	swait.ge [sflag:s24], $0x1000  }
0xac: {  	p0 =	seq.s32 s3, $0x0;
	[sflag:s24] =	ssyncset.done $0x0  }
0xad: {  	s5 =	simm.s32 @!p0 $0x3;
	[sflag:s24] =	ssyncadd.s32 $0xFFFFF000  }
0xae: {  	v0 =	vlaneseq.u32;
	s26 =	sshll.u32 s12, $0x5;
	_ =	swait.ge @!p0 [sflag:s5], $0x1200  }
0xaf: {  	v0 =	vor.u32 s26, v0;
	[sflag:s5] =	ssyncset.done @!p0 $0x0  }
0xb0: {  	p1 =	por $0x1, $0x1;
	s12 =	simm.s32 $0x0;
	[tilespmem:$0x1FF70] =	vst v0;
	[sflag:s5] =	ssyncadd.s32 @!p0 $0xFFFFEE00  }
.LBB2_6:
0xb1: {  	v0 =	vld [tilespmem:$0x1FF70];
	_ =	sdelay $0x1  }
0xb2: {  	v56 =	vld [tilespmem:$0x1FFF0]  }
0xb3: {  	v48 =	vmov s12  }
0xb4: {  	v51 =	vmul.u32 $0x90, v48  }
0xb5: {  	v0 =	vor.u32 s12, v0  }
0xb6: {  	[tilespmem:$0x1FF50] =	vst v51;
	v1 =	vshll.u32 v0, $0x7  }
0xb7: {  	v0 =	vadd.s32 v56, v51;
	[tilespmem:$0x1FEC0] =	vst v1  }
0xb8: {  	v2 =	vor.u32 $0x1, v1;
	[tilespmem:$0x1FEE0] =	vst v0  }
0xb9: {  	v49 =	vor.u32 $0x2, v1;
	[tilespmem:$0x1FE60] =	vst v2  }
0xba: {  	v57 =	vld [tilespmem:$0x1FF80];
	v50 =	vor.u32 $0x3, v1;
	[tilespmem:$0x1FE70] =	vst v49  }
0xbb: {  	v58 =	vld [tilespmem:$0x1FF90];
	v52 =	vor.u32 $0x4, v1;
	[tilespmem:$0x1FE80] =	vst v50  }
0xbc: {  	v59 =	vld [tilespmem:$0x1FFA0];
	v53 =	vor.u32 $0x5, v1;
	[tilespmem:$0x1FE90] =	vst v52  }
0xbd: {  	v60 =	vld [tilespmem:$0x1FFB0];
	v54 =	vor.u32 $0x6, v1;
	[tilespmem:$0x1FEA0] =	vst v53  }
0xbe: {  	v61 =	vld [tilespmem:$0x1FFC0];
	v55 =	vor.u32 $0x7, v1;
	[tilespmem:$0x1FEB0] =	vst v54  }
0xbf: {  	v62 =	vld [tilespmem:$0x1FFD0];
	v0 =	vadd.s32 v57, v51;
	[tilespmem:$0x1FED0] =	vst v55  }
0xc0: {  	v63 =	vld [tilespmem:$0x1FFE0];
	[tilespmem:$0x1FEF0] =	vst v0;
	v0 =	vadd.s32 v58, v51  }
0xc1: {  	[tilespmem:$0x1FF00] =	vst v0;
	v0 =	vadd.s32 v59, v51  }
0xc2: {  	[tilespmem:$0x1FF10] =	vst v0;
	v0 =	vadd.s32 v60, v51  }
0xc3: {  	[tilespmem:$0x1FF20] =	vst v0;
	v0 =	vadd.s32 v61, v51  }
0xc4: {  	[tilespmem:$0x1FF30] =	vst v0;
	v0 =	vadd.s32 v62, v51  }
0xc5: {  	[tilespmem:$0x1FF40] =	vst v0;
	v0 =	vadd.s32 v63, v51  }
0xc6: {  	p0 =	por p1, p1;
	s24 =	simm.s32 $0x0;
	s12 =	simm.s32 $0x1F;
	[tilespmem:$0x1FF60] =	vst v0  }
.LBB2_7:
0xc7: {  	s5 =	sadd.s32 $0xFFFFFFE1, s12  }
0xc8: {  	v10 =	vld [tilespmem:$0x1FEC0];
	v0 =	vmov s5  }
0xc9: {  	v0 =	vshrl.u32 v0, $0x3  }
0xca: {  	v13 =	vld [tilespmem:$0x1FE60];
	v0 =	vshll.u32 v0, v40  }
0xcb: {  	v30 =	vbroadcast v0, $0x0  }
0xcc: {  	v23 =	vld [tilespmem:$0x1FE70]  }
0xcd: {  	v25 =	vld [tilespmem:$0x1FE80];
	v39 =	vor.u32 v10, v30  }
0xce: {  	v28 =	vld [tilespmem:$0x1FE90]  }
0xcf: {  	v32 =	vld [tilespmem:$0x1FEA0];
	v36 =	vadd.s32 v13, v30  }
0xd0: {  	v33 =	vld [tilespmem:$0x1FEB0]  }
0xd1: {  	v31 =	vld [tilespmem:$0x1FED0];
	v45 =	vadd.s32 v23, v30  }
0xd2: {  	v16 =	vld.idx.msk [tilespmem:v39+s18+$0x0], $0xffff  }
0xd3: {  	v43 =	vadd.s32 v25, v30;
	v1 =	vld.idx.msk [tilespmem:v39+s19+$0x0], $0xffff  }
0xd4: {  	v2 =	vld.idx.msk [tilespmem:v36+s18+$0x0], $0xffff  }
0xd5: {  	v46 =	vadd.s32 v28, v30;
	v3 =	vld.idx.msk [tilespmem:v36+s19+$0x0], $0xffff  }
0xd6: {  	v4 =	vld.idx.msk [tilespmem:v45+s18+$0x0], $0xffff  }
0xd7: {  	v48 =	vadd.s32 v32, v30;
	v5 =	vld.idx.msk [tilespmem:v45+s19+$0x0], $0xffff  }
0xd8: {  	s16 =	sadd.s32 $0xFFFFFFEA, s12;
	v17 =	vld.idx.msk [tilespmem:v43+s18+$0x0], $0xffff  }
0xd9: {  	v8 =	vmov s16;
	v37 =	vadd.s32 v33, v30;
	v18 =	vld.idx.msk [tilespmem:v43+s19+$0x0], $0xffff  }
0xda: {  	v29 =	vshrl.u32 v8, $0x3;
	v6 =	vld.idx.msk [tilespmem:v46+s18+$0x0], $0xffff  }
0xdb: {  	s10 =	sadd.s32 $0xFFFFFFE9, s12;
	v34 =	vshll.u32 v29, v40;
	v38 =	vadd.s32 v31, v30;
	v24 =	vld.idx.msk [tilespmem:v46+s19+$0x0], $0xffff  }
0xdc: {  	s26 =	sadd.s32 $0xFFFFFFEB, s12;
	s6 =	sadd.s32 $0xFFFFFFEC, s12;
	v7 =	vmov s10;
	v47 =	vbroadcast v34, $0x0;
	v27 =	vld.idx.msk [tilespmem:v48+s18+$0x0], $0xffff  }
0xdd: {  	v49 =	vmov s26;
	v56 =	vmov s6;
	s10 =	sadd.s32 $0xFFFFFFED, s12;
	v26 =	vshrl.u32 v7, $0x3;
	v9 =	vld.idx.msk [tilespmem:v48+s19+$0x0], $0xffff  }
0xde: {  	s16 =	sadd.s32 $0xFFFFFFEE, s12;
	v59 =	vmov s10;
	s10 =	sadd.s32 $0xFFFFFFF1, s12;
	v42 =	vadd.s32 v13, v47;
	v35 =	vld.idx.msk [tilespmem:v37+s18+$0x0], $0xffff;
	v0 =	vmul.f32 v1, v16  }
0xdf: {  	v12 =	vmov s16;
	v34 =	vmov s10;
	v51 =	vld.idx.msk [tilespmem:v37+s19+$0x0], $0xffff;
	v2 =	vmul.f32 v3, v2  }
0xe0: {  	v52 =	vld.idx.msk [tilespmem:v38+s18+$0x0], $0xffff;
	v19 =	vmul.f32 v5, v4;
	v5 =	vshll.u32 v26, v40;
	v0 =	vadd.f32 $0.0e+00, v0  }
0xe1: {  	v61 =	vshrl.u32 v59, $0x3;
	v59 =	vshrl.u32 v34, $0x3;
	v54 =	vld.idx.msk [tilespmem:v38+s19+$0x0], $0xffff;
	v11 =	vbroadcast v5, $0x0  }
0xe2: {  	v1 =	vmul.f32 v18, v17;
	v0 =	vadd.f32 v2, v0;
	v2 =	vshrl.u32 v49, $0x3  }
0xe3: {  	v8 =	vld.idx.msk [tilespmem:v42+s18+$0x0], $0xffff;
	v50 =	vmul.f32 v24, v6;
	v41 =	vadd.s32 v10, v11;
	v2 =	vshll.u32 v2, v40  }
0xe4: {  	v63 =	vld.idx.msk [tilespmem:v42+s19+$0x0], $0xffff;
	v53 =	vmul.f32 v9, v27;
	v55 =	vbroadcast v2, $0x0;
	v2 =	vshrl.u32 v56, $0x3  }
0xe5: {  	v3 =	vmul.f32 v51, v35;
	v0 =	vadd.f32 v19, v0;
	v2 =	vshll.u32 v2, v40  }
0xe6: {  	s26 =	sadd.s32 $0xFFFFFFEF, s12;
	v62 =	vmul.f32 v54, v52;
	v44 =	vadd.s32 v23, v55;
	v60 =	vbroadcast v2, $0x0  }
0xe7: {  	[tilespmem:$0x1FE10] =	vst v47;
	v17 =	vmov s26;
	v0 =	vadd.f32 v1, v0;
	v2 =	vshll.u32 v61, v40  }
0xe8: {  	[tilespmem:$0x1FE00] =	vst v11;
	v57 =	vld.idx.msk [tilespmem:v41+s18+$0x0], $0xffff;
	v11 =	vbroadcast v2, $0x0;
	v2 =	vshrl.u32 v12, $0x3;
	v47 =	vadd.s32 v25, v60  }
0xe9: {  	s6 =	sadd.s32 $0xFFFFFFF0, s12;
	v18 =	vmul.f32 v63, v8;
	v58 =	vld.idx.msk [tilespmem:v41+s19+$0x0], $0xffff;
	v0 =	vadd.f32 v50, v0;
	v2 =	vshll.u32 v2, v40  }
0xea: {  	v24 =	vmov s6;
	v49 =	vadd.s32 v28, v11;
	v16 =	vbroadcast v2, $0x0  }
0xeb: {  	s26 =	sadd.s32 $0xFFFFFFF3, s12;
	v27 =	vshrl.u32 v24, $0x3;
	v2 =	vshrl.u32 v17, $0x3;
	v0 =	vadd.f32 v53, v0;
	v14 =	vld.idx.msk [tilespmem:v44+s18+$0x0], $0xffff  }
0xec: {  	v8 =	vmov s26;
	v2 =	vshll.u32 v2, v40;
	v15 =	vld.idx.msk [tilespmem:v44+s19+$0x0], $0xffff;
	v50 =	vadd.s32 v32, v16  }
0xed: {  	s16 =	sadd.s32 $0xFFFFFFF2, s12;
	v51 =	vbroadcast v2, $0x0;
	v2 =	vshll.u32 v27, v40;
	v0 =	vadd.f32 v3, v0;
	v19 =	vld.idx.msk [tilespmem:v47+s18+$0x0], $0xffff  }
0xee: {  	[tilespmem:$0x1FE30] =	vst v60;
	v60 =	vmov s16;
	v1 =	vmul.f32 v58, v57;
	v52 =	vbroadcast v2, $0x0;
	v26 =	vld.idx.msk [tilespmem:v47+s19+$0x0], $0xffff  }
0xef: {  	v2 =	vshll.u32 v59, v40;
	v53 =	vadd.s32 v33, v51;
	v0 =	vadd.f32 v62, v0;
	v29 =	vld.idx.msk [tilespmem:v49+s18+$0x0], $0xffff  }
0xf0: {  	v9 =	vshrl.u32 v8, $0x3;
	[tilespmem:$0x1FE20] =	vst v55;
	v54 =	vbroadcast v2, $0x0;
	v35 =	vld.idx.msk [tilespmem:v49+s19+$0x0], $0xffff;
	v62 =	vshrl.u32 v60, $0x3  }
0xf1: {  	v55 =	vadd.s32 v31, v52;
	v2 =	vshll.u32 v62, v40;
	v0 =	vadd.f32 v1, v0;
	v61 =	vld.idx.msk [tilespmem:v50+s18+$0x0], $0xffff  }
0xf2: {  	s6 =	sadd.s32 $0xFFFFFFF4, s12;
	v57 =	vadd.s32 v10, v54;
	v3 =	vmul.f32 v15, v14;
	v63 =	vld.idx.msk [tilespmem:v50+s19+$0x0], $0xffff;
	v56 =	vbroadcast v2, $0x0  }
0xf3: {  	v2 =	vshll.u32 v9, v40;
	v15 =	vmov s6;
	v0 =	vadd.f32 v18, v0  }
0xf4: {  	[tilespmem:$0x1FE40] =	vst v11;
	v58 =	vbroadcast v2, $0x0;
	v2 =	vshrl.u32 v15, $0x3;
	v1 =	vmul.f32 v26, v19;
	v12 =	vld.idx.msk [tilespmem:v53+s18+$0x0], $0xffff  }
0xf5: {  	s10 =	sadd.s32 $0xFFFFFFF5, s12;
	v14 =	vld.idx.msk [tilespmem:v53+s19+$0x0], $0xffff;
	v59 =	vadd.s32 v13, v56;
	v2 =	vshll.u32 v2, v40;
	v0 =	vadd.f32 v3, v0  }
0xf6: {  	[tilespmem:$0x1FE50] =	vst v16;
	v19 =	vmov s10;
	v11 =	vmul.f32 v35, v29;
	v16 =	vld.idx.msk [tilespmem:v55+s18+$0x0], $0xffff;
	v60 =	vbroadcast v2, $0x0  }
0xf7: {  	v17 =	vld.idx.msk [tilespmem:v55+s19+$0x0], $0xffff;
	v3 =	vmul.f32 v63, v61;
	v61 =	vadd.s32 v23, v58;
	v0 =	vadd.f32 v1, v0  }
0xf8: {  	v2 =	vshrl.u32 v19, $0x3;
	v18 =	vld.idx.msk [tilespmem:v57+s18+$0x0], $0xffff  }
0xf9: {  	v24 =	vld.idx.msk [tilespmem:v57+s19+$0x0], $0xffff;
	v2 =	vshll.u32 v2, v40;
	v63 =	vadd.s32 v25, v60;
	v0 =	vadd.f32 v11, v0  }
0xfa: {  	v62 =	vbroadcast v2, $0x0;
	v26 =	vld.idx.msk [tilespmem:v59+s18+$0x0], $0xffff  }
0xfb: {  	v4 =	vmul.f32 v14, v12;
	v27 =	vld.idx.msk [tilespmem:v59+s19+$0x0], $0xffff;
	v0 =	vadd.f32 v3, v0  }
0xfc: {  	s16 =	sadd.s32 $0xFFFFFFF6, s12;
	v34 =	vadd.s32 v28, v62;
	v12 =	vld.idx.msk [tilespmem:v61+s18+$0x0], $0xffff  }
0xfd: {  	v14 =	vmov s16;
	v1 =	vmul.f32 v17, v16;
	v15 =	vld.idx.msk [tilespmem:v61+s19+$0x0], $0xffff;
	v29 =	vadd.f32 v4, v0  }
0xfe: {  	v6 =	vshrl.u32 v14, $0x3;
	v17 =	vld.idx.msk [tilespmem:v63+s18+$0x0], $0xffff  }
0xff: {  	s26 =	sadd.s32 $0xFFFFFFF7, s12;
	v16 =	vshll.u32 v6, v40;
	v3 =	vmul.f32 v24, v18;
	v18 =	vld.idx.msk [tilespmem:v63+s19+$0x0], $0xffff;
	v1 =	vadd.f32 v1, v29  }
0x100: {  	v19 =	vmov s26;
	v35 =	vbroadcast v16, $0x0  }
0x101: {  	v8 =	vshrl.u32 v19, $0x3;
	v5 =	vmul.f32 v27, v26;
	v24 =	vld.idx.msk [tilespmem:v34+s18+$0x0], $0xffff;
	v3 =	vadd.f32 v3, v1  }
0x102: {  	s6 =	sadd.s32 $0xFFFFFFF8, s12;
	v2 =	vadd.s32 v32, v35;
	v26 =	vshll.u32 v8, v40;
	v27 =	vld.idx.msk [tilespmem:v34+s19+$0x0], $0xffff  }
0x103: {  	v29 =	vmov s6;
	v4 =	vmul.f32 v15, v12;
	v5 =	vadd.f32 v5, v3  }
0x104: {  	s10 =	sadd.s32 $0xFFFFFFF9, s12;
	s6 =	sadd.s32 $0xFFFFFFFC, s12;
	v6 =	vmul.f32 v18, v17;
	v0 =	vshrl.u32 v29, $0x3;
	v3 =	vbroadcast v26, $0x0  }
0x105: {  	v12 =	vmov s10;
	v17 =	vmov s6;
	v5 =	vadd.f32 v4, v5  }
0x106: {  	v7 =	vshll.u32 v0, v40;
	v19 =	vshrl.u32 v12, $0x3;
	v4 =	vadd.s32 v33, v3  }
0x107: {  	s26 =	sadd.s32 $0xFFFFFFFB, s12;
	s16 =	sadd.s32 $0xFFFFFFFA, s12;
	v1 =	vld.idx.msk [tilespmem:v2+s18+$0x0], $0xffff;
	v8 =	vmul.f32 v27, v24;
	v14 =	vadd.f32 v6, v5;
	v5 =	vbroadcast v7, $0x0  }
0x108: {  	v15 =	vld.idx.msk [tilespmem:v2+s19+$0x0], $0xffff;
	v24 =	vmov s16;
	v27 =	vmov s26;
	v6 =	vshll.u32 v19, v40  }
0x109: {  	v9 =	vshrl.u32 v24, $0x3;
	v6 =	vbroadcast v6, $0x0;
	v7 =	vadd.s32 v31, v5  }
0x10a: {  	v17 =	vshrl.u32 v17, $0x3;
	v26 =	vshll.u32 v9, v40;
	v9 =	vshrl.u32 v27, $0x3  }
0x10b: {  	s10 =	sadd.s32 $0xFFFFFFFD, s12;
	v14 =	vadd.f32 v8, v14;
	v8 =	vbroadcast v26, $0x0;
	v16 =	vld.idx.msk [tilespmem:v4+s18+$0x0], $0xffff;
	v12 =	vadd.s32 v10, v6  }
0x10c: {  	v21 =	vmov s10;
	v29 =	vshll.u32 v17, v40;
	v9 =	vshll.u32 v9, v40;
	v18 =	vld.idx.msk [tilespmem:v4+s19+$0x0], $0xffff  }
0x10d: {  	s16 =	sadd.s32 $0xFFFFFFFE, s12;
	v9 =	vbroadcast v9, $0x0;
	v15 =	vmul.f32 v15, v1;
	v11 =	vadd.s32 v13, v8  }
0x10e: {  	v0 =	vshrl.u32 v21, $0x3;
	v17 =	vbroadcast v29, $0x0;
	v21 =	vmov s16;
	v20 =	vld.idx.msk [tilespmem:v7+s18+$0x0], $0xffff  }
0x10f: {  	s26 =	sadd.s32 $0xFFFFFFFF, s12;
	v21 =	vshrl.u32 v21, $0x3;
	v1 =	vmovc v22;
	v19 =	vadd.f32 v15, v14;
	v14 =	vadd.s32 v23, v9;
	v22 =	vld.idx.msk [tilespmem:v7+s19+$0x0], $0xffff  }
0x110: {  	v15 =	vshll.u32 v0, v40;
	v13 =	vshll.u32 v21, v40;
	v21 =	vmov s26;
	v23 =	vld.idx.msk [tilespmem:v12+s18+$0x0], $0xffff  }
0x111: {  	v15 =	vbroadcast v15, $0x0;
	v18 =	vmul.f32 v18, v16;
	v24 =	vld.idx.msk [tilespmem:v12+s19+$0x0], $0xffff;
	v16 =	vadd.s32 v25, v17  }
0x112: {  	v21 =	vshrl.u32 v21, $0x3;
	v26 =	vld.idx.msk [tilespmem:v11+s18+$0x0], $0xffff  }
0x113: {  	v27 =	vld.idx.msk [tilespmem:v11+s19+$0x0], $0xffff;
	v10 =	vadd.f32 v18, v19;
	v19 =	vadd.s32 v28, v15;
	v18 =	vbroadcast v13, $0x0  }
0x114: {  	v29 =	vmov s12;
	v28 =	vld.idx.msk [tilespmem:v14+s18+$0x0], $0xffff;
	v22 =	vmul.f32 v22, v20;
	v20 =	vshll.u32 v21, v40  }
0x115: {  	v29 =	vshrl.u32 v29, $0x3;
	v13 =	vld.idx.msk [tilespmem:v14+s19+$0x0], $0xffff;
	v21 =	vadd.s32 v32, v18;
	v20 =	vbroadcast v20, $0x0  }
0x116: {  	v29 =	vshll.u32 v29, v40;
	v24 =	vmul.f32 v24, v23;
	v0 =	vld.idx.msk [tilespmem:v16+s19+$0x0], $0xffff;
	v25 =	vadd.f32 v22, v10  }
0x117: {  	v29 =	vbroadcast v29, $0x0;
	v22 =	vld.idx.msk [tilespmem:v16+s18+$0x0], $0xffff;
	v23 =	vadd.s32 v33, v20  }
0x118: {  	v26 =	vmul.f32 v27, v26;
	v27 =	vld.idx.msk [tilespmem:v19+s18+$0x0], $0xffff;
	v25 =	vadd.f32 v24, v25  }
0x119: {  	v10 =	vld.idx.msk [tilespmem:v19+s19+$0x0], $0xffff;
	v24 =	vadd.s32 v31, v29  }
0x11a: {  	v13 =	vmul.f32 v13, v28;
	v32 =	vld.idx.msk [tilespmem:v21+s19+$0x0], $0xffff;
	v25 =	vadd.f32 v26, v25  }
0x11b: {  	v26 =	vld.idx.msk [tilespmem:v21+s18+$0x0], $0xffff  }
0x11c: {  	v0 =	vmul.f32 v0, v22;
	v13 =	vadd.f32 v13, v25;
	v22 =	vld.idx.msk [tilespmem:v23+s18+$0x0], $0xffff  }
0x11d: {  	v33 =	vld.idx.msk [tilespmem:v23+s19+$0x0], $0xffff  }
0x11e: {  	v10 =	vmul.f32 v10, v27;
	v31 =	vld.idx.msk [tilespmem:v24+s19+$0x0], $0xffff;
	v0 =	vadd.f32 v0, v13  }
0x11f: {  	v13 =	vld.idx.msk [tilespmem:v24+s18+$0x0], $0xffff  }
0x120: {  	v32 =	vmul.f32 v32, v26;
	v0 =	vadd.f32 v10, v0;
	_ =	sdelay $0x1  }
0x121: {  	v33 =	vmul.f32 v33, v22;
	v0 =	vadd.f32 v32, v0;
	_ =	sdelay $0x1  }
0x122: {  	v25 =	vmul.f32 v31, v13;
	v0 =	vadd.f32 v33, v0;
	_ =	sdelay $0x1  }
0x123: {  	v0 =	vadd.f32 v25, v0  }
0x124: {  	v27 =	vld [tilespmem:$0x1FF50]  }
0x125: {  	v0 =	vmul.f32 $1.442695020e+00, v0;
	_ =	sdelay $0x1  }
0x126: {  	v26 =	vmov s24;
	(erf) = vpow2.f32 v0  }
0x127: {  	v0 =	vand.u32 $0x7, v26  }
0x128: {  	v0 =	vor.u32 v27, v0  }
0x129: {  	v0 =	vbroadcast v0, $0x0  }
0x12a: {  	v22 =	vmov v1  }
0x12b: {  	v0 =	vadd.s32 v22, v0;
	_ =	sdelay $0x2  }
0x12c: {  	v25 =	vld [tilespmem:$0x1FEE0]  }
0x12d: {  	v10 =	vpop (erf)  }
0x12e: {  	[tilespmem:v0+s13+$0x0] =	vst.idx.msk $0xffff, v10  }
0x12f: {  	v0 =	vld.idx.msk [tilespmem:v39+s22+$0x0], $0xffff;
	_ =	sdelay $0x1  }
0x130: {  	v28 =	vadd.s32 v25, v30;
	_ =	sdelay $0x2  }
0x131: {  	v26 =	vld [tilespmem:$0x1FEF0];
	v0 =	vmul.f32 v10, v0;
	_ =	sdelay $0x1  }
0x132: {  	[tilespmem:v28+s13+$0x0] =	vst.idx.msk $0xffff, v0  }
0x133: {  	v0 =	vld.idx.msk [tilespmem:v36+s22+$0x0], $0xffff;
	_ =	sdelay $0x1  }
0x134: {  	v31 =	vadd.s32 v26, v30;
	_ =	sdelay $0x2  }
0x135: {  	v27 =	vld [tilespmem:$0x1FF00];
	v0 =	vmul.f32 v10, v0;
	_ =	sdelay $0x1  }
0x136: {  	[tilespmem:v31+s13+$0x0] =	vst.idx.msk $0xffff, v0  }
0x137: {  	v0 =	vld.idx.msk [tilespmem:v45+s22+$0x0], $0xffff;
	_ =	sdelay $0x1  }
0x138: {  	v32 =	vadd.s32 v27, v30;
	_ =	sdelay $0x2  }
0x139: {  	v28 =	vld [tilespmem:$0x1FF10];
	v0 =	vmul.f32 v0, v10;
	_ =	sdelay $0x1  }
0x13a: {  	[tilespmem:v32+s13+$0x0] =	vst.idx.msk $0xffff, v0  }
0x13b: {  	v0 =	vld.idx.msk [tilespmem:v43+s22+$0x0], $0xffff;
	_ =	sdelay $0x1  }
0x13c: {  	v33 =	vadd.s32 v28, v30;
	_ =	sdelay $0x2  }
0x13d: {  	v31 =	vld [tilespmem:$0x1FF20];
	v0 =	vmul.f32 v0, v10;
	_ =	sdelay $0x1  }
0x13e: {  	[tilespmem:v33+s13+$0x0] =	vst.idx.msk $0xffff, v0  }
0x13f: {  	v0 =	vld.idx.msk [tilespmem:v46+s22+$0x0], $0xffff;
	_ =	sdelay $0x1  }
0x140: {  	v36 =	vadd.s32 v31, v30;
	_ =	sdelay $0x2  }
0x141: {  	v32 =	vld [tilespmem:$0x1FF30];
	v0 =	vmul.f32 v0, v10;
	_ =	sdelay $0x1  }
0x142: {  	[tilespmem:v36+s13+$0x0] =	vst.idx.msk $0xffff, v0  }
0x143: {  	v0 =	vld.idx.msk [tilespmem:v48+s22+$0x0], $0xffff;
	_ =	sdelay $0x1  }
0x144: {  	v39 =	vadd.s32 v32, v30;
	_ =	sdelay $0x2  }
0x145: {  	v33 =	vld [tilespmem:$0x1FF40];
	v0 =	vmul.f32 v0, v10;
	_ =	sdelay $0x1  }
0x146: {  	[tilespmem:v39+s13+$0x0] =	vst.idx.msk $0xffff, v0  }
0x147: {  	v0 =	vld.idx.msk [tilespmem:v37+s22+$0x0], $0xffff;
	_ =	sdelay $0x1  }
0x148: {  	v43 =	vadd.s32 v33, v30;
	_ =	sdelay $0x2  }
0x149: {  	v36 =	vld [tilespmem:$0x1FF60];
	v0 =	vmul.f32 v0, v10;
	_ =	sdelay $0x1  }
0x14a: {  	[tilespmem:v43+s13+$0x0] =	vst.idx.msk $0xffff, v0  }
0x14b: {  	v0 =	vld.idx.msk [tilespmem:v38+s22+$0x0], $0xffff;
	_ =	sdelay $0x1  }
0x14c: {  	v45 =	vadd.s32 v36, v30;
	_ =	sdelay $0x2  }
0x14d: {  	v46 =	vld [tilespmem:$0x1FE00];
	v0 =	vmul.f32 v0, v10;
	_ =	sdelay $0x1  }
0x14e: {  	[tilespmem:v45+s13+$0x0] =	vst.idx.msk $0xffff, v0  }
0x14f: {  	v0 =	vld.idx.msk [tilespmem:v41+s22+$0x0], $0xffff;
	_ =	sdelay $0x1  }
0x150: {  	v48 =	vadd.s32 v25, v46;
	_ =	sdelay $0x2  }
0x151: {  	v13 =	vld [tilespmem:$0x1FE10];
	v0 =	vmul.f32 v0, v10;
	_ =	sdelay $0x1  }
0x152: {  	[tilespmem:v48+s13+$0x0] =	vst.idx.msk $0xffff, v0  }
0x153: {  	v0 =	vld.idx.msk [tilespmem:v42+s22+$0x0], $0xffff;
	_ =	sdelay $0x1  }
0x154: {  	v30 =	vadd.s32 v26, v13;
	_ =	sdelay $0x2  }
0x155: {  	v37 =	vld [tilespmem:$0x1FE20];
	v0 =	vmul.f32 v0, v10;
	_ =	sdelay $0x1  }
0x156: {  	[tilespmem:v30+s13+$0x0] =	vst.idx.msk $0xffff, v0  }
0x157: {  	v0 =	vld.idx.msk [tilespmem:v44+s22+$0x0], $0xffff;
	_ =	sdelay $0x1  }
0x158: {  	v38 =	vadd.s32 v27, v37;
	_ =	sdelay $0x2  }
0x159: {  	v39 =	vld [tilespmem:$0x1FE30];
	v0 =	vmul.f32 v0, v10;
	_ =	sdelay $0x1  }
0x15a: {  	[tilespmem:v38+s13+$0x0] =	vst.idx.msk $0xffff, v0  }
0x15b: {  	v0 =	vld.idx.msk [tilespmem:v47+s22+$0x0], $0xffff;
	_ =	sdelay $0x1  }
0x15c: {  	v41 =	vadd.s32 v28, v39;
	_ =	sdelay $0x2  }
0x15d: {  	v42 =	vld [tilespmem:$0x1FE40];
	v0 =	vmul.f32 v0, v10;
	_ =	sdelay $0x1  }
0x15e: {  	[tilespmem:v41+s13+$0x0] =	vst.idx.msk $0xffff, v0  }
0x15f: {  	v0 =	vld.idx.msk [tilespmem:v49+s22+$0x0], $0xffff;
	_ =	sdelay $0x1  }
0x160: {  	v43 =	vadd.s32 v31, v42;
	_ =	sdelay $0x2  }
0x161: {  	v44 =	vld [tilespmem:$0x1FE50];
	v0 =	vmul.f32 v0, v10;
	_ =	sdelay $0x1  }
0x162: {  	[tilespmem:v43+s13+$0x0] =	vst.idx.msk $0xffff, v0  }
0x163: {  	v0 =	vld.idx.msk [tilespmem:v50+s22+$0x0], $0xffff;
	_ =	sdelay $0x1  }
0x164: {  	v45 =	vadd.s32 v32, v44;
	_ =	sdelay $0x2  }
0x165: {  	v0 =	vmul.f32 v0, v10;
	_ =	sdelay $0x1  }
0x166: {  	[tilespmem:v45+s13+$0x0] =	vst.idx.msk $0xffff, v0  }
0x167: {  	v0 =	vld.idx.msk [tilespmem:v53+s22+$0x0], $0xffff;
	_ =	sdelay $0x1  }
0x168: {  	v46 =	vadd.s32 v33, v51;
	_ =	sdelay $0x2  }
0x169: {  	v0 =	vmul.f32 v0, v10;
	_ =	sdelay $0x1  }
0x16a: {  	[tilespmem:v46+s13+$0x0] =	vst.idx.msk $0xffff, v0  }
0x16b: {  	v0 =	vld.idx.msk [tilespmem:v55+s22+$0x0], $0xffff;
	_ =	sdelay $0x1  }
0x16c: {  	v47 =	vadd.s32 v36, v52;
	_ =	sdelay $0x2  }
0x16d: {  	v0 =	vmul.f32 v0, v10;
	_ =	sdelay $0x1  }
0x16e: {  	[tilespmem:v47+s13+$0x0] =	vst.idx.msk $0xffff, v0  }
0x16f: {  	v0 =	vld.idx.msk [tilespmem:v57+s22+$0x0], $0xffff;
	_ =	sdelay $0x1  }
0x170: {  	v48 =	vadd.s32 v25, v54;
	_ =	sdelay $0x2  }
0x171: {  	v0 =	vmul.f32 v0, v10;
	_ =	sdelay $0x1  }
0x172: {  	[tilespmem:v48+s13+$0x0] =	vst.idx.msk $0xffff, v0  }
0x173: {  	v0 =	vld.idx.msk [tilespmem:v59+s22+$0x0], $0xffff;
	_ =	sdelay $0x1  }
0x174: {  	v49 =	vadd.s32 v26, v56;
	_ =	sdelay $0x2  }
0x175: {  	v0 =	vmul.f32 v0, v10;
	_ =	sdelay $0x1  }
0x176: {  	[tilespmem:v49+s13+$0x0] =	vst.idx.msk $0xffff, v0  }
0x177: {  	v0 =	vld.idx.msk [tilespmem:v61+s22+$0x0], $0xffff;
	_ =	sdelay $0x1  }
0x178: {  	v50 =	vadd.s32 v27, v58;
	_ =	sdelay $0x2  }
0x179: {  	v0 =	vmul.f32 v0, v10;
	_ =	sdelay $0x1  }
0x17a: {  	[tilespmem:v50+s13+$0x0] =	vst.idx.msk $0xffff, v0  }
0x17b: {  	v0 =	vld.idx.msk [tilespmem:v63+s22+$0x0], $0xffff;
	_ =	sdelay $0x1  }
0x17c: {  	v51 =	vadd.s32 v28, v60;
	_ =	sdelay $0x2  }
0x17d: {  	v0 =	vmul.f32 v0, v10;
	_ =	sdelay $0x1  }
0x17e: {  	[tilespmem:v51+s13+$0x0] =	vst.idx.msk $0xffff, v0  }
0x17f: {  	v0 =	vld.idx.msk [tilespmem:v34+s22+$0x0], $0xffff;
	_ =	sdelay $0x1  }
0x180: {  	v52 =	vadd.s32 v31, v62;
	_ =	sdelay $0x2  }
0x181: {  	v0 =	vmul.f32 v0, v10;
	_ =	sdelay $0x1  }
0x182: {  	[tilespmem:v52+s13+$0x0] =	vst.idx.msk $0xffff, v0  }
0x183: {  	v0 =	vld.idx.msk [tilespmem:v2+s22+$0x0], $0xffff;
	_ =	sdelay $0x1  }
0x184: {  	v53 =	vadd.s32 v32, v35;
	_ =	sdelay $0x2  }
0x185: {  	v0 =	vmul.f32 v0, v10;
	_ =	sdelay $0x1  }
0x186: {  	[tilespmem:v53+s13+$0x0] =	vst.idx.msk $0xffff, v0  }
0x187: {  	v0 =	vld.idx.msk [tilespmem:v4+s22+$0x0], $0xffff;
	_ =	sdelay $0x1  }
0x188: {  	v54 =	vadd.s32 v33, v3;
	_ =	sdelay $0x2  }
0x189: {  	v0 =	vmul.f32 v0, v10;
	_ =	sdelay $0x1  }
0x18a: {  	[tilespmem:v54+s13+$0x0] =	vst.idx.msk $0xffff, v0  }
0x18b: {  	v0 =	vld.idx.msk [tilespmem:v7+s22+$0x0], $0xffff;
	_ =	sdelay $0x1  }
0x18c: {  	v55 =	vadd.s32 v36, v5;
	_ =	sdelay $0x2  }
0x18d: {  	v0 =	vmul.f32 v0, v10;
	_ =	sdelay $0x1  }
0x18e: {  	[tilespmem:v55+s13+$0x0] =	vst.idx.msk $0xffff, v0  }
0x18f: {  	v0 =	vld.idx.msk [tilespmem:v12+s22+$0x0], $0xffff;
	_ =	sdelay $0x1  }
0x190: {  	v56 =	vadd.s32 v25, v6;
	_ =	sdelay $0x2  }
0x191: {  	v0 =	vmul.f32 v0, v10;
	_ =	sdelay $0x1  }
0x192: {  	[tilespmem:v56+s13+$0x0] =	vst.idx.msk $0xffff, v0  }
0x193: {  	v0 =	vld.idx.msk [tilespmem:v11+s22+$0x0], $0xffff;
	_ =	sdelay $0x1  }
0x194: {  	v57 =	vadd.s32 v26, v8;
	_ =	sdelay $0x2  }
0x195: {  	v0 =	vmul.f32 v0, v10;
	_ =	sdelay $0x1  }
0x196: {  	[tilespmem:v57+s13+$0x0] =	vst.idx.msk $0xffff, v0  }
0x197: {  	v0 =	vld.idx.msk [tilespmem:v14+s22+$0x0], $0xffff;
	_ =	sdelay $0x1  }
0x198: {  	v58 =	vadd.s32 v27, v9;
	_ =	sdelay $0x2  }
0x199: {  	v0 =	vmul.f32 v0, v10;
	_ =	sdelay $0x1  }
0x19a: {  	[tilespmem:v58+s13+$0x0] =	vst.idx.msk $0xffff, v0  }
0x19b: {  	v0 =	vld.idx.msk [tilespmem:v16+s22+$0x0], $0xffff;
	_ =	sdelay $0x1  }
0x19c: {  	v59 =	vadd.s32 v28, v17;
	_ =	sdelay $0x2  }
0x19d: {  	v0 =	vmul.f32 v0, v10;
	_ =	sdelay $0x1  }
0x19e: {  	[tilespmem:v59+s13+$0x0] =	vst.idx.msk $0xffff, v0  }
0x19f: {  	v0 =	vld.idx.msk [tilespmem:v19+s22+$0x0], $0xffff;
	_ =	sdelay $0x1  }
0x1a0: {  	v60 =	vadd.s32 v31, v15;
	_ =	sdelay $0x2  }
0x1a1: {  	v0 =	vmul.f32 v0, v10;
	_ =	sdelay $0x1  }
0x1a2: {  	[tilespmem:v60+s13+$0x0] =	vst.idx.msk $0xffff, v0  }
0x1a3: {  	v0 =	vld.idx.msk [tilespmem:v21+s22+$0x0], $0xffff;
	_ =	sdelay $0x1  }
0x1a4: {  	v61 =	vadd.s32 v32, v18;
	_ =	sdelay $0x2  }
0x1a5: {  	v0 =	vmul.f32 v0, v10;
	_ =	sdelay $0x1  }
0x1a6: {  	[tilespmem:v61+s13+$0x0] =	vst.idx.msk $0xffff, v0  }
0x1a7: {  	v0 =	vld.idx.msk [tilespmem:v23+s22+$0x0], $0xffff;
	_ =	sdelay $0x1  }
0x1a8: {  	v62 =	vadd.s32 v33, v20;
	_ =	sdelay $0x2  }
0x1a9: {  	v0 =	vmul.f32 v0, v10;
	_ =	sdelay $0x1  }
0x1aa: {  	[tilespmem:v62+s13+$0x0] =	vst.idx.msk $0xffff, v0  }
0x1ab: {  	v0 =	vld.idx.msk [tilespmem:v24+s22+$0x0], $0xffff;
	_ =	sdelay $0x1  }
0x1ac: {  	p1 =	sne.s32 s12, $0x7F;
	v63 =	vadd.s32 v36, v29  }
.Ltmp1:
0x1ad: {  	_ = 	snop;
	(pc) =	sbr.rel @p1 .LBB2_7-.Ltmp1, $3  }
0x1ae: {  	_ = 	snop  }
0x1af: {  	v0 =	vmul.f32 v0, v10;
	_ =	sdelay $0x1  }
0x1b0: {  	s12 =	sadd.s32 $0x20, s12;
	s24 =	sadd.s32 $0x1, s24;
	[tilespmem:v63+s13+$0x0] =	vst.idx.msk $0xffff, v0  }
.Ltmp2:
0x1b1: {  	(pc) =	sbr.rel @p0 .LBB2_6-.Ltmp2, $2  }
0x1b2: {  	_ =	sdelay $0x2  }
0x1b3: {  	s12 =	simm.s32 $0x10;
	p1 =	por $0x0, $0x0  }
0x1b4: {  	p0 =	sne.s32 s11, s21  }
.Ltmp3:
0x1b5: {  	s3 =	sshll.u32 s3, $0x7;
	(pc) =	sbr.rel @p0 .LBB2_5-.Ltmp3, $4  }
0x1b6: {  	s3 =	sshra.s32 s3, $0x2  }
0x1b7: {  	s3 =	sadd.s32 $0x400, s3  }
0x1b8: {  	[spmem:s2] =	stream.indirect.scatter.add.f32 [tilespmem:s13], [sflag:$0x3], $0x90, s3, s17, $0xb8;
	[tilespmem:$0x1E000] =	vst v63  }
0x1b9: {  	s3 =	smov.u32 s11  }
0x1ba: {  	s30 =	sadd.s32 $0x1, s30  }
0x1bb: {  	p0 =	sne.s32 s30, $0x14  }
.Ltmp4:
0x1bc: {  	_ = 	snop;
	(pc) =	sbr.rel @p0 .LBB2_4-.Ltmp4, $2  }
0x1bd: {  	_ =	sdelay $0x2  }
0x1be: {  	s29 =	sadd.s32 $0xFFFFFFF0, s29  }
0x1bf: {  	s3 =	simm.s32 $0x3  }
0x1c0: {  	_ =	swait.ge [sflag:s3], $0x1200  }
0x1c1: {  	[sflag:s3] =	ssyncset.done $0x0  }
0x1c2: {  	[sflag:s3] =	ssyncadd.s32 $0xFFFFEE00  }
0x1c3: {  	[bflag:$0x0] =	sbarrier.arrive $0xFFFF  }
0x1c4: {  	s6 =	rddreg [dreg:$0x6]  }
0x1c5: {  	[tilespmem:s13], [sflag:$0x4] =	stream.linear.gather [spmem:s6], $0x1200, $0x38;
	[tilespmem:$0x1E000] =	vst v63  }
0x1c6: {  	_ =	swait.ge [sflag:s14], $0x1200  }
0x1c7: {  	[sflag:s14] =	ssyncset.done $0x0  }
0x1c8: {  	s31 =	sadd.s32 $0x0, s25;
	[sflag:s14] =	ssyncadd.s32 $0xFFFFEE00  }
0x1c9: {  	[hbm4b:s31+s4] =	stream.linear.scatter [tilespmem:s13], [sflag:$0x4], $0x1200, $0x38;
	[tilespmem:$0x1E000] =	vst v63  }
0x1ca: {  	_ =	swait.ge [sflag:s14], $0x1200  }
0x1cb: {  	s3 =	simm.s32 $0x240;
	s11 =	smov.u32 s6;
	[sflag:s14] =	ssyncset.done $0x0  }
.LBB2_12:
0x1cc: {  	p0 =	sne.s32 s3, $0x2AC0;
	[sflag:s14] =	ssyncadd.s32 $0xFFFFEE00;
	s11 =	sadd.s32 $0x1200, s11  }
0x1cd: {  	[tilespmem:s13], [sflag:$0x4] =	stream.linear.gather [spmem:s11], $0x1200, $0x38;
	[tilespmem:$0x1E000] =	vst v63  }
0x1ce: {  	s5 =	smov.u32 s3;
	s3 =	sadd.s32 $0x240, s3;
	_ =	swait.ge [sflag:s14], $0x1200  }
.Ltmp5:
0x1cf: {  	[sflag:s14] =	ssyncset.done $0x0;
	(pc) =	sbr.rel @p0 .LBB2_12-.Ltmp5, $4  }
0x1d0: {  	s5 =	sadd.s32 s5, s25;
	[sflag:s14] =	ssyncadd.s32 $0xFFFFEE00  }
0x1d1: {  	[hbm4b:s5+s4] =	stream.linear.scatter [tilespmem:s13], [sflag:$0x4], $0x1200, $0x38;
	[tilespmem:$0x1E000] =	vst v63  }
0x1d2: {  	_ =	swait.ge [sflag:s14], $0x1200  }
0x1d3: {  	[sflag:s14] =	ssyncset.done $0x0  }
0x1d4: {  	s5 =	rddreg [dreg:$0x1b]  }
0x1d5: {  	s3 =	rddreg [dreg:$0x11];
	s5 =	sadd.s32 $0x1, s5  }
0x1d6: {  	p0 =	sne.s32 s5, s3  }
.Ltmp6:
0x1d7: {  	_ = 	snop;
	(pc) =	sbr.rel @p0 .LBB2_1-.Ltmp6, $2  }
0x1d8: {  	_ =	sdelay $0x2  }
0x1d9: {  	[sflag:s14] =	ssyncadd.s32 $0xFFFFEE00;
	v2 =	vimm.f32 $0.0e+00  }
0x1da: {  	_ =	sfence.sel $0x180000  }
0x1db: {  	[bflag:$0x0] =	sbarrier.arrive $0xFFFF  }
0x1dc: {  	_ =	strace $0x90000047  }
0x1dd: {  	s0 =	stileid.u32;
	[bflag:$0x2] =	sbarrier.arrive $0xFFFF  }
0x1de: {  	p0 =	sne.s32 s0, $0x0;
	s0 =	rddreg [dreg:$0x3]  }
0x1df: {  	s0 =	sadd.s32 @!p0 $0x100000, s0  }
0x1e0: {  	[sflag:s0] =	ssyncadd.tile.s32 @!p0 $0x1;
	_ =	shalt  }
.Lfunc_end2:
_tile_overlayer_lowered:
.L_overlay_start_2:
0x1e1: {  	(tag) =	ssettag $0x2  }
0x1e2: {  	s0 =	rddreg [dreg:$0x0];
	s2 =	stileid.u32  }
0x1e3: {  	s1 =	rddreg [dreg:$0x1];
	p0 =	sne.s32 s2, $0x0  }
0x1e4: {  	s3 =	rddreg [dreg:$0x2];
	[bflag:$0x3] =	sbarrier.arrive $0xFFFF;
	s2 =	simm.s32 @!p0 $0x1C04  }
0x1e5: {  	[timem:s3], [sflag:s2] =	dma.local @!p0 [hbm:s0], s1  }
0x1e6: {  	s0 =	simm.s32 @!p0 $0x4  }
0x1e7: {  	_ =	swait.ge @!p0 [sflag:s0], s1  }
0x1e8: {  	s1 =	ssub.s32 @!p0 $0x0, s1;
	[sflag:s0] =	ssyncset.done @!p0 $0x0  }
0x1e9: {  	[sflag:s0] =	ssyncadd.s32 @!p0 s1  }
0x1ea: {  	[bflag:$0x3] =	sbarrier.arrive $0xFFFF  }
0x1eb: {  	_ =	shalt  }

</sc_bundles>
